<compile_context>
chip_gen: v7x
topology: tpu7x:2x2x1
jax: 0.10.2.dev20260603
libtpu: 0.0.44.dev20260713+nightly
codegen_flags: <defaults>
</compile_context>

<pallas_src>
import functools

import jax
import jax.numpy as jnp
from jax import lax
from jax.experimental import pallas as pl
from jax.experimental.pallas import tpu as pltpu
from jax.experimental.pallas import tpu_sc as plsc

N = 10000
N2 = 10240
E = 320000
D = 128
EPS = 1e-5
NC = 2
NS = 16
NW = NC * NS
E2 = 320000
EPW = E2 // NW
CH = 80
NCHUNK = EPW // CH
NBUF = 4
RPT = N2 // NS
RPT2 = N2 // NS


def _sc_mesh():
    return plsc.VectorSubcoreMesh(core_axis_name="c", subcore_axis_name="s")


def _deg_call(col, zeros_n1, ones_ch):
    dw = ones_ch.shape[1]
    @functools.partial(
        pl.kernel,
        out_type=jax.ShapeDtypeStruct((NC, N2, dw), jnp.float32),
        mesh=_sc_mesh(),
        scratch_types=(
            [pltpu.VMEM((CH,), jnp.int32) for _ in range(NBUF)]
            + [pltpu.VMEM((CH, dw), jnp.float32),
               pltpu.VMEM_SHARED((N2, dw), jnp.float32)]
            + [pltpu.SemaphoreType.DMA for _ in range(NBUF)]
        ),
    )
    def deg_kernel(col_hbm, zeros_hbm, ones_hbm, out_hbm, *refs):
        cidx = refs[0:NBUF]
        ones_v = refs[NBUF]
        deg_sh = refs[NBUF + 1]
        ssem = refs[NBUF + 2:NBUF + 2 + NBUF]
        c = lax.axis_index("c")
        s = lax.axis_index("s")
        wid = s * NC + c
        base = wid * EPW
        pltpu.sync_copy(ones_hbm, ones_v)
        pltpu.sync_copy(zeros_hbm.at[pl.ds(RPT2 * s, RPT2)],
                        deg_sh.at[pl.ds(RPT2 * s, RPT2)])
        plsc.subcore_barrier()

        def fetch(g, b):
            eb = pl.multiple_of(base + g * CH, 8)
            pltpu.sync_copy(col_hbm.at[pl.ds(eb, CH)], cidx[b])

        def sstart(b):
            pltpu.async_copy(ones_v, deg_sh.at[cidx[b]], ssem[b], add=True)

        def swait(b):
            pltpu.make_async_copy(ones_v, deg_sh.at[cidx[b]], ssem[b]).wait()

        for b in range(NBUF - 1):
            fetch(b, b)

        def body(k, carry):
            g0 = NBUF * k
            for j in range(NBUF):
                g = g0 + j
                sstart(j)
                tgt = (j + NBUF - 1) % NBUF
                if j == 0:
                    @pl.when(k == 0)
                    def _():
                        fetch(NBUF - 1, tgt)

                    @pl.when(k >= 1)
                    def _():
                        swait(tgt)
                        fetch(g + NBUF - 1, tgt)
                else:
                    @pl.when(g + NBUF - 1 < NCHUNK)
                    def _():
                        swait(tgt)
                        fetch(g + NBUF - 1, tgt)
            return carry

        lax.fori_loop(0, NCHUNK // NBUF, body, 0)
        for t in range(NCHUNK % NBUF):
            g = (NCHUNK // NBUF) * NBUF + t
            sstart(g % NBUF)
        for g in range(NCHUNK - NBUF, NCHUNK):
            swait(g % NBUF)
        plsc.subcore_barrier()
        pltpu.sync_copy(deg_sh.at[pl.ds(RPT2 * s, RPT2)],
                        out_hbm.at[c, pl.ds(RPT2 * s, RPT2)])

    return deg_kernel(col, zeros_n1, ones_ch)


def _edge_call(hp, row, col, zeros_nd):
    @functools.partial(
        pl.kernel,
        out_type=jax.ShapeDtypeStruct((NC, N2, D), jnp.float32),
        mesh=_sc_mesh(),
        scratch_types=(
            [pltpu.VMEM((CH,), jnp.int32) for _ in range(NBUF)]
            + [pltpu.VMEM((CH,), jnp.int32) for _ in range(NBUF)]
            + [pltpu.VMEM((CH, D), jnp.float32) for _ in range(NBUF)]
            + [pltpu.VMEM_SHARED((N2, D), jnp.float32)]
            + [pltpu.SemaphoreType.DMA for _ in range(2 * NBUF)]
        ),
    )
    def edge_kernel(hp_hbm, row_hbm, col_hbm, zeros_hbm, out_hbm, *refs):
        ridx = refs[0:NBUF]
        cidx = refs[NBUF:2 * NBUF]
        rows = refs[2 * NBUF:3 * NBUF]
        acc_sh = refs[3 * NBUF]
        gsem = refs[3 * NBUF + 1:3 * NBUF + 1 + NBUF]
        ssem = refs[3 * NBUF + 1 + NBUF:3 * NBUF + 1 + 2 * NBUF]
        c = lax.axis_index("c")
        s = lax.axis_index("s")
        wid = s * NC + c
        base = wid * EPW
        pltpu.sync_copy(zeros_hbm.at[pl.ds(RPT * s, RPT)],
                        acc_sh.at[pl.ds(RPT * s, RPT)])
        plsc.subcore_barrier()

        def fetch(g, b):
            eb = pl.multiple_of(base + g * CH, 8)
            pltpu.sync_copy(row_hbm.at[pl.ds(eb, CH)], ridx[b])
            pltpu.sync_copy(col_hbm.at[pl.ds(eb, CH)], cidx[b])
            pltpu.async_copy(hp_hbm.at[ridx[b]], rows[b], gsem[b])

        def gwait(b):
            pltpu.make_async_copy(hp_hbm.at[ridx[b]], rows[b], gsem[b]).wait()

        def sstart(b):
            pltpu.async_copy(rows[b], acc_sh.at[cidx[b]], ssem[b], add=True)

        def swait(b):
            pltpu.make_async_copy(rows[b], acc_sh.at[cidx[b]], ssem[b]).wait()

        for b in range(NBUF - 1):
            fetch(b, b)

        def body(k, carry):
            g0 = NBUF * k
            for j in range(NBUF):
                g = g0 + j
                gwait(j)
                sstart(j)
                tgt = (j + NBUF - 1) % NBUF
                if j == 0:
                    @pl.when(k == 0)
                    def _():
                        fetch(NBUF - 1, tgt)

                    @pl.when(k >= 1)
                    def _():
                        swait(tgt)
                        fetch(g + NBUF - 1, tgt)
                else:
                    @pl.when(g + NBUF - 1 < NCHUNK)
                    def _():
                        swait(tgt)
                        fetch(g + NBUF - 1, tgt)
            return carry

        lax.fori_loop(0, NCHUNK // NBUF, body, 0)
        for t in range(NCHUNK % NBUF):
            g = (NCHUNK // NBUF) * NBUF + t
            gwait(g % NBUF)
            sstart(g % NBUF)
        for g in range(NCHUNK - NBUF, NCHUNK):
            swait(g % NBUF)
        plsc.subcore_barrier()
        pltpu.sync_copy(acc_sh.at[pl.ds(RPT * s, RPT)],
                        out_hbm.at[c, pl.ds(RPT * s, RPT)])

    return edge_kernel(hp, row, col, zeros_nd)


def _dis_from(degp_ref):
    deg = (degp_ref[0] + degp_ref[1])[:N, 0:1]
    return jnp.where(deg > 0.0, lax.rsqrt(deg), 0.0)


def _bn(y, g_ref, b_ref):
    mean = jnp.mean(y, axis=0, keepdims=True)
    var = jnp.mean((y - mean) ** 2, axis=0, keepdims=True)
    return (y - mean) * lax.rsqrt(var + EPS) * g_ref[...][None, :] + b_ref[...][None, :]


def _mm2_body(h_ref, wg_ref, wl_ref, g_ref, l_ref):
    h = h_ref[...]
    g_ref[...] = jnp.dot(h, wg_ref[...], preferred_element_type=jnp.float32)
    l_ref[...] = jnp.dot(h, wl_ref[...], preferred_element_type=jnp.float32)


def _mm2_call(h, wg, wl):
    return pl.pallas_call(
        _mm2_body,
        out_shape=(jax.ShapeDtypeStruct((N, D), jnp.float32),
                   jax.ShapeDtypeStruct((N, D), jnp.float32)),
    )(h, wg, wl)


def _scale_body(g0_ref, degp_ref, hp_ref, dis_ref):
    dis = _dis_from(degp_ref)
    hp_ref[...] = g0_ref[...] * dis
    dis_ref[...] = dis


def _scale_call(g0, degp):
    return pl.pallas_call(
        _scale_body,
        out_shape=(jax.ShapeDtypeStruct((N, D), jnp.float32),
                   jax.ShapeDtypeStruct((N, 1), jnp.float32)),
    )(g0, degp)


def _mida_body(l0_ref, acc_ref, dis_ref, g_ref, b_ref, wg_ref,
               h1_ref, hp1_ref):
    dis = dis_ref[...]
    y = l0_ref[...] + dis * (acc_ref[0] + acc_ref[1])[:N]
    h = jnp.maximum(_bn(y, g_ref, b_ref), 0.0)
    h1_ref[...] = h
    hp1_ref[...] = jnp.dot(h, wg_ref[...], preferred_element_type=jnp.float32) * dis


def _mida_call(l0, acc, dis, gamma, beta, wg):
    return pl.pallas_call(
        _mida_body,
        out_shape=(jax.ShapeDtypeStruct((N, D), jnp.float32),
                   jax.ShapeDtypeStruct((N, D), jnp.float32)),
    )(l0, acc, dis, gamma, beta, wg)


def _midb_body(h1_ref, wl_ref, l1_ref):
    l1_ref[...] = jnp.dot(h1_ref[...], wl_ref[...],
                          preferred_element_type=jnp.float32)


def _midb_call(h1, wl):
    return pl.pallas_call(
        _midb_body,
        out_shape=jax.ShapeDtypeStruct((N, D), jnp.float32),
    )(h1, wl)


def _fin_body(l1_ref, acc_ref, dis_ref, g_ref, b_ref, out_ref):
    dis = dis_ref[...]
    y = l1_ref[...] + dis * (acc_ref[0] + acc_ref[1])[:N]
    out_ref[...] = _bn(y, g_ref, b_ref)


def _fin_call(l1, acc, dis, gamma, beta):
    return pl.pallas_call(
        _fin_body,
        out_shape=jax.ShapeDtypeStruct((N, D), jnp.float32),
    )(l1, acc, dis, gamma, beta)


def kernel(x, edge_index, W_lin0, W_gcn0, gamma0, beta0,
           W_lin1, W_gcn1, gamma1, beta1):
    row = edge_index[0]
    col = edge_index[1]
    zeros_nd = jnp.zeros((N2, D), jnp.float32)
    zeros_n1 = jnp.zeros((N2, 128), jnp.float32)
    ones_ch = jnp.ones((CH, 128), jnp.float32)

    degp = _deg_call(col, zeros_n1, ones_ch)
    g0, l0 = _mm2_call(x, W_gcn0, W_lin0)
    hp0, dis = _scale_call(g0, degp)
    acc0 = _edge_call(hp0, row, col, zeros_nd)
    h1, hp1 = _mida_call(l0, acc0, dis, gamma0, beta0, W_gcn1)
    acc1 = _edge_call(hp1, row, col, zeros_nd)
    l1 = _midb_call(h1, W_lin1)
    return _fin_call(l1, acc1, dis, gamma1, beta1)

# --- scband reference (transcript-rebuilt; emitter-appended) ---
"""Pipeline reference for scband-di-gcn-62577673503439 (READ-ONLY COPY).

The authoritative reference and input builder live on the scoring server;
editing this copy changes nothing except your own understanding.
"""

import jax, jax.numpy as jnp
import numpy as np

N = 10000
E = 320000
D = 128
DEPTH = 2
EPS = 1e-5


def setup_inputs(seed: int = 0) -> dict:
    key = jax.random.key(seed)
    ks = jax.random.split(key, 16)
    x = jax.random.normal(ks[0], (N, D), dtype=jnp.float32)
    edge_index = jax.random.randint(ks[1], (2, E), 0, N, dtype=jnp.int32)
    scale = 1.0 / np.sqrt(D)
    inp = {"x": x, "edge_index": edge_index}
    for l in range(DEPTH):
        inp[f"W_lin{l}"] = jax.random.normal(ks[2 + 4 * l], (D, D), dtype=jnp.float32) * scale
        inp[f"W_gcn{l}"] = jax.random.normal(ks[3 + 4 * l], (D, D), dtype=jnp.float32) * scale
        inp[f"gamma{l}"] = jnp.ones((D,), dtype=jnp.float32)
        inp[f"beta{l}"] = jnp.zeros((D,), dtype=jnp.float32)
    return inp


def _gcn_layer(x, W_lin, W_gcn, edge_index):
    row = edge_index[0]
    col = edge_index[1]
    ew = jnp.ones((edge_index.shape[1],), dtype=jnp.float32)
    deg = jnp.zeros((x.shape[0],), dtype=jnp.float32).at[col].add(ew)
    deg_inv_sqrt = jnp.where(deg > 0, 1.0 / jnp.sqrt(jnp.where(deg > 0, deg, 1.0)), 0.0)
    norm = deg_inv_sqrt[row] * ew * deg_inv_sqrt[col]
    h = x @ W_gcn
    msg = jnp.take(h, row, axis=0) * norm[:, None]
    hr = jnp.zeros_like(h).at[col].add(msg)
    hl = x @ W_lin
    return hl + hr


def _batchnorm(x, gamma, beta):
    mean = jnp.mean(x, axis=0)
    var = jnp.var(x, axis=0)
    return (x - mean) / jnp.sqrt(var + EPS) * gamma + beta


def reference(x, edge_index, W_lin0, W_gcn0, gamma0, beta0, W_lin1, W_gcn1, gamma1, beta1):
    params = [(W_lin0, W_gcn0, gamma0, beta0), (W_lin1, W_gcn1, gamma1, beta1)]
    h = x
    for idx in range(DEPTH):
        W_lin, W_gcn, gamma, beta = params[idx]
        h = _gcn_layer(h, W_lin, W_gcn, edge_index)
        h = _batchnorm(h, gamma, beta)
        if idx != DEPTH - 1:
            h = jax.nn.relu(h)
    return h

if __name__ == "__main__":
    import jax
    _d = setup_inputs()
    print(jax.jit(kernel)(*tuple(_d.values())))

</pallas_src>

<mosaic_0001>
#map = affine_map<(d0, d1) -> (0)>
#map1 = affine_map<(d0, d1) -> (0, 0)>
#map2 = affine_map<(d0, d1) -> (0, 0, 0)>
module attributes {stable_mosaic.version = 14 : i64} {
  func.func @deg_kernel(%arg0: i32, %arg1: i32, %arg2: memref<320000xi32, #tpu.memory_space<hbm>>, %arg3: memref<10240x128xf32, #tpu.memory_space<hbm>>, %arg4: memref<80x128xf32, #tpu.memory_space<hbm>>, %arg5: memref<2x10240x128xf32, #tpu.memory_space<hbm>>, %arg6: memref<80xi32, #tpu.memory_space<vmem>>, %arg7: memref<80xi32, #tpu.memory_space<vmem>>, %arg8: memref<80xi32, #tpu.memory_space<vmem>>, %arg9: memref<80xi32, #tpu.memory_space<vmem>>, %arg10: memref<80x128xf32, #tpu.memory_space<vmem>>, %arg11: memref<10240x128xf32, #tpu.memory_space<vmem_shared>>, %arg12: memref<!tpu.dma_semaphore, #tpu.memory_space<semaphore_mem>>, %arg13: memref<!tpu.dma_semaphore, #tpu.memory_space<semaphore_mem>>, %arg14: memref<!tpu.dma_semaphore, #tpu.memory_space<semaphore_mem>>, %arg15: memref<!tpu.dma_semaphore, #tpu.memory_space<semaphore_mem>>) attributes {dimension_semantics = [#tpu.dimension_semantics<core_parallel>, #tpu.dimension_semantics<subcore_parallel>], iteration_bounds = array<i64: 2, 16>, scalar_prefetch = 0 : i64, scratch_operands = 10 : i64, tpu.core_type = #tpu.core_type<sc_vector_subcore>, window_params = [{transform_indices = #map}, {transform_indices = #map1}, {transform_indices = #map1}, {transform_indices = #map2}]} {
    %mul3A = arith.constant 2 : i32
    %mul3A_0 = arith.muli %arg1, %mul3A : i32
    %add3A = arith.addi %mul3A_0, %arg0 : i32
    %mul3A_1 = arith.constant 10000 : i32
    %mul3A_2 = arith.muli %add3A, %mul3A_1 : i32
    "tpu.region"() ({
      %run_scoped3A = tpu.sem_alloc : memref<!tpu.dma_semaphore, #tpu.memory_space<semaphore_mem>>
      tpu.enqueue_dma source(%arg4 : memref<80x128xf32, #tpu.memory_space<hbm>>) target(%arg10 : memref<80x128xf32, #tpu.memory_space<vmem>>) target_semaphore(%run_scoped3A : memref<!tpu.dma_semaphore, #tpu.memory_space<semaphore_mem>>)
      tpu.wait_dma2 semaphore(%run_scoped3A : memref<!tpu.dma_semaphore, #tpu.memory_space<semaphore_mem>>) src(%arg4 : memref<80x128xf32, #tpu.memory_space<hbm>>) dst(%arg10 : memref<80x128xf32, #tpu.memory_space<vmem>>)
      tpu.yield
    }) : () -> ()
    %mul3A_3 = arith.constant 640 : i32
    %mul3A_4 = arith.muli %mul3A_3, %arg1 : i32
    %mul3A_5 = arith.constant 640 : i32
    %mul3A_6 = arith.muli %mul3A_5, %arg1 : i32
    "tpu.region"() ({
      %run_scoped3A = tpu.sem_alloc : memref<!tpu.dma_semaphore, #tpu.memory_space<semaphore_mem>>
      %dma_start3A_38 = arith.constant 0 : i32
      %dma_start3A_39 = tpu.memref_slice %arg11[%mul3A_6, %dma_start3A_38] : memref<10240x128xf32, #tpu.memory_space<vmem_shared>> -> memref<640x128xf32, #tpu.memory_space<vmem_shared>>
      %dma_start3A_40 = arith.constant 0 : i32
      %dma_start3A_41 = tpu.memref_slice %arg3[%mul3A_4, %dma_start3A_40] : memref<10240x128xf32, #tpu.memory_space<hbm>> -> memref<640x128xf32, #tpu.memory_space<hbm>>
      tpu.enqueue_dma source(%dma_start3A_41 : memref<640x128xf32, #tpu.memory_space<hbm>>) target(%dma_start3A_39 : memref<640x128xf32, #tpu.memory_space<vmem_shared>>) target_semaphore(%run_scoped3A : memref<!tpu.dma_semaphore, #tpu.memory_space<semaphore_mem>>)
      %dma_wait3A_42 = arith.constant 0 : i32
      %dma_wait3A_43 = tpu.memref_slice %arg11[%mul3A_6, %dma_wait3A_42] : memref<10240x128xf32, #tpu.memory_space<vmem_shared>> -> memref<640x128xf32, #tpu.memory_space<vmem_shared>>
      %dma_wait3A_44 = arith.constant 0 : i32
      %dma_wait3A_45 = tpu.memref_slice %arg3[%mul3A_4, %dma_wait3A_44] : memref<10240x128xf32, #tpu.memory_space<hbm>> -> memref<640x128xf32, #tpu.memory_space<hbm>>
      tpu.wait_dma2 semaphore(%run_scoped3A : memref<!tpu.dma_semaphore, #tpu.memory_space<semaphore_mem>>) src(%dma_wait3A_45 : memref<640x128xf32, #tpu.memory_space<hbm>>) dst(%dma_wait3A_43 : memref<640x128xf32, #tpu.memory_space<vmem_shared>>)
      tpu.yield
    }) : () -> ()
    %barrier3A = arith.constant 0 : index
    tpu.barrier barrier_id(%barrier3A)
    %add3A_7 = arith.constant 0 : i32
    %add3A_8 = arith.addi %mul3A_2, %add3A_7 : i32
    %multiple_of3A = tpu.assume_multiple %add3A_8, 8 : i32
    "tpu.region"() ({
      %run_scoped3A = tpu.sem_alloc : memref<!tpu.dma_semaphore, #tpu.memory_space<semaphore_mem>>
      %dma_start3A_38 = tpu.memref_slice %arg2[%multiple_of3A] : memref<320000xi32, #tpu.memory_space<hbm>> -> memref<80xi32, #tpu.memory_space<hbm>>
      %dma_start3A_39 = tpu.memref_slice %arg2[%multiple_of3A] : memref<320000xi32, #tpu.memory_space<hbm>> -> memref<80xi32, #tpu.memory_space<hbm>>
      tpu.enqueue_dma source(%dma_start3A_39 : memref<80xi32, #tpu.memory_space<hbm>>) target(%arg6 : memref<80xi32, #tpu.memory_space<vmem>>) target_semaphore(%run_scoped3A : memref<!tpu.dma_semaphore, #tpu.memory_space<semaphore_mem>>)
      %dma_wait3A_40 = tpu.memref_slice %arg2[%multiple_of3A] : memref<320000xi32, #tpu.memory_space<hbm>> -> memref<80xi32, #tpu.memory_space<hbm>>
      %dma_wait3A_41 = tpu.memref_slice %arg2[%multiple_of3A] : memref<320000xi32, #tpu.memory_space<hbm>> -> memref<80xi32, #tpu.memory_space<hbm>>
      tpu.wait_dma2 semaphore(%run_scoped3A : memref<!tpu.dma_semaphore, #tpu.memory_space<semaphore_mem>>) src(%dma_wait3A_41 : memref<80xi32, #tpu.memory_space<hbm>>) dst(%arg6 : memref<80xi32, #tpu.memory_space<vmem>>)
      tpu.yield
    }) : () -> ()
    %add3A_9 = arith.constant 80 : i32
    %add3A_10 = arith.addi %mul3A_2, %add3A_9 : i32
    %multiple_of3A_11 = tpu.assume_multiple %add3A_10, 8 : i32
    "tpu.region"() ({
      %run_scoped3A = tpu.sem_alloc : memref<!tpu.dma_semaphore, #tpu.memory_space<semaphore_mem>>
      %dma_start3A_38 = tpu.memref_slice %arg2[%multiple_of3A_11] : memref<320000xi32, #tpu.memory_space<hbm>> -> memref<80xi32, #tpu.memory_space<hbm>>
      %dma_start3A_39 = tpu.memref_slice %arg2[%multiple_of3A_11] : memref<320000xi32, #tpu.memory_space<hbm>> -> memref<80xi32, #tpu.memory_space<hbm>>
      tpu.enqueue_dma source(%dma_start3A_39 : memref<80xi32, #tpu.memory_space<hbm>>) target(%arg7 : memref<80xi32, #tpu.memory_space<vmem>>) target_semaphore(%run_scoped3A : memref<!tpu.dma_semaphore, #tpu.memory_space<semaphore_mem>>)
      %dma_wait3A_40 = tpu.memref_slice %arg2[%multiple_of3A_11] : memref<320000xi32, #tpu.memory_space<hbm>> -> memref<80xi32, #tpu.memory_space<hbm>>
      %dma_wait3A_41 = tpu.memref_slice %arg2[%multiple_of3A_11] : memref<320000xi32, #tpu.memory_space<hbm>> -> memref<80xi32, #tpu.memory_space<hbm>>
      tpu.wait_dma2 semaphore(%run_scoped3A : memref<!tpu.dma_semaphore, #tpu.memory_space<semaphore_mem>>) src(%dma_wait3A_41 : memref<80xi32, #tpu.memory_space<hbm>>) dst(%arg7 : memref<80xi32, #tpu.memory_space<vmem>>)
      tpu.yield
    }) : () -> ()
    %add3A_12 = arith.constant 160 : i32
    %add3A_13 = arith.addi %mul3A_2, %add3A_12 : i32
    %multiple_of3A_14 = tpu.assume_multiple %add3A_13, 8 : i32
    "tpu.region"() ({
      %run_scoped3A = tpu.sem_alloc : memref<!tpu.dma_semaphore, #tpu.memory_space<semaphore_mem>>
      %dma_start3A_38 = tpu.memref_slice %arg2[%multiple_of3A_14] : memref<320000xi32, #tpu.memory_space<hbm>> -> memref<80xi32, #tpu.memory_space<hbm>>
      %dma_start3A_39 = tpu.memref_slice %arg2[%multiple_of3A_14] : memref<320000xi32, #tpu.memory_space<hbm>> -> memref<80xi32, #tpu.memory_space<hbm>>
      tpu.enqueue_dma source(%dma_start3A_39 : memref<80xi32, #tpu.memory_space<hbm>>) target(%arg8 : memref<80xi32, #tpu.memory_space<vmem>>) target_semaphore(%run_scoped3A : memref<!tpu.dma_semaphore, #tpu.memory_space<semaphore_mem>>)
      %dma_wait3A_40 = tpu.memref_slice %arg2[%multiple_of3A_14] : memref<320000xi32, #tpu.memory_space<hbm>> -> memref<80xi32, #tpu.memory_space<hbm>>
      %dma_wait3A_41 = tpu.memref_slice %arg2[%multiple_of3A_14] : memref<320000xi32, #tpu.memory_space<hbm>> -> memref<80xi32, #tpu.memory_space<hbm>>
      tpu.wait_dma2 semaphore(%run_scoped3A : memref<!tpu.dma_semaphore, #tpu.memory_space<semaphore_mem>>) src(%dma_wait3A_41 : memref<80xi32, #tpu.memory_space<hbm>>) dst(%arg8 : memref<80xi32, #tpu.memory_space<vmem>>)
      tpu.yield
    }) : () -> ()
    %scan3A = arith.constant 0 : i32
    %scan3A_15 = arith.constant 0 : i32
    %scan3A_16 = arith.constant 31 : i32
    %scan3A_17 = arith.addi %scan3A_15, %scan3A_16 : i32
    %scan3A_18 = arith.constant 1 : i32
    scf.for %scan3A_38 = %scan3A_15 to %scan3A_17 step %scan3A_18  : i32 {
      %mul3A_39 = arith.constant 4 : i32
      %mul3A_40 = arith.muli %mul3A_39, %scan3A_38 : i32
      %add3A_41 = arith.constant 0 : i32
      %add3A_42 = arith.addi %mul3A_40, %add3A_41 : i32
      %dma_start3A_43 = arith.constant 0 : i32
      %dma_start3A_44 = arith.constant 0 : i32
      %dma_start3A_45 = tpu.memref_slice %arg11[%dma_start3A_43, %dma_start3A_44] : memref<10240x128xf32, #tpu.memory_space<vmem_shared>> -> memref<10240x128xf32, #tpu.memory_space<vmem_shared>>
      tpu.enqueue_indirect_dma source(%arg10 : memref<80x128xf32, #tpu.memory_space<vmem>>) target(%dma_start3A_45 : memref<10240x128xf32, #tpu.memory_space<vmem_shared>>) offsets(%arg6 : memref<80xi32, #tpu.memory_space<vmem>>) semaphore(%arg12 : memref<!tpu.dma_semaphore, #tpu.memory_space<semaphore_mem>>) {add = true}
      %eq3A = arith.constant 0 : i32
      %eq3A_46 = arith.cmpi eq, %scan3A_38, %eq3A : i32
      %convert_element_type3A = arith.extui %eq3A_46 : i1 to i32
      %cond3A = arith.constant 0 : i32
      %cond3A_47 = arith.cmpi ne, %convert_element_type3A, %cond3A : i32
      scf.if %cond3A_47 {
        %add3A_92 = arith.constant 240 : i32
        %add3A_93 = arith.addi %mul3A_2, %add3A_92 : i32
        %multiple_of3A_94 = tpu.assume_multiple %add3A_93, 8 : i32
        "tpu.region"() ({
          %run_scoped3A = tpu.sem_alloc : memref<!tpu.dma_semaphore, #tpu.memory_space<semaphore_mem>>
          %dma_start3A_95 = tpu.memref_slice %arg2[%multiple_of3A_94] : memref<320000xi32, #tpu.memory_space<hbm>> -> memref<80xi32, #tpu.memory_space<hbm>>
          %dma_start3A_96 = tpu.memref_slice %arg2[%multiple_of3A_94] : memref<320000xi32, #tpu.memory_space<hbm>> -> memref<80xi32, #tpu.memory_space<hbm>>
          tpu.enqueue_dma source(%dma_start3A_96 : memref<80xi32, #tpu.memory_space<hbm>>) target(%arg9 : memref<80xi32, #tpu.memory_space<vmem>>) target_semaphore(%run_scoped3A : memref<!tpu.dma_semaphore, #tpu.memory_space<semaphore_mem>>)
          %dma_wait3A_97 = tpu.memref_slice %arg2[%multiple_of3A_94] : memref<320000xi32, #tpu.memory_space<hbm>> -> memref<80xi32, #tpu.memory_space<hbm>>
          %dma_wait3A_98 = tpu.memref_slice %arg2[%multiple_of3A_94] : memref<320000xi32, #tpu.memory_space<hbm>> -> memref<80xi32, #tpu.memory_space<hbm>>
          tpu.wait_dma2 semaphore(%run_scoped3A : memref<!tpu.dma_semaphore, #tpu.memory_space<semaphore_mem>>) src(%dma_wait3A_98 : memref<80xi32, #tpu.memory_space<hbm>>) dst(%arg9 : memref<80xi32, #tpu.memory_space<vmem>>)
          tpu.yield
        }) : () -> ()
      } else {
      }
      %ge3A = arith.constant 1 : i32
      %ge3A_48 = arith.cmpi sge, %scan3A_38, %ge3A : i32
      %convert_element_type3A_49 = arith.extui %ge3A_48 : i1 to i32
      %cond3A_50 = arith.constant 0 : i32
      %cond3A_51 = arith.cmpi ne, %convert_element_type3A_49, %cond3A_50 : i32
      scf.if %cond3A_51 {
        %dma_wait3A_92 = arith.constant 0 : i32
        %dma_wait3A_93 = arith.constant 0 : i32
        %dma_wait3A_94 = tpu.memref_slice %arg11[%dma_wait3A_92, %dma_wait3A_93] : memref<10240x128xf32, #tpu.memory_space<vmem_shared>> -> memref<10240x128xf32, #tpu.memory_space<vmem_shared>>
        tpu.wait_indirect_dma semaphore(%arg15 : memref<!tpu.dma_semaphore, #tpu.memory_space<semaphore_mem>>) src(%arg10 : memref<80x128xf32, #tpu.memory_space<vmem>>) dst(%dma_wait3A_94 : memref<10240x128xf32, #tpu.memory_space<vmem_shared>>)
        %add3A_95 = arith.constant 4 : i32
        %add3A_96 = arith.addi %add3A_42, %add3A_95 : i32
        %sub3A_97 = arith.constant 1 : i32
        %sub3A_98 = arith.subi %add3A_96, %sub3A_97 : i32
        %mul3A_99 = arith.constant 80 : i32
        %mul3A_100 = arith.muli %sub3A_98, %mul3A_99 : i32
        %add3A_101 = arith.addi %mul3A_2, %mul3A_100 : i32
        %multiple_of3A_102 = tpu.assume_multiple %add3A_101, 8 : i32
        "tpu.region"() ({
          %run_scoped3A = tpu.sem_alloc : memref<!tpu.dma_semaphore, #tpu.memory_space<semaphore_mem>>
          %dma_start3A_103 = tpu.memref_slice %arg2[%multiple_of3A_102] : memref<320000xi32, #tpu.memory_space<hbm>> -> memref<80xi32, #tpu.memory_space<hbm>>
          %dma_start3A_104 = tpu.memref_slice %arg2[%multiple_of3A_102] : memref<320000xi32, #tpu.memory_space<hbm>> -> memref<80xi32, #tpu.memory_space<hbm>>
          tpu.enqueue_dma source(%dma_start3A_104 : memref<80xi32, #tpu.memory_space<hbm>>) target(%arg9 : memref<80xi32, #tpu.memory_space<vmem>>) target_semaphore(%run_scoped3A : memref<!tpu.dma_semaphore, #tpu.memory_space<semaphore_mem>>)
          %dma_wait3A_105 = tpu.memref_slice %arg2[%multiple_of3A_102] : memref<320000xi32, #tpu.memory_space<hbm>> -> memref<80xi32, #tpu.memory_space<hbm>>
          %dma_wait3A_106 = tpu.memref_slice %arg2[%multiple_of3A_102] : memref<320000xi32, #tpu.memory_space<hbm>> -> memref<80xi32, #tpu.memory_space<hbm>>
          tpu.wait_dma2 semaphore(%run_scoped3A : memref<!tpu.dma_semaphore, #tpu.memory_space<semaphore_mem>>) src(%dma_wait3A_106 : memref<80xi32, #tpu.memory_space<hbm>>) dst(%arg9 : memref<80xi32, #tpu.memory_space<vmem>>)
          tpu.yield
        }) : () -> ()
      } else {
      }
      %add3A_52 = arith.constant 1 : i32
      %add3A_53 = arith.addi %mul3A_40, %add3A_52 : i32
      %dma_start3A_54 = arith.constant 0 : i32
      %dma_start3A_55 = arith.constant 0 : i32
      %dma_start3A_56 = tpu.memref_slice %arg11[%dma_start3A_54, %dma_start3A_55] : memref<10240x128xf32, #tpu.memory_space<vmem_shared>> -> memref<10240x128xf32, #tpu.memory_space<vmem_shared>>
      tpu.enqueue_indirect_dma source(%arg10 : memref<80x128xf32, #tpu.memory_space<vmem>>) target(%dma_start3A_56 : memref<10240x128xf32, #tpu.memory_space<vmem_shared>>) offsets(%arg7 : memref<80xi32, #tpu.memory_space<vmem>>) semaphore(%arg13 : memref<!tpu.dma_semaphore, #tpu.memory_space<semaphore_mem>>) {add = true}
      %add3A_57 = arith.constant 4 : i32
      %add3A_58 = arith.addi %add3A_53, %add3A_57 : i32
      %sub3A = arith.constant 1 : i32
      %sub3A_59 = arith.subi %add3A_58, %sub3A : i32
      %lt3A = arith.constant 125 : i32
      %lt3A_60 = arith.cmpi slt, %sub3A_59, %lt3A : i32
      %convert_element_type3A_61 = arith.extui %lt3A_60 : i1 to i32
      %cond3A_62 = arith.constant 0 : i32
      %cond3A_63 = arith.cmpi ne, %convert_element_type3A_61, %cond3A_62 : i32
      scf.if %cond3A_63 {
        %dma_wait3A_92 = arith.constant 0 : i32
        %dma_wait3A_93 = arith.constant 0 : i32
        %dma_wait3A_94 = tpu.memref_slice %arg11[%dma_wait3A_92, %dma_wait3A_93] : memref<10240x128xf32, #tpu.memory_space<vmem_shared>> -> memref<10240x128xf32, #tpu.memory_space<vmem_shared>>
        tpu.wait_indirect_dma semaphore(%arg12 : memref<!tpu.dma_semaphore, #tpu.memory_space<semaphore_mem>>) src(%arg10 : memref<80x128xf32, #tpu.memory_space<vmem>>) dst(%dma_wait3A_94 : memref<10240x128xf32, #tpu.memory_space<vmem_shared>>)
        %add3A_95 = arith.constant 4 : i32
        %add3A_96 = arith.addi %add3A_53, %add3A_95 : i32
        %sub3A_97 = arith.constant 1 : i32
        %sub3A_98 = arith.subi %add3A_96, %sub3A_97 : i32
        %mul3A_99 = arith.constant 80 : i32
        %mul3A_100 = arith.muli %sub3A_98, %mul3A_99 : i32
        %add3A_101 = arith.addi %mul3A_2, %mul3A_100 : i32
        %multiple_of3A_102 = tpu.assume_multiple %add3A_101, 8 : i32
        "tpu.region"() ({
          %run_scoped3A = tpu.sem_alloc : memref<!tpu.dma_semaphore, #tpu.memory_space<semaphore_mem>>
          %dma_start3A_103 = tpu.memref_slice %arg2[%multiple_of3A_102] : memref<320000xi32, #tpu.memory_space<hbm>> -> memref<80xi32, #tpu.memory_space<hbm>>
          %dma_start3A_104 = tpu.memref_slice %arg2[%multiple_of3A_102] : memref<320000xi32, #tpu.memory_space<hbm>> -> memref<80xi32, #tpu.memory_space<hbm>>
          tpu.enqueue_dma source(%dma_start3A_104 : memref<80xi32, #tpu.memory_space<hbm>>) target(%arg6 : memref<80xi32, #tpu.memory_space<vmem>>) target_semaphore(%run_scoped3A : memref<!tpu.dma_semaphore, #tpu.memory_space<semaphore_mem>>)
          %dma_wait3A_105 = tpu.memref_slice %arg2[%multiple_of3A_102] : memref<320000xi32, #tpu.memory_space<hbm>> -> memref<80xi32, #tpu.memory_space<hbm>>
          %dma_wait3A_106 = tpu.memref_slice %arg2[%multiple_of3A_102] : memref<320000xi32, #tpu.memory_space<hbm>> -> memref<80xi32, #tpu.memory_space<hbm>>
          tpu.wait_dma2 semaphore(%run_scoped3A : memref<!tpu.dma_semaphore, #tpu.memory_space<semaphore_mem>>) src(%dma_wait3A_106 : memref<80xi32, #tpu.memory_space<hbm>>) dst(%arg6 : memref<80xi32, #tpu.memory_space<vmem>>)
          tpu.yield
        }) : () -> ()
      } else {
      }
      %add3A_64 = arith.constant 2 : i32
      %add3A_65 = arith.addi %mul3A_40, %add3A_64 : i32
      %dma_start3A_66 = arith.constant 0 : i32
      %dma_start3A_67 = arith.constant 0 : i32
      %dma_start3A_68 = tpu.memref_slice %arg11[%dma_start3A_66, %dma_start3A_67] : memref<10240x128xf32, #tpu.memory_space<vmem_shared>> -> memref<10240x128xf32, #tpu.memory_space<vmem_shared>>
      tpu.enqueue_indirect_dma source(%arg10 : memref<80x128xf32, #tpu.memory_space<vmem>>) target(%dma_start3A_68 : memref<10240x128xf32, #tpu.memory_space<vmem_shared>>) offsets(%arg8 : memref<80xi32, #tpu.memory_space<vmem>>) semaphore(%arg14 : memref<!tpu.dma_semaphore, #tpu.memory_space<semaphore_mem>>) {add = true}
      %add3A_69 = arith.constant 4 : i32
      %add3A_70 = arith.addi %add3A_65, %add3A_69 : i32
      %sub3A_71 = arith.constant 1 : i32
      %sub3A_72 = arith.subi %add3A_70, %sub3A_71 : i32
      %lt3A_73 = arith.constant 125 : i32
      %lt3A_74 = arith.cmpi slt, %sub3A_72, %lt3A_73 : i32
      %convert_element_type3A_75 = arith.extui %lt3A_74 : i1 to i32
      %cond3A_76 = arith.constant 0 : i32
      %cond3A_77 = arith.cmpi ne, %convert_element_type3A_75, %cond3A_76 : i32
      scf.if %cond3A_77 {
        %dma_wait3A_92 = arith.constant 0 : i32
        %dma_wait3A_93 = arith.constant 0 : i32
        %dma_wait3A_94 = tpu.memref_slice %arg11[%dma_wait3A_92, %dma_wait3A_93] : memref<10240x128xf32, #tpu.memory_space<vmem_shared>> -> memref<10240x128xf32, #tpu.memory_space<vmem_shared>>
        tpu.wait_indirect_dma semaphore(%arg13 : memref<!tpu.dma_semaphore, #tpu.memory_space<semaphore_mem>>) src(%arg10 : memref<80x128xf32, #tpu.memory_space<vmem>>) dst(%dma_wait3A_94 : memref<10240x128xf32, #tpu.memory_space<vmem_shared>>)
        %add3A_95 = arith.constant 4 : i32
        %add3A_96 = arith.addi %add3A_65, %add3A_95 : i32
        %sub3A_97 = arith.constant 1 : i32
        %sub3A_98 = arith.subi %add3A_96, %sub3A_97 : i32
        %mul3A_99 = arith.constant 80 : i32
        %mul3A_100 = arith.muli %sub3A_98, %mul3A_99 : i32
        %add3A_101 = arith.addi %mul3A_2, %mul3A_100 : i32
        %multiple_of3A_102 = tpu.assume_multiple %add3A_101, 8 : i32
        "tpu.region"() ({
          %run_scoped3A = tpu.sem_alloc : memref<!tpu.dma_semaphore, #tpu.memory_space<semaphore_mem>>
          %dma_start3A_103 = tpu.memref_slice %arg2[%multiple_of3A_102] : memref<320000xi32, #tpu.memory_space<hbm>> -> memref<80xi32, #tpu.memory_space<hbm>>
          %dma_start3A_104 = tpu.memref_slice %arg2[%multiple_of3A_102] : memref<320000xi32, #tpu.memory_space<hbm>> -> memref<80xi32, #tpu.memory_space<hbm>>
          tpu.enqueue_dma source(%dma_start3A_104 : memref<80xi32, #tpu.memory_space<hbm>>) target(%arg7 : memref<80xi32, #tpu.memory_space<vmem>>) target_semaphore(%run_scoped3A : memref<!tpu.dma_semaphore, #tpu.memory_space<semaphore_mem>>)
          %dma_wait3A_105 = tpu.memref_slice %arg2[%multiple_of3A_102] : memref<320000xi32, #tpu.memory_space<hbm>> -> memref<80xi32, #tpu.memory_space<hbm>>
          %dma_wait3A_106 = tpu.memref_slice %arg2[%multiple_of3A_102] : memref<320000xi32, #tpu.memory_space<hbm>> -> memref<80xi32, #tpu.memory_space<hbm>>
          tpu.wait_dma2 semaphore(%run_scoped3A : memref<!tpu.dma_semaphore, #tpu.memory_space<semaphore_mem>>) src(%dma_wait3A_106 : memref<80xi32, #tpu.memory_space<hbm>>) dst(%arg7 : memref<80xi32, #tpu.memory_space<vmem>>)
          tpu.yield
        }) : () -> ()
      } else {
      }
      %add3A_78 = arith.constant 3 : i32
      %add3A_79 = arith.addi %mul3A_40, %add3A_78 : i32
      %dma_start3A_80 = arith.constant 0 : i32
      %dma_start3A_81 = arith.constant 0 : i32
      %dma_start3A_82 = tpu.memref_slice %arg11[%dma_start3A_80, %dma_start3A_81] : memref<10240x128xf32, #tpu.memory_space<vmem_shared>> -> memref<10240x128xf32, #tpu.memory_space<vmem_shared>>
      tpu.enqueue_indirect_dma source(%arg10 : memref<80x128xf32, #tpu.memory_space<vmem>>) target(%dma_start3A_82 : memref<10240x128xf32, #tpu.memory_space<vmem_shared>>) offsets(%arg9 : memref<80xi32, #tpu.memory_space<vmem>>) semaphore(%arg15 : memref<!tpu.dma_semaphore, #tpu.memory_space<semaphore_mem>>) {add = true}
      %add3A_83 = arith.constant 4 : i32
      %add3A_84 = arith.addi %add3A_79, %add3A_83 : i32
      %sub3A_85 = arith.constant 1 : i32
      %sub3A_86 = arith.subi %add3A_84, %sub3A_85 : i32
      %lt3A_87 = arith.constant 125 : i32
      %lt3A_88 = arith.cmpi slt, %sub3A_86, %lt3A_87 : i32
      %convert_element_type3A_89 = arith.extui %lt3A_88 : i1 to i32
      %cond3A_90 = arith.constant 0 : i32
      %cond3A_91 = arith.cmpi ne, %convert_element_type3A_89, %cond3A_90 : i32
      scf.if %cond3A_91 {
        %dma_wait3A_92 = arith.constant 0 : i32
        %dma_wait3A_93 = arith.constant 0 : i32
        %dma_wait3A_94 = tpu.memref_slice %arg11[%dma_wait3A_92, %dma_wait3A_93] : memref<10240x128xf32, #tpu.memory_space<vmem_shared>> -> memref<10240x128xf32, #tpu.memory_space<vmem_shared>>
        tpu.wait_indirect_dma semaphore(%arg14 : memref<!tpu.dma_semaphore, #tpu.memory_space<semaphore_mem>>) src(%arg10 : memref<80x128xf32, #tpu.memory_space<vmem>>) dst(%dma_wait3A_94 : memref<10240x128xf32, #tpu.memory_space<vmem_shared>>)
        %add3A_95 = arith.constant 4 : i32
        %add3A_96 = arith.addi %add3A_79, %add3A_95 : i32
        %sub3A_97 = arith.constant 1 : i32
        %sub3A_98 = arith.subi %add3A_96, %sub3A_97 : i32
        %mul3A_99 = arith.constant 80 : i32
        %mul3A_100 = arith.muli %sub3A_98, %mul3A_99 : i32
        %add3A_101 = arith.addi %mul3A_2, %mul3A_100 : i32
        %multiple_of3A_102 = tpu.assume_multiple %add3A_101, 8 : i32
        "tpu.region"() ({
          %run_scoped3A = tpu.sem_alloc : memref<!tpu.dma_semaphore, #tpu.memory_space<semaphore_mem>>
          %dma_start3A_103 = tpu.memref_slice %arg2[%multiple_of3A_102] : memref<320000xi32, #tpu.memory_space<hbm>> -> memref<80xi32, #tpu.memory_space<hbm>>
          %dma_start3A_104 = tpu.memref_slice %arg2[%multiple_of3A_102] : memref<320000xi32, #tpu.memory_space<hbm>> -> memref<80xi32, #tpu.memory_space<hbm>>
          tpu.enqueue_dma source(%dma_start3A_104 : memref<80xi32, #tpu.memory_space<hbm>>) target(%arg8 : memref<80xi32, #tpu.memory_space<vmem>>) target_semaphore(%run_scoped3A : memref<!tpu.dma_semaphore, #tpu.memory_space<semaphore_mem>>)
          %dma_wait3A_105 = tpu.memref_slice %arg2[%multiple_of3A_102] : memref<320000xi32, #tpu.memory_space<hbm>> -> memref<80xi32, #tpu.memory_space<hbm>>
          %dma_wait3A_106 = tpu.memref_slice %arg2[%multiple_of3A_102] : memref<320000xi32, #tpu.memory_space<hbm>> -> memref<80xi32, #tpu.memory_space<hbm>>
          tpu.wait_dma2 semaphore(%run_scoped3A : memref<!tpu.dma_semaphore, #tpu.memory_space<semaphore_mem>>) src(%dma_wait3A_106 : memref<80xi32, #tpu.memory_space<hbm>>) dst(%arg8 : memref<80xi32, #tpu.memory_space<vmem>>)
          tpu.yield
        }) : () -> ()
      } else {
      }
    }
    %scan3A_19 = arith.constant 31 : i32
    %dma_start3A = arith.constant 0 : i32
    %dma_start3A_20 = arith.constant 0 : i32
    %dma_start3A_21 = tpu.memref_slice %arg11[%dma_start3A, %dma_start3A_20] : memref<10240x128xf32, #tpu.memory_space<vmem_shared>> -> memref<10240x128xf32, #tpu.memory_space<vmem_shared>>
    tpu.enqueue_indirect_dma source(%arg10 : memref<80x128xf32, #tpu.memory_space<vmem>>) target(%dma_start3A_21 : memref<10240x128xf32, #tpu.memory_space<vmem_shared>>) offsets(%arg6 : memref<80xi32, #tpu.memory_space<vmem>>) semaphore(%arg12 : memref<!tpu.dma_semaphore, #tpu.memory_space<semaphore_mem>>) {add = true}
    %dma_wait3A = arith.constant 0 : i32
    %dma_wait3A_22 = arith.constant 0 : i32
    %dma_wait3A_23 = tpu.memref_slice %arg11[%dma_wait3A, %dma_wait3A_22] : memref<10240x128xf32, #tpu.memory_space<vmem_shared>> -> memref<10240x128xf32, #tpu.memory_space<vmem_shared>>
    tpu.wait_indirect_dma semaphore(%arg13 : memref<!tpu.dma_semaphore, #tpu.memory_space<semaphore_mem>>) src(%arg10 : memref<80x128xf32, #tpu.memory_space<vmem>>) dst(%dma_wait3A_23 : memref<10240x128xf32, #tpu.memory_space<vmem_shared>>)
    %dma_wait3A_24 = arith.constant 0 : i32
    %dma_wait3A_25 = arith.constant 0 : i32
    %dma_wait3A_26 = tpu.memref_slice %arg11[%dma_wait3A_24, %dma_wait3A_25] : memref<10240x128xf32, #tpu.memory_space<vmem_shared>> -> memref<10240x128xf32, #tpu.memory_space<vmem_shared>>
    tpu.wait_indirect_dma semaphore(%arg14 : memref<!tpu.dma_semaphore, #tpu.memory_space<semaphore_mem>>) src(%arg10 : memref<80x128xf32, #tpu.memory_space<vmem>>) dst(%dma_wait3A_26 : memref<10240x128xf32, #tpu.memory_space<vmem_shared>>)
    %dma_wait3A_27 = arith.constant 0 : i32
    %dma_wait3A_28 = arith.constant 0 : i32
    %dma_wait3A_29 = tpu.memref_slice %arg11[%dma_wait3A_27, %dma_wait3A_28] : memref<10240x128xf32, #tpu.memory_space<vmem_shared>> -> memref<10240x128xf32, #tpu.memory_space<vmem_shared>>
    tpu.wait_indirect_dma semaphore(%arg15 : memref<!tpu.dma_semaphore, #tpu.memory_space<semaphore_mem>>) src(%arg10 : memref<80x128xf32, #tpu.memory_space<vmem>>) dst(%dma_wait3A_29 : memref<10240x128xf32, #tpu.memory_space<vmem_shared>>)
    %dma_wait3A_30 = arith.constant 0 : i32
    %dma_wait3A_31 = arith.constant 0 : i32
    %dma_wait3A_32 = tpu.memref_slice %arg11[%dma_wait3A_30, %dma_wait3A_31] : memref<10240x128xf32, #tpu.memory_space<vmem_shared>> -> memref<10240x128xf32, #tpu.memory_space<vmem_shared>>
    tpu.wait_indirect_dma semaphore(%arg12 : memref<!tpu.dma_semaphore, #tpu.memory_space<semaphore_mem>>) src(%arg10 : memref<80x128xf32, #tpu.memory_space<vmem>>) dst(%dma_wait3A_32 : memref<10240x128xf32, #tpu.memory_space<vmem_shared>>)
    %barrier3A_33 = arith.constant 0 : index
    tpu.barrier barrier_id(%barrier3A_33)
    %mul3A_34 = arith.constant 640 : i32
    %mul3A_35 = arith.muli %mul3A_34, %arg1 : i32
    %mul3A_36 = arith.constant 640 : i32
    %mul3A_37 = arith.muli %mul3A_36, %arg1 : i32
    "tpu.region"() ({
      %run_scoped3A = tpu.sem_alloc : memref<!tpu.dma_semaphore, #tpu.memory_space<semaphore_mem>>
      %dma_start3A_38 = arith.constant 0 : i32
      %dma_start3A_39 = tpu.memref_slice %arg5[%arg0, %mul3A_37, %dma_start3A_38] : memref<2x10240x128xf32, #tpu.memory_space<hbm>> -> memref<1x640x128xf32, #tpu.memory_space<hbm>>
      %dma_start3A_40 = tpu.memref_squeeze %dma_start3A_39 : memref<1x640x128xf32, #tpu.memory_space<hbm>> -> memref<640x128xf32, #tpu.memory_space<hbm>>
      %dma_start3A_41 = arith.constant 0 : i32
      %dma_start3A_42 = tpu.memref_slice %arg11[%mul3A_35, %dma_start3A_41] : memref<10240x128xf32, #tpu.memory_space<vmem_shared>> -> memref<640x128xf32, #tpu.memory_space<vmem_shared>>
      tpu.enqueue_dma source(%dma_start3A_42 : memref<640x128xf32, #tpu.memory_space<vmem_shared>>) target(%dma_start3A_40 : memref<640x128xf32, #tpu.memory_space<hbm>>) target_semaphore(%run_scoped3A : memref<!tpu.dma_semaphore, #tpu.memory_space<semaphore_mem>>)
      %dma_wait3A_43 = arith.constant 0 : i32
      %dma_wait3A_44 = tpu.memref_slice %arg5[%arg0, %mul3A_37, %dma_wait3A_43] : memref<2x10240x128xf32, #tpu.memory_space<hbm>> -> memref<1x640x128xf32, #tpu.memory_space<hbm>>
      %dma_wait3A_45 = tpu.memref_squeeze %dma_wait3A_44 : memref<1x640x128xf32, #tpu.memory_space<hbm>> -> memref<640x128xf32, #tpu.memory_space<hbm>>
      %dma_wait3A_46 = arith.constant 0 : i32
      %dma_wait3A_47 = tpu.memref_slice %arg11[%mul3A_35, %dma_wait3A_46] : memref<10240x128xf32, #tpu.memory_space<vmem_shared>> -> memref<640x128xf32, #tpu.memory_space<vmem_shared>>
      tpu.wait_dma2 semaphore(%run_scoped3A : memref<!tpu.dma_semaphore, #tpu.memory_space<semaphore_mem>>) src(%dma_wait3A_47 : memref<640x128xf32, #tpu.memory_space<vmem_shared>>) dst(%dma_wait3A_45 : memref<640x128xf32, #tpu.memory_space<hbm>>)
      tpu.yield
    }) : () -> ()
    return
  }
}

#map = affine_map<(d0, d1) -> (0, 0)>
#map1 = affine_map<(d0, d1) -> (0)>
#map2 = affine_map<(d0, d1) -> (0, 0, 0)>
module attributes {stable_mosaic.version = 14 : i64} {
  func.func @edge_kernel(%arg0: i32, %arg1: i32, %arg2: memref<10000x128xf32, #tpu.memory_space<hbm>>, %arg3: memref<320000xi32, #tpu.memory_space<hbm>>, %arg4: memref<320000xi32, #tpu.memory_space<hbm>>, %arg5: memref<10240x128xf32, #tpu.memory_space<hbm>>, %arg6: memref<2x10240x128xf32, #tpu.memory_space<hbm>>, %arg7: memref<80xi32, #tpu.memory_space<vmem>>, %arg8: memref<80xi32, #tpu.memory_space<vmem>>, %arg9: memref<80xi32, #tpu.memory_space<vmem>>, %arg10: memref<80xi32, #tpu.memory_space<vmem>>, %arg11: memref<80xi32, #tpu.memory_space<vmem>>, %arg12: memref<80xi32, #tpu.memory_space<vmem>>, %arg13: memref<80xi32, #tpu.memory_space<vmem>>, %arg14: memref<80xi32, #tpu.memory_space<vmem>>, %arg15: memref<80x128xf32, #tpu.memory_space<vmem>>, %arg16: memref<80x128xf32, #tpu.memory_space<vmem>>, %arg17: memref<80x128xf32, #tpu.memory_space<vmem>>, %arg18: memref<80x128xf32, #tpu.memory_space<vmem>>, %arg19: memref<10240x128xf32, #tpu.memory_space<vmem_shared>>, %arg20: memref<!tpu.dma_semaphore, #tpu.memory_space<semaphore_mem>>, %arg21: memref<!tpu.dma_semaphore, #tpu.memory_space<semaphore_mem>>, %arg22: memref<!tpu.dma_semaphore, #tpu.memory_space<semaphore_mem>>, %arg23: memref<!tpu.dma_semaphore, #tpu.memory_space<semaphore_mem>>, %arg24: memref<!tpu.dma_semaphore, #tpu.memory_space<semaphore_mem>>, %arg25: memref<!tpu.dma_semaphore, #tpu.memory_space<semaphore_mem>>, %arg26: memref<!tpu.dma_semaphore, #tpu.memory_space<semaphore_mem>>, %arg27: memref<!tpu.dma_semaphore, #tpu.memory_space<semaphore_mem>>) attributes {dimension_semantics = [#tpu.dimension_semantics<core_parallel>, #tpu.dimension_semantics<subcore_parallel>], iteration_bounds = array<i64: 2, 16>, scalar_prefetch = 0 : i64, scratch_operands = 21 : i64, tpu.core_type = #tpu.core_type<sc_vector_subcore>, window_params = [{transform_indices = #map}, {transform_indices = #map1}, {transform_indices = #map1}, {transform_indices = #map}, {transform_indices = #map2}]} {
    %mul3A = arith.constant 2 : i32
    %mul3A_0 = arith.muli %arg1, %mul3A : i32
    %add3A = arith.addi %mul3A_0, %arg0 : i32
    %mul3A_1 = arith.constant 10000 : i32
    %mul3A_2 = arith.muli %add3A, %mul3A_1 : i32
    %mul3A_3 = arith.constant 640 : i32
    %mul3A_4 = arith.muli %mul3A_3, %arg1 : i32
    %mul3A_5 = arith.constant 640 : i32
    %mul3A_6 = arith.muli %mul3A_5, %arg1 : i32
    "tpu.region"() ({
      %run_scoped3A = tpu.sem_alloc : memref<!tpu.dma_semaphore, #tpu.memory_space<semaphore_mem>>
      %dma_start3A_50 = arith.constant 0 : i32
      %dma_start3A_51 = tpu.memref_slice %arg19[%mul3A_6, %dma_start3A_50] : memref<10240x128xf32, #tpu.memory_space<vmem_shared>> -> memref<640x128xf32, #tpu.memory_space<vmem_shared>>
      %dma_start3A_52 = arith.constant 0 : i32
      %dma_start3A_53 = tpu.memref_slice %arg5[%mul3A_4, %dma_start3A_52] : memref<10240x128xf32, #tpu.memory_space<hbm>> -> memref<640x128xf32, #tpu.memory_space<hbm>>
      tpu.enqueue_dma source(%dma_start3A_53 : memref<640x128xf32, #tpu.memory_space<hbm>>) target(%dma_start3A_51 : memref<640x128xf32, #tpu.memory_space<vmem_shared>>) target_semaphore(%run_scoped3A : memref<!tpu.dma_semaphore, #tpu.memory_space<semaphore_mem>>)
      %dma_wait3A_54 = arith.constant 0 : i32
      %dma_wait3A_55 = tpu.memref_slice %arg19[%mul3A_6, %dma_wait3A_54] : memref<10240x128xf32, #tpu.memory_space<vmem_shared>> -> memref<640x128xf32, #tpu.memory_space<vmem_shared>>
      %dma_wait3A_56 = arith.constant 0 : i32
      %dma_wait3A_57 = tpu.memref_slice %arg5[%mul3A_4, %dma_wait3A_56] : memref<10240x128xf32, #tpu.memory_space<hbm>> -> memref<640x128xf32, #tpu.memory_space<hbm>>
      tpu.wait_dma2 semaphore(%run_scoped3A : memref<!tpu.dma_semaphore, #tpu.memory_space<semaphore_mem>>) src(%dma_wait3A_57 : memref<640x128xf32, #tpu.memory_space<hbm>>) dst(%dma_wait3A_55 : memref<640x128xf32, #tpu.memory_space<vmem_shared>>)
      tpu.yield
    }) : () -> ()
    %barrier3A = arith.constant 0 : index
    tpu.barrier barrier_id(%barrier3A)
    %add3A_7 = arith.constant 0 : i32
    %add3A_8 = arith.addi %mul3A_2, %add3A_7 : i32
    %multiple_of3A = tpu.assume_multiple %add3A_8, 8 : i32
    "tpu.region"() ({
      %run_scoped3A = tpu.sem_alloc : memref<!tpu.dma_semaphore, #tpu.memory_space<semaphore_mem>>
      %dma_start3A_50 = tpu.memref_slice %arg3[%multiple_of3A] : memref<320000xi32, #tpu.memory_space<hbm>> -> memref<80xi32, #tpu.memory_space<hbm>>
      %dma_start3A_51 = tpu.memref_slice %arg3[%multiple_of3A] : memref<320000xi32, #tpu.memory_space<hbm>> -> memref<80xi32, #tpu.memory_space<hbm>>
      tpu.enqueue_dma source(%dma_start3A_51 : memref<80xi32, #tpu.memory_space<hbm>>) target(%arg7 : memref<80xi32, #tpu.memory_space<vmem>>) target_semaphore(%run_scoped3A : memref<!tpu.dma_semaphore, #tpu.memory_space<semaphore_mem>>)
      %dma_wait3A_52 = tpu.memref_slice %arg3[%multiple_of3A] : memref<320000xi32, #tpu.memory_space<hbm>> -> memref<80xi32, #tpu.memory_space<hbm>>
      %dma_wait3A_53 = tpu.memref_slice %arg3[%multiple_of3A] : memref<320000xi32, #tpu.memory_space<hbm>> -> memref<80xi32, #tpu.memory_space<hbm>>
      tpu.wait_dma2 semaphore(%run_scoped3A : memref<!tpu.dma_semaphore, #tpu.memory_space<semaphore_mem>>) src(%dma_wait3A_53 : memref<80xi32, #tpu.memory_space<hbm>>) dst(%arg7 : memref<80xi32, #tpu.memory_space<vmem>>)
      tpu.yield
    }) : () -> ()
    "tpu.region"() ({
      %run_scoped3A = tpu.sem_alloc : memref<!tpu.dma_semaphore, #tpu.memory_space<semaphore_mem>>
      %dma_start3A_50 = tpu.memref_slice %arg4[%multiple_of3A] : memref<320000xi32, #tpu.memory_space<hbm>> -> memref<80xi32, #tpu.memory_space<hbm>>
      %dma_start3A_51 = tpu.memref_slice %arg4[%multiple_of3A] : memref<320000xi32, #tpu.memory_space<hbm>> -> memref<80xi32, #tpu.memory_space<hbm>>
      tpu.enqueue_dma source(%dma_start3A_51 : memref<80xi32, #tpu.memory_space<hbm>>) target(%arg11 : memref<80xi32, #tpu.memory_space<vmem>>) target_semaphore(%run_scoped3A : memref<!tpu.dma_semaphore, #tpu.memory_space<semaphore_mem>>)
      %dma_wait3A_52 = tpu.memref_slice %arg4[%multiple_of3A] : memref<320000xi32, #tpu.memory_space<hbm>> -> memref<80xi32, #tpu.memory_space<hbm>>
      %dma_wait3A_53 = tpu.memref_slice %arg4[%multiple_of3A] : memref<320000xi32, #tpu.memory_space<hbm>> -> memref<80xi32, #tpu.memory_space<hbm>>
      tpu.wait_dma2 semaphore(%run_scoped3A : memref<!tpu.dma_semaphore, #tpu.memory_space<semaphore_mem>>) src(%dma_wait3A_53 : memref<80xi32, #tpu.memory_space<hbm>>) dst(%arg11 : memref<80xi32, #tpu.memory_space<vmem>>)
      tpu.yield
    }) : () -> ()
    %dma_start3A = arith.constant 0 : i32
    %dma_start3A_9 = arith.constant 0 : i32
    %dma_start3A_10 = tpu.memref_slice %arg2[%dma_start3A, %dma_start3A_9] : memref<10000x128xf32, #tpu.memory_space<hbm>> -> memref<10000x128xf32, #tpu.memory_space<hbm>>
    tpu.enqueue_indirect_dma source(%dma_start3A_10 : memref<10000x128xf32, #tpu.memory_space<hbm>>) target(%arg15 : memref<80x128xf32, #tpu.memory_space<vmem>>) offsets(%arg7 : memref<80xi32, #tpu.memory_space<vmem>>) semaphore(%arg20 : memref<!tpu.dma_semaphore, #tpu.memory_space<semaphore_mem>>)
    %add3A_11 = arith.constant 80 : i32
    %add3A_12 = arith.addi %mul3A_2, %add3A_11 : i32
    %multiple_of3A_13 = tpu.assume_multiple %add3A_12, 8 : i32
    "tpu.region"() ({
      %run_scoped3A = tpu.sem_alloc : memref<!tpu.dma_semaphore, #tpu.memory_space<semaphore_mem>>
      %dma_start3A_50 = tpu.memref_slice %arg3[%multiple_of3A_13] : memref<320000xi32, #tpu.memory_space<hbm>> -> memref<80xi32, #tpu.memory_space<hbm>>
      %dma_start3A_51 = tpu.memref_slice %arg3[%multiple_of3A_13] : memref<320000xi32, #tpu.memory_space<hbm>> -> memref<80xi32, #tpu.memory_space<hbm>>
      tpu.enqueue_dma source(%dma_start3A_51 : memref<80xi32, #tpu.memory_space<hbm>>) target(%arg8 : memref<80xi32, #tpu.memory_space<vmem>>) target_semaphore(%run_scoped3A : memref<!tpu.dma_semaphore, #tpu.memory_space<semaphore_mem>>)
      %dma_wait3A_52 = tpu.memref_slice %arg3[%multiple_of3A_13] : memref<320000xi32, #tpu.memory_space<hbm>> -> memref<80xi32, #tpu.memory_space<hbm>>
      %dma_wait3A_53 = tpu.memref_slice %arg3[%multiple_of3A_13] : memref<320000xi32, #tpu.memory_space<hbm>> -> memref<80xi32, #tpu.memory_space<hbm>>
      tpu.wait_dma2 semaphore(%run_scoped3A : memref<!tpu.dma_semaphore, #tpu.memory_space<semaphore_mem>>) src(%dma_wait3A_53 : memref<80xi32, #tpu.memory_space<hbm>>) dst(%arg8 : memref<80xi32, #tpu.memory_space<vmem>>)
      tpu.yield
    }) : () -> ()
    "tpu.region"() ({
      %run_scoped3A = tpu.sem_alloc : memref<!tpu.dma_semaphore, #tpu.memory_space<semaphore_mem>>
      %dma_start3A_50 = tpu.memref_slice %arg4[%multiple_of3A_13] : memref<320000xi32, #tpu.memory_space<hbm>> -> memref<80xi32, #tpu.memory_space<hbm>>
      %dma_start3A_51 = tpu.memref_slice %arg4[%multiple_of3A_13] : memref<320000xi32, #tpu.memory_space<hbm>> -> memref<80xi32, #tpu.memory_space<hbm>>
      tpu.enqueue_dma source(%dma_start3A_51 : memref<80xi32, #tpu.memory_space<hbm>>) target(%arg12 : memref<80xi32, #tpu.memory_space<vmem>>) target_semaphore(%run_scoped3A : memref<!tpu.dma_semaphore, #tpu.memory_space<semaphore_mem>>)
      %dma_wait3A_52 = tpu.memref_slice %arg4[%multiple_of3A_13] : memref<320000xi32, #tpu.memory_space<hbm>> -> memref<80xi32, #tpu.memory_space<hbm>>
      %dma_wait3A_53 = tpu.memref_slice %arg4[%multiple_of3A_13] : memref<320000xi32, #tpu.memory_space<hbm>> -> memref<80xi32, #tpu.memory_space<hbm>>
      tpu.wait_dma2 semaphore(%run_scoped3A : memref<!tpu.dma_semaphore, #tpu.memory_space<semaphore_mem>>) src(%dma_wait3A_53 : memref<80xi32, #tpu.memory_space<hbm>>) dst(%arg12 : memref<80xi32, #tpu.memory_space<vmem>>)
      tpu.yield
    }) : () -> ()
    %dma_start3A_14 = arith.constant 0 : i32
    %dma_start3A_15 = arith.constant 0 : i32
    %dma_start3A_16 = tpu.memref_slice %arg2[%dma_start3A_14, %dma_start3A_15] : memref<10000x128xf32, #tpu.memory_space<hbm>> -> memref<10000x128xf32, #tpu.memory_space<hbm>>
    tpu.enqueue_indirect_dma source(%dma_start3A_16 : memref<10000x128xf32, #tpu.memory_space<hbm>>) target(%arg16 : memref<80x128xf32, #tpu.memory_space<vmem>>) offsets(%arg8 : memref<80xi32, #tpu.memory_space<vmem>>) semaphore(%arg21 : memref<!tpu.dma_semaphore, #tpu.memory_space<semaphore_mem>>)
    %add3A_17 = arith.constant 160 : i32
    %add3A_18 = arith.addi %mul3A_2, %add3A_17 : i32
    %multiple_of3A_19 = tpu.assume_multiple %add3A_18, 8 : i32
    "tpu.region"() ({
      %run_scoped3A = tpu.sem_alloc : memref<!tpu.dma_semaphore, #tpu.memory_space<semaphore_mem>>
      %dma_start3A_50 = tpu.memref_slice %arg3[%multiple_of3A_19] : memref<320000xi32, #tpu.memory_space<hbm>> -> memref<80xi32, #tpu.memory_space<hbm>>
      %dma_start3A_51 = tpu.memref_slice %arg3[%multiple_of3A_19] : memref<320000xi32, #tpu.memory_space<hbm>> -> memref<80xi32, #tpu.memory_space<hbm>>
      tpu.enqueue_dma source(%dma_start3A_51 : memref<80xi32, #tpu.memory_space<hbm>>) target(%arg9 : memref<80xi32, #tpu.memory_space<vmem>>) target_semaphore(%run_scoped3A : memref<!tpu.dma_semaphore, #tpu.memory_space<semaphore_mem>>)
      %dma_wait3A_52 = tpu.memref_slice %arg3[%multiple_of3A_19] : memref<320000xi32, #tpu.memory_space<hbm>> -> memref<80xi32, #tpu.memory_space<hbm>>
      %dma_wait3A_53 = tpu.memref_slice %arg3[%multiple_of3A_19] : memref<320000xi32, #tpu.memory_space<hbm>> -> memref<80xi32, #tpu.memory_space<hbm>>
      tpu.wait_dma2 semaphore(%run_scoped3A : memref<!tpu.dma_semaphore, #tpu.memory_space<semaphore_mem>>) src(%dma_wait3A_53 : memref<80xi32, #tpu.memory_space<hbm>>) dst(%arg9 : memref<80xi32, #tpu.memory_space<vmem>>)
      tpu.yield
    }) : () -> ()
    "tpu.region"() ({
      %run_scoped3A = tpu.sem_alloc : memref<!tpu.dma_semaphore, #tpu.memory_space<semaphore_mem>>
      %dma_start3A_50 = tpu.memref_slice %arg4[%multiple_of3A_19] : memref<320000xi32, #tpu.memory_space<hbm>> -> memref<80xi32, #tpu.memory_space<hbm>>
      %dma_start3A_51 = tpu.memref_slice %arg4[%multiple_of3A_19] : memref<320000xi32, #tpu.memory_space<hbm>> -> memref<80xi32, #tpu.memory_space<hbm>>
      tpu.enqueue_dma source(%dma_start3A_51 : memref<80xi32, #tpu.memory_space<hbm>>) target(%arg13 : memref<80xi32, #tpu.memory_space<vmem>>) target_semaphore(%run_scoped3A : memref<!tpu.dma_semaphore, #tpu.memory_space<semaphore_mem>>)
      %dma_wait3A_52 = tpu.memref_slice %arg4[%multiple_of3A_19] : memref<320000xi32, #tpu.memory_space<hbm>> -> memref<80xi32, #tpu.memory_space<hbm>>
      %dma_wait3A_53 = tpu.memref_slice %arg4[%multiple_of3A_19] : memref<320000xi32, #tpu.memory_space<hbm>> -> memref<80xi32, #tpu.memory_space<hbm>>
      tpu.wait_dma2 semaphore(%run_scoped3A : memref<!tpu.dma_semaphore, #tpu.memory_space<semaphore_mem>>) src(%dma_wait3A_53 : memref<80xi32, #tpu.memory_space<hbm>>) dst(%arg13 : memref<80xi32, #tpu.memory_space<vmem>>)
      tpu.yield
    }) : () -> ()
    %dma_start3A_20 = arith.constant 0 : i32
    %dma_start3A_21 = arith.constant 0 : i32
    %dma_start3A_22 = tpu.memref_slice %arg2[%dma_start3A_20, %dma_start3A_21] : memref<10000x128xf32, #tpu.memory_space<hbm>> -> memref<10000x128xf32, #tpu.memory_space<hbm>>
    tpu.enqueue_indirect_dma source(%dma_start3A_22 : memref<10000x128xf32, #tpu.memory_space<hbm>>) target(%arg17 : memref<80x128xf32, #tpu.memory_space<vmem>>) offsets(%arg9 : memref<80xi32, #tpu.memory_space<vmem>>) semaphore(%arg22 : memref<!tpu.dma_semaphore, #tpu.memory_space<semaphore_mem>>)
    %scan3A = arith.constant 0 : i32
    %scan3A_23 = arith.constant 0 : i32
    %scan3A_24 = arith.constant 31 : i32
    %scan3A_25 = arith.addi %scan3A_23, %scan3A_24 : i32
    %scan3A_26 = arith.constant 1 : i32
    scf.for %scan3A_50 = %scan3A_23 to %scan3A_25 step %scan3A_26  : i32 {
      %mul3A_51 = arith.constant 4 : i32
      %mul3A_52 = arith.muli %mul3A_51, %scan3A_50 : i32
      %add3A_53 = arith.constant 0 : i32
      %add3A_54 = arith.addi %mul3A_52, %add3A_53 : i32
      %dma_wait3A_55 = arith.constant 0 : i32
      %dma_wait3A_56 = arith.constant 0 : i32
      %dma_wait3A_57 = tpu.memref_slice %arg2[%dma_wait3A_55, %dma_wait3A_56] : memref<10000x128xf32, #tpu.memory_space<hbm>> -> memref<10000x128xf32, #tpu.memory_space<hbm>>
      tpu.wait_indirect_dma semaphore(%arg20 : memref<!tpu.dma_semaphore, #tpu.memory_space<semaphore_mem>>) src(%dma_wait3A_57 : memref<10000x128xf32, #tpu.memory_space<hbm>>) dst(%arg15 : memref<80x128xf32, #tpu.memory_space<vmem>>)
      %dma_start3A_58 = arith.constant 0 : i32
      %dma_start3A_59 = arith.constant 0 : i32
      %dma_start3A_60 = tpu.memref_slice %arg19[%dma_start3A_58, %dma_start3A_59] : memref<10240x128xf32, #tpu.memory_space<vmem_shared>> -> memref<10240x128xf32, #tpu.memory_space<vmem_shared>>
      tpu.enqueue_indirect_dma source(%arg15 : memref<80x128xf32, #tpu.memory_space<vmem>>) target(%dma_start3A_60 : memref<10240x128xf32, #tpu.memory_space<vmem_shared>>) offsets(%arg11 : memref<80xi32, #tpu.memory_space<vmem>>) semaphore(%arg24 : memref<!tpu.dma_semaphore, #tpu.memory_space<semaphore_mem>>) {add = true}
      %eq3A = arith.constant 0 : i32
      %eq3A_61 = arith.cmpi eq, %scan3A_50, %eq3A : i32
      %convert_element_type3A = arith.extui %eq3A_61 : i1 to i32
      %cond3A = arith.constant 0 : i32
      %cond3A_62 = arith.cmpi ne, %convert_element_type3A, %cond3A : i32
      scf.if %cond3A_62 {
        %add3A_116 = arith.constant 240 : i32
        %add3A_117 = arith.addi %mul3A_2, %add3A_116 : i32
        %multiple_of3A_118 = tpu.assume_multiple %add3A_117, 8 : i32
        "tpu.region"() ({
          %run_scoped3A = tpu.sem_alloc : memref<!tpu.dma_semaphore, #tpu.memory_space<semaphore_mem>>
          %dma_start3A_122 = tpu.memref_slice %arg3[%multiple_of3A_118] : memref<320000xi32, #tpu.memory_space<hbm>> -> memref<80xi32, #tpu.memory_space<hbm>>
          %dma_start3A_123 = tpu.memref_slice %arg3[%multiple_of3A_118] : memref<320000xi32, #tpu.memory_space<hbm>> -> memref<80xi32, #tpu.memory_space<hbm>>
          tpu.enqueue_dma source(%dma_start3A_123 : memref<80xi32, #tpu.memory_space<hbm>>) target(%arg10 : memref<80xi32, #tpu.memory_space<vmem>>) target_semaphore(%run_scoped3A : memref<!tpu.dma_semaphore, #tpu.memory_space<semaphore_mem>>)
          %dma_wait3A_124 = tpu.memref_slice %arg3[%multiple_of3A_118] : memref<320000xi32, #tpu.memory_space<hbm>> -> memref<80xi32, #tpu.memory_space<hbm>>
          %dma_wait3A_125 = tpu.memref_slice %arg3[%multiple_of3A_118] : memref<320000xi32, #tpu.memory_space<hbm>> -> memref<80xi32, #tpu.memory_space<hbm>>
          tpu.wait_dma2 semaphore(%run_scoped3A : memref<!tpu.dma_semaphore, #tpu.memory_space<semaphore_mem>>) src(%dma_wait3A_125 : memref<80xi32, #tpu.memory_space<hbm>>) dst(%arg10 : memref<80xi32, #tpu.memory_space<vmem>>)
          tpu.yield
        }) : () -> ()
        "tpu.region"() ({
          %run_scoped3A = tpu.sem_alloc : memref<!tpu.dma_semaphore, #tpu.memory_space<semaphore_mem>>
          %dma_start3A_122 = tpu.memref_slice %arg4[%multiple_of3A_118] : memref<320000xi32, #tpu.memory_space<hbm>> -> memref<80xi32, #tpu.memory_space<hbm>>
          %dma_start3A_123 = tpu.memref_slice %arg4[%multiple_of3A_118] : memref<320000xi32, #tpu.memory_space<hbm>> -> memref<80xi32, #tpu.memory_space<hbm>>
          tpu.enqueue_dma source(%dma_start3A_123 : memref<80xi32, #tpu.memory_space<hbm>>) target(%arg14 : memref<80xi32, #tpu.memory_space<vmem>>) target_semaphore(%run_scoped3A : memref<!tpu.dma_semaphore, #tpu.memory_space<semaphore_mem>>)
          %dma_wait3A_124 = tpu.memref_slice %arg4[%multiple_of3A_118] : memref<320000xi32, #tpu.memory_space<hbm>> -> memref<80xi32, #tpu.memory_space<hbm>>
          %dma_wait3A_125 = tpu.memref_slice %arg4[%multiple_of3A_118] : memref<320000xi32, #tpu.memory_space<hbm>> -> memref<80xi32, #tpu.memory_space<hbm>>
          tpu.wait_dma2 semaphore(%run_scoped3A : memref<!tpu.dma_semaphore, #tpu.memory_space<semaphore_mem>>) src(%dma_wait3A_125 : memref<80xi32, #tpu.memory_space<hbm>>) dst(%arg14 : memref<80xi32, #tpu.memory_space<vmem>>)
          tpu.yield
        }) : () -> ()
        %dma_start3A_119 = arith.constant 0 : i32
        %dma_start3A_120 = arith.constant 0 : i32
        %dma_start3A_121 = tpu.memref_slice %arg2[%dma_start3A_119, %dma_start3A_120] : memref<10000x128xf32, #tpu.memory_space<hbm>> -> memref<10000x128xf32, #tpu.memory_space<hbm>>
        tpu.enqueue_indirect_dma source(%dma_start3A_121 : memref<10000x128xf32, #tpu.memory_space<hbm>>) target(%arg18 : memref<80x128xf32, #tpu.memory_space<vmem>>) offsets(%arg10 : memref<80xi32, #tpu.memory_space<vmem>>) semaphore(%arg23 : memref<!tpu.dma_semaphore, #tpu.memory_space<semaphore_mem>>)
      } else {
      }
      %ge3A = arith.constant 1 : i32
      %ge3A_63 = arith.cmpi sge, %scan3A_50, %ge3A : i32
      %convert_element_type3A_64 = arith.extui %ge3A_63 : i1 to i32
      %cond3A_65 = arith.constant 0 : i32
      %cond3A_66 = arith.cmpi ne, %convert_element_type3A_64, %cond3A_65 : i32
      scf.if %cond3A_66 {
        %dma_wait3A_116 = arith.constant 0 : i32
        %dma_wait3A_117 = arith.constant 0 : i32
        %dma_wait3A_118 = tpu.memref_slice %arg19[%dma_wait3A_116, %dma_wait3A_117] : memref<10240x128xf32, #tpu.memory_space<vmem_shared>> -> memref<10240x128xf32, #tpu.memory_space<vmem_shared>>
        tpu.wait_indirect_dma semaphore(%arg27 : memref<!tpu.dma_semaphore, #tpu.memory_space<semaphore_mem>>) src(%arg18 : memref<80x128xf32, #tpu.memory_space<vmem>>) dst(%dma_wait3A_118 : memref<10240x128xf32, #tpu.memory_space<vmem_shared>>)
        %add3A_119 = arith.constant 4 : i32
        %add3A_120 = arith.addi %add3A_54, %add3A_119 : i32
        %sub3A_121 = arith.constant 1 : i32
        %sub3A_122 = arith.subi %add3A_120, %sub3A_121 : i32
        %mul3A_123 = arith.constant 80 : i32
        %mul3A_124 = arith.muli %sub3A_122, %mul3A_123 : i32
        %add3A_125 = arith.addi %mul3A_2, %mul3A_124 : i32
        %multiple_of3A_126 = tpu.assume_multiple %add3A_125, 8 : i32
        "tpu.region"() ({
          %run_scoped3A = tpu.sem_alloc : memref<!tpu.dma_semaphore, #tpu.memory_space<semaphore_mem>>
          %dma_start3A_130 = tpu.memref_slice %arg3[%multiple_of3A_126] : memref<320000xi32, #tpu.memory_space<hbm>> -> memref<80xi32, #tpu.memory_space<hbm>>
          %dma_start3A_131 = tpu.memref_slice %arg3[%multiple_of3A_126] : memref<320000xi32, #tpu.memory_space<hbm>> -> memref<80xi32, #tpu.memory_space<hbm>>
          tpu.enqueue_dma source(%dma_start3A_131 : memref<80xi32, #tpu.memory_space<hbm>>) target(%arg10 : memref<80xi32, #tpu.memory_space<vmem>>) target_semaphore(%run_scoped3A : memref<!tpu.dma_semaphore, #tpu.memory_space<semaphore_mem>>)
          %dma_wait3A_132 = tpu.memref_slice %arg3[%multiple_of3A_126] : memref<320000xi32, #tpu.memory_space<hbm>> -> memref<80xi32, #tpu.memory_space<hbm>>
          %dma_wait3A_133 = tpu.memref_slice %arg3[%multiple_of3A_126] : memref<320000xi32, #tpu.memory_space<hbm>> -> memref<80xi32, #tpu.memory_space<hbm>>
          tpu.wait_dma2 semaphore(%run_scoped3A : memref<!tpu.dma_semaphore, #tpu.memory_space<semaphore_mem>>) src(%dma_wait3A_133 : memref<80xi32, #tpu.memory_space<hbm>>) dst(%arg10 : memref<80xi32, #tpu.memory_space<vmem>>)
          tpu.yield
        }) : () -> ()
        "tpu.region"() ({
          %run_scoped3A = tpu.sem_alloc : memref<!tpu.dma_semaphore, #tpu.memory_space<semaphore_mem>>
          %dma_start3A_130 = tpu.memref_slice %arg4[%multiple_of3A_126] : memref<320000xi32, #tpu.memory_space<hbm>> -> memref<80xi32, #tpu.memory_space<hbm>>
          %dma_start3A_131 = tpu.memref_slice %arg4[%multiple_of3A_126] : memref<320000xi32, #tpu.memory_space<hbm>> -> memref<80xi32, #tpu.memory_space<hbm>>
          tpu.enqueue_dma source(%dma_start3A_131 : memref<80xi32, #tpu.memory_space<hbm>>) target(%arg14 : memref<80xi32, #tpu.memory_space<vmem>>) target_semaphore(%run_scoped3A : memref<!tpu.dma_semaphore, #tpu.memory_space<semaphore_mem>>)
          %dma_wait3A_132 = tpu.memref_slice %arg4[%multiple_of3A_126] : memref<320000xi32, #tpu.memory_space<hbm>> -> memref<80xi32, #tpu.memory_space<hbm>>
          %dma_wait3A_133 = tpu.memref_slice %arg4[%multiple_of3A_126] : memref<320000xi32, #tpu.memory_space<hbm>> -> memref<80xi32, #tpu.memory_space<hbm>>
          tpu.wait_dma2 semaphore(%run_scoped3A : memref<!tpu.dma_semaphore, #tpu.memory_space<semaphore_mem>>) src(%dma_wait3A_133 : memref<80xi32, #tpu.memory_space<hbm>>) dst(%arg14 : memref<80xi32, #tpu.memory_space<vmem>>)
          tpu.yield
        }) : () -> ()
        %dma_start3A_127 = arith.constant 0 : i32
        %dma_start3A_128 = arith.constant 0 : i32
        %dma_start3A_129 = tpu.memref_slice %arg2[%dma_start3A_127, %dma_start3A_128] : memref<10000x128xf32, #tpu.memory_space<hbm>> -> memref<10000x128xf32, #tpu.memory_space<hbm>>
        tpu.enqueue_indirect_dma source(%dma_start3A_129 : memref<10000x128xf32, #tpu.memory_space<hbm>>) target(%arg18 : memref<80x128xf32, #tpu.memory_space<vmem>>) offsets(%arg10 : memref<80xi32, #tpu.memory_space<vmem>>) semaphore(%arg23 : memref<!tpu.dma_semaphore, #tpu.memory_space<semaphore_mem>>)
      } else {
      }
      %add3A_67 = arith.constant 1 : i32
      %add3A_68 = arith.addi %mul3A_52, %add3A_67 : i32
      %dma_wait3A_69 = arith.constant 0 : i32
      %dma_wait3A_70 = arith.constant 0 : i32
      %dma_wait3A_71 = tpu.memref_slice %arg2[%dma_wait3A_69, %dma_wait3A_70] : memref<10000x128xf32, #tpu.memory_space<hbm>> -> memref<10000x128xf32, #tpu.memory_space<hbm>>
      tpu.wait_indirect_dma semaphore(%arg21 : memref<!tpu.dma_semaphore, #tpu.memory_space<semaphore_mem>>) src(%dma_wait3A_71 : memref<10000x128xf32, #tpu.memory_space<hbm>>) dst(%arg16 : memref<80x128xf32, #tpu.memory_space<vmem>>)
      %dma_start3A_72 = arith.constant 0 : i32
      %dma_start3A_73 = arith.constant 0 : i32
      %dma_start3A_74 = tpu.memref_slice %arg19[%dma_start3A_72, %dma_start3A_73] : memref<10240x128xf32, #tpu.memory_space<vmem_shared>> -> memref<10240x128xf32, #tpu.memory_space<vmem_shared>>
      tpu.enqueue_indirect_dma source(%arg16 : memref<80x128xf32, #tpu.memory_space<vmem>>) target(%dma_start3A_74 : memref<10240x128xf32, #tpu.memory_space<vmem_shared>>) offsets(%arg12 : memref<80xi32, #tpu.memory_space<vmem>>) semaphore(%arg25 : memref<!tpu.dma_semaphore, #tpu.memory_space<semaphore_mem>>) {add = true}
      %add3A_75 = arith.constant 4 : i32
      %add3A_76 = arith.addi %add3A_68, %add3A_75 : i32
      %sub3A = arith.constant 1 : i32
      %sub3A_77 = arith.subi %add3A_76, %sub3A : i32
      %lt3A = arith.constant 125 : i32
      %lt3A_78 = arith.cmpi slt, %sub3A_77, %lt3A : i32
      %convert_element_type3A_79 = arith.extui %lt3A_78 : i1 to i32
      %cond3A_80 = arith.constant 0 : i32
      %cond3A_81 = arith.cmpi ne, %convert_element_type3A_79, %cond3A_80 : i32
      scf.if %cond3A_81 {
        %dma_wait3A_116 = arith.constant 0 : i32
        %dma_wait3A_117 = arith.constant 0 : i32
        %dma_wait3A_118 = tpu.memref_slice %arg19[%dma_wait3A_116, %dma_wait3A_117] : memref<10240x128xf32, #tpu.memory_space<vmem_shared>> -> memref<10240x128xf32, #tpu.memory_space<vmem_shared>>
        tpu.wait_indirect_dma semaphore(%arg24 : memref<!tpu.dma_semaphore, #tpu.memory_space<semaphore_mem>>) src(%arg15 : memref<80x128xf32, #tpu.memory_space<vmem>>) dst(%dma_wait3A_118 : memref<10240x128xf32, #tpu.memory_space<vmem_shared>>)
        %add3A_119 = arith.constant 4 : i32
        %add3A_120 = arith.addi %add3A_68, %add3A_119 : i32
        %sub3A_121 = arith.constant 1 : i32
        %sub3A_122 = arith.subi %add3A_120, %sub3A_121 : i32
        %mul3A_123 = arith.constant 80 : i32
        %mul3A_124 = arith.muli %sub3A_122, %mul3A_123 : i32
        %add3A_125 = arith.addi %mul3A_2, %mul3A_124 : i32
        %multiple_of3A_126 = tpu.assume_multiple %add3A_125, 8 : i32
        "tpu.region"() ({
          %run_scoped3A = tpu.sem_alloc : memref<!tpu.dma_semaphore, #tpu.memory_space<semaphore_mem>>
          %dma_start3A_130 = tpu.memref_slice %arg3[%multiple_of3A_126] : memref<320000xi32, #tpu.memory_space<hbm>> -> memref<80xi32, #tpu.memory_space<hbm>>
          %dma_start3A_131 = tpu.memref_slice %arg3[%multiple_of3A_126] : memref<320000xi32, #tpu.memory_space<hbm>> -> memref<80xi32, #tpu.memory_space<hbm>>
          tpu.enqueue_dma source(%dma_start3A_131 : memref<80xi32, #tpu.memory_space<hbm>>) target(%arg7 : memref<80xi32, #tpu.memory_space<vmem>>) target_semaphore(%run_scoped3A : memref<!tpu.dma_semaphore, #tpu.memory_space<semaphore_mem>>)
          %dma_wait3A_132 = tpu.memref_slice %arg3[%multiple_of3A_126] : memref<320000xi32, #tpu.memory_space<hbm>> -> memref<80xi32, #tpu.memory_space<hbm>>
          %dma_wait3A_133 = tpu.memref_slice %arg3[%multiple_of3A_126] : memref<320000xi32, #tpu.memory_space<hbm>> -> memref<80xi32, #tpu.memory_space<hbm>>
          tpu.wait_dma2 semaphore(%run_scoped3A : memref<!tpu.dma_semaphore, #tpu.memory_space<semaphore_mem>>) src(%dma_wait3A_133 : memref<80xi32, #tpu.memory_space<hbm>>) dst(%arg7 : memref<80xi32, #tpu.memory_space<vmem>>)
          tpu.yield
        }) : () -> ()
        "tpu.region"() ({
          %run_scoped3A = tpu.sem_alloc : memref<!tpu.dma_semaphore, #tpu.memory_space<semaphore_mem>>
          %dma_start3A_130 = tpu.memref_slice %arg4[%multiple_of3A_126] : memref<320000xi32, #tpu.memory_space<hbm>> -> memref<80xi32, #tpu.memory_space<hbm>>
          %dma_start3A_131 = tpu.memref_slice %arg4[%multiple_of3A_126] : memref<320000xi32, #tpu.memory_space<hbm>> -> memref<80xi32, #tpu.memory_space<hbm>>
          tpu.enqueue_dma source(%dma_start3A_131 : memref<80xi32, #tpu.memory_space<hbm>>) target(%arg11 : memref<80xi32, #tpu.memory_space<vmem>>) target_semaphore(%run_scoped3A : memref<!tpu.dma_semaphore, #tpu.memory_space<semaphore_mem>>)
          %dma_wait3A_132 = tpu.memref_slice %arg4[%multiple_of3A_126] : memref<320000xi32, #tpu.memory_space<hbm>> -> memref<80xi32, #tpu.memory_space<hbm>>
          %dma_wait3A_133 = tpu.memref_slice %arg4[%multiple_of3A_126] : memref<320000xi32, #tpu.memory_space<hbm>> -> memref<80xi32, #tpu.memory_space<hbm>>
          tpu.wait_dma2 semaphore(%run_scoped3A : memref<!tpu.dma_semaphore, #tpu.memory_space<semaphore_mem>>) src(%dma_wait3A_133 : memref<80xi32, #tpu.memory_space<hbm>>) dst(%arg11 : memref<80xi32, #tpu.memory_space<vmem>>)
          tpu.yield
        }) : () -> ()
        %dma_start3A_127 = arith.constant 0 : i32
        %dma_start3A_128 = arith.constant 0 : i32
        %dma_start3A_129 = tpu.memref_slice %arg2[%dma_start3A_127, %dma_start3A_128] : memref<10000x128xf32, #tpu.memory_space<hbm>> -> memref<10000x128xf32, #tpu.memory_space<hbm>>
        tpu.enqueue_indirect_dma source(%dma_start3A_129 : memref<10000x128xf32, #tpu.memory_space<hbm>>) target(%arg15 : memref<80x128xf32, #tpu.memory_space<vmem>>) offsets(%arg7 : memref<80xi32, #tpu.memory_space<vmem>>) semaphore(%arg20 : memref<!tpu.dma_semaphore, #tpu.memory_space<semaphore_mem>>)
      } else {
      }
      %add3A_82 = arith.constant 2 : i32
      %add3A_83 = arith.addi %mul3A_52, %add3A_82 : i32
      %dma_wait3A_84 = arith.constant 0 : i32
      %dma_wait3A_85 = arith.constant 0 : i32
      %dma_wait3A_86 = tpu.memref_slice %arg2[%dma_wait3A_84, %dma_wait3A_85] : memref<10000x128xf32, #tpu.memory_space<hbm>> -> memref<10000x128xf32, #tpu.memory_space<hbm>>
      tpu.wait_indirect_dma semaphore(%arg22 : memref<!tpu.dma_semaphore, #tpu.memory_space<semaphore_mem>>) src(%dma_wait3A_86 : memref<10000x128xf32, #tpu.memory_space<hbm>>) dst(%arg17 : memref<80x128xf32, #tpu.memory_space<vmem>>)
      %dma_start3A_87 = arith.constant 0 : i32
      %dma_start3A_88 = arith.constant 0 : i32
      %dma_start3A_89 = tpu.memref_slice %arg19[%dma_start3A_87, %dma_start3A_88] : memref<10240x128xf32, #tpu.memory_space<vmem_shared>> -> memref<10240x128xf32, #tpu.memory_space<vmem_shared>>
      tpu.enqueue_indirect_dma source(%arg17 : memref<80x128xf32, #tpu.memory_space<vmem>>) target(%dma_start3A_89 : memref<10240x128xf32, #tpu.memory_space<vmem_shared>>) offsets(%arg13 : memref<80xi32, #tpu.memory_space<vmem>>) semaphore(%arg26 : memref<!tpu.dma_semaphore, #tpu.memory_space<semaphore_mem>>) {add = true}
      %add3A_90 = arith.constant 4 : i32
      %add3A_91 = arith.addi %add3A_83, %add3A_90 : i32
      %sub3A_92 = arith.constant 1 : i32
      %sub3A_93 = arith.subi %add3A_91, %sub3A_92 : i32
      %lt3A_94 = arith.constant 125 : i32
      %lt3A_95 = arith.cmpi slt, %sub3A_93, %lt3A_94 : i32
      %convert_element_type3A_96 = arith.extui %lt3A_95 : i1 to i32
      %cond3A_97 = arith.constant 0 : i32
      %cond3A_98 = arith.cmpi ne, %convert_element_type3A_96, %cond3A_97 : i32
      scf.if %cond3A_98 {
        %dma_wait3A_116 = arith.constant 0 : i32
        %dma_wait3A_117 = arith.constant 0 : i32
        %dma_wait3A_118 = tpu.memref_slice %arg19[%dma_wait3A_116, %dma_wait3A_117] : memref<10240x128xf32, #tpu.memory_space<vmem_shared>> -> memref<10240x128xf32, #tpu.memory_space<vmem_shared>>
        tpu.wait_indirect_dma semaphore(%arg25 : memref<!tpu.dma_semaphore, #tpu.memory_space<semaphore_mem>>) src(%arg16 : memref<80x128xf32, #tpu.memory_space<vmem>>) dst(%dma_wait3A_118 : memref<10240x128xf32, #tpu.memory_space<vmem_shared>>)
        %add3A_119 = arith.constant 4 : i32
        %add3A_120 = arith.addi %add3A_83, %add3A_119 : i32
        %sub3A_121 = arith.constant 1 : i32
        %sub3A_122 = arith.subi %add3A_120, %sub3A_121 : i32
        %mul3A_123 = arith.constant 80 : i32
        %mul3A_124 = arith.muli %sub3A_122, %mul3A_123 : i32
        %add3A_125 = arith.addi %mul3A_2, %mul3A_124 : i32
        %multiple_of3A_126 = tpu.assume_multiple %add3A_125, 8 : i32
        "tpu.region"() ({
          %run_scoped3A = tpu.sem_alloc : memref<!tpu.dma_semaphore, #tpu.memory_space<semaphore_mem>>
          %dma_start3A_130 = tpu.memref_slice %arg3[%multiple_of3A_126] : memref<320000xi32, #tpu.memory_space<hbm>> -> memref<80xi32, #tpu.memory_space<hbm>>
          %dma_start3A_131 = tpu.memref_slice %arg3[%multiple_of3A_126] : memref<320000xi32, #tpu.memory_space<hbm>> -> memref<80xi32, #tpu.memory_space<hbm>>
          tpu.enqueue_dma source(%dma_start3A_131 : memref<80xi32, #tpu.memory_space<hbm>>) target(%arg8 : memref<80xi32, #tpu.memory_space<vmem>>) target_semaphore(%run_scoped3A : memref<!tpu.dma_semaphore, #tpu.memory_space<semaphore_mem>>)
          %dma_wait3A_132 = tpu.memref_slice %arg3[%multiple_of3A_126] : memref<320000xi32, #tpu.memory_space<hbm>> -> memref<80xi32, #tpu.memory_space<hbm>>
          %dma_wait3A_133 = tpu.memref_slice %arg3[%multiple_of3A_126] : memref<320000xi32, #tpu.memory_space<hbm>> -> memref<80xi32, #tpu.memory_space<hbm>>
          tpu.wait_dma2 semaphore(%run_scoped3A : memref<!tpu.dma_semaphore, #tpu.memory_space<semaphore_mem>>) src(%dma_wait3A_133 : memref<80xi32, #tpu.memory_space<hbm>>) dst(%arg8 : memref<80xi32, #tpu.memory_space<vmem>>)
          tpu.yield
        }) : () -> ()
        "tpu.region"() ({
          %run_scoped3A = tpu.sem_alloc : memref<!tpu.dma_semaphore, #tpu.memory_space<semaphore_mem>>
          %dma_start3A_130 = tpu.memref_slice %arg4[%multiple_of3A_126] : memref<320000xi32, #tpu.memory_space<hbm>> -> memref<80xi32, #tpu.memory_space<hbm>>
          %dma_start3A_131 = tpu.memref_slice %arg4[%multiple_of3A_126] : memref<320000xi32, #tpu.memory_space<hbm>> -> memref<80xi32, #tpu.memory_space<hbm>>
          tpu.enqueue_dma source(%dma_start3A_131 : memref<80xi32, #tpu.memory_space<hbm>>) target(%arg12 : memref<80xi32, #tpu.memory_space<vmem>>) target_semaphore(%run_scoped3A : memref<!tpu.dma_semaphore, #tpu.memory_space<semaphore_mem>>)
          %dma_wait3A_132 = tpu.memref_slice %arg4[%multiple_of3A_126] : memref<320000xi32, #tpu.memory_space<hbm>> -> memref<80xi32, #tpu.memory_space<hbm>>
          %dma_wait3A_133 = tpu.memref_slice %arg4[%multiple_of3A_126] : memref<320000xi32, #tpu.memory_space<hbm>> -> memref<80xi32, #tpu.memory_space<hbm>>
          tpu.wait_dma2 semaphore(%run_scoped3A : memref<!tpu.dma_semaphore, #tpu.memory_space<semaphore_mem>>) src(%dma_wait3A_133 : memref<80xi32, #tpu.memory_space<hbm>>) dst(%arg12 : memref<80xi32, #tpu.memory_space<vmem>>)
          tpu.yield
        }) : () -> ()
        %dma_start3A_127 = arith.constant 0 : i32
        %dma_start3A_128 = arith.constant 0 : i32
        %dma_start3A_129 = tpu.memref_slice %arg2[%dma_start3A_127, %dma_start3A_128] : memref<10000x128xf32, #tpu.memory_space<hbm>> -> memref<10000x128xf32, #tpu.memory_space<hbm>>
        tpu.enqueue_indirect_dma source(%dma_start3A_129 : memref<10000x128xf32, #tpu.memory_space<hbm>>) target(%arg16 : memref<80x128xf32, #tpu.memory_space<vmem>>) offsets(%arg8 : memref<80xi32, #tpu.memory_space<vmem>>) semaphore(%arg21 : memref<!tpu.dma_semaphore, #tpu.memory_space<semaphore_mem>>)
      } else {
      }
      %add3A_99 = arith.constant 3 : i32
      %add3A_100 = arith.addi %mul3A_52, %add3A_99 : i32
      %dma_wait3A_101 = arith.constant 0 : i32
      %dma_wait3A_102 = arith.constant 0 : i32
      %dma_wait3A_103 = tpu.memref_slice %arg2[%dma_wait3A_101, %dma_wait3A_102] : memref<10000x128xf32, #tpu.memory_space<hbm>> -> memref<10000x128xf32, #tpu.memory_space<hbm>>
      tpu.wait_indirect_dma semaphore(%arg23 : memref<!tpu.dma_semaphore, #tpu.memory_space<semaphore_mem>>) src(%dma_wait3A_103 : memref<10000x128xf32, #tpu.memory_space<hbm>>) dst(%arg18 : memref<80x128xf32, #tpu.memory_space<vmem>>)
      %dma_start3A_104 = arith.constant 0 : i32
      %dma_start3A_105 = arith.constant 0 : i32
      %dma_start3A_106 = tpu.memref_slice %arg19[%dma_start3A_104, %dma_start3A_105] : memref<10240x128xf32, #tpu.memory_space<vmem_shared>> -> memref<10240x128xf32, #tpu.memory_space<vmem_shared>>
      tpu.enqueue_indirect_dma source(%arg18 : memref<80x128xf32, #tpu.memory_space<vmem>>) target(%dma_start3A_106 : memref<10240x128xf32, #tpu.memory_space<vmem_shared>>) offsets(%arg14 : memref<80xi32, #tpu.memory_space<vmem>>) semaphore(%arg27 : memref<!tpu.dma_semaphore, #tpu.memory_space<semaphore_mem>>) {add = true}
      %add3A_107 = arith.constant 4 : i32
      %add3A_108 = arith.addi %add3A_100, %add3A_107 : i32
      %sub3A_109 = arith.constant 1 : i32
      %sub3A_110 = arith.subi %add3A_108, %sub3A_109 : i32
      %lt3A_111 = arith.constant 125 : i32
      %lt3A_112 = arith.cmpi slt, %sub3A_110, %lt3A_111 : i32
      %convert_element_type3A_113 = arith.extui %lt3A_112 : i1 to i32
      %cond3A_114 = arith.constant 0 : i32
      %cond3A_115 = arith.cmpi ne, %convert_element_type3A_113, %cond3A_114 : i32
      scf.if %cond3A_115 {
        %dma_wait3A_116 = arith.constant 0 : i32
        %dma_wait3A_117 = arith.constant 0 : i32
        %dma_wait3A_118 = tpu.memref_slice %arg19[%dma_wait3A_116, %dma_wait3A_117] : memref<10240x128xf32, #tpu.memory_space<vmem_shared>> -> memref<10240x128xf32, #tpu.memory_space<vmem_shared>>
        tpu.wait_indirect_dma semaphore(%arg26 : memref<!tpu.dma_semaphore, #tpu.memory_space<semaphore_mem>>) src(%arg17 : memref<80x128xf32, #tpu.memory_space<vmem>>) dst(%dma_wait3A_118 : memref<10240x128xf32, #tpu.memory_space<vmem_shared>>)
        %add3A_119 = arith.constant 4 : i32
        %add3A_120 = arith.addi %add3A_100, %add3A_119 : i32
        %sub3A_121 = arith.constant 1 : i32
        %sub3A_122 = arith.subi %add3A_120, %sub3A_121 : i32
        %mul3A_123 = arith.constant 80 : i32
        %mul3A_124 = arith.muli %sub3A_122, %mul3A_123 : i32
        %add3A_125 = arith.addi %mul3A_2, %mul3A_124 : i32
        %multiple_of3A_126 = tpu.assume_multiple %add3A_125, 8 : i32
        "tpu.region"() ({
          %run_scoped3A = tpu.sem_alloc : memref<!tpu.dma_semaphore, #tpu.memory_space<semaphore_mem>>
          %dma_start3A_130 = tpu.memref_slice %arg3[%multiple_of3A_126] : memref<320000xi32, #tpu.memory_space<hbm>> -> memref<80xi32, #tpu.memory_space<hbm>>
          %dma_start3A_131 = tpu.memref_slice %arg3[%multiple_of3A_126] : memref<320000xi32, #tpu.memory_space<hbm>> -> memref<80xi32, #tpu.memory_space<hbm>>
          tpu.enqueue_dma source(%dma_start3A_131 : memref<80xi32, #tpu.memory_space<hbm>>) target(%arg9 : memref<80xi32, #tpu.memory_space<vmem>>) target_semaphore(%run_scoped3A : memref<!tpu.dma_semaphore, #tpu.memory_space<semaphore_mem>>)
          %dma_wait3A_132 = tpu.memref_slice %arg3[%multiple_of3A_126] : memref<320000xi32, #tpu.memory_space<hbm>> -> memref<80xi32, #tpu.memory_space<hbm>>
          %dma_wait3A_133 = tpu.memref_slice %arg3[%multiple_of3A_126] : memref<320000xi32, #tpu.memory_space<hbm>> -> memref<80xi32, #tpu.memory_space<hbm>>
          tpu.wait_dma2 semaphore(%run_scoped3A : memref<!tpu.dma_semaphore, #tpu.memory_space<semaphore_mem>>) src(%dma_wait3A_133 : memref<80xi32, #tpu.memory_space<hbm>>) dst(%arg9 : memref<80xi32, #tpu.memory_space<vmem>>)
          tpu.yield
        }) : () -> ()
        "tpu.region"() ({
          %run_scoped3A = tpu.sem_alloc : memref<!tpu.dma_semaphore, #tpu.memory_space<semaphore_mem>>
          %dma_start3A_130 = tpu.memref_slice %arg4[%multiple_of3A_126] : memref<320000xi32, #tpu.memory_space<hbm>> -> memref<80xi32, #tpu.memory_space<hbm>>
          %dma_start3A_131 = tpu.memref_slice %arg4[%multiple_of3A_126] : memref<320000xi32, #tpu.memory_space<hbm>> -> memref<80xi32, #tpu.memory_space<hbm>>
          tpu.enqueue_dma source(%dma_start3A_131 : memref<80xi32, #tpu.memory_space<hbm>>) target(%arg13 : memref<80xi32, #tpu.memory_space<vmem>>) target_semaphore(%run_scoped3A : memref<!tpu.dma_semaphore, #tpu.memory_space<semaphore_mem>>)
          %dma_wait3A_132 = tpu.memref_slice %arg4[%multiple_of3A_126] : memref<320000xi32, #tpu.memory_space<hbm>> -> memref<80xi32, #tpu.memory_space<hbm>>
          %dma_wait3A_133 = tpu.memref_slice %arg4[%multiple_of3A_126] : memref<320000xi32, #tpu.memory_space<hbm>> -> memref<80xi32, #tpu.memory_space<hbm>>
          tpu.wait_dma2 semaphore(%run_scoped3A : memref<!tpu.dma_semaphore, #tpu.memory_space<semaphore_mem>>) src(%dma_wait3A_133 : memref<80xi32, #tpu.memory_space<hbm>>) dst(%arg13 : memref<80xi32, #tpu.memory_space<vmem>>)
          tpu.yield
        }) : () -> ()
        %dma_start3A_127 = arith.constant 0 : i32
        %dma_start3A_128 = arith.constant 0 : i32
        %dma_start3A_129 = tpu.memref_slice %arg2[%dma_start3A_127, %dma_start3A_128] : memref<10000x128xf32, #tpu.memory_space<hbm>> -> memref<10000x128xf32, #tpu.memory_space<hbm>>
        tpu.enqueue_indirect_dma source(%dma_start3A_129 : memref<10000x128xf32, #tpu.memory_space<hbm>>) target(%arg17 : memref<80x128xf32, #tpu.memory_space<vmem>>) offsets(%arg9 : memref<80xi32, #tpu.memory_space<vmem>>) semaphore(%arg22 : memref<!tpu.dma_semaphore, #tpu.memory_space<semaphore_mem>>)
      } else {
      }
    }
    %scan3A_27 = arith.constant 31 : i32
    %dma_wait3A = arith.constant 0 : i32
    %dma_wait3A_28 = arith.constant 0 : i32
    %dma_wait3A_29 = tpu.memref_slice %arg2[%dma_wait3A, %dma_wait3A_28] : memref<10000x128xf32, #tpu.memory_space<hbm>> -> memref<10000x128xf32, #tpu.memory_space<hbm>>
    tpu.wait_indirect_dma semaphore(%arg20 : memref<!tpu.dma_semaphore, #tpu.memory_space<semaphore_mem>>) src(%dma_wait3A_29 : memref<10000x128xf32, #tpu.memory_space<hbm>>) dst(%arg15 : memref<80x128xf32, #tpu.memory_space<vmem>>)
    %dma_start3A_30 = arith.constant 0 : i32
    %dma_start3A_31 = arith.constant 0 : i32
    %dma_start3A_32 = tpu.memref_slice %arg19[%dma_start3A_30, %dma_start3A_31] : memref<10240x128xf32, #tpu.memory_space<vmem_shared>> -> memref<10240x128xf32, #tpu.memory_space<vmem_shared>>
    tpu.enqueue_indirect_dma source(%arg15 : memref<80x128xf32, #tpu.memory_space<vmem>>) target(%dma_start3A_32 : memref<10240x128xf32, #tpu.memory_space<vmem_shared>>) offsets(%arg11 : memref<80xi32, #tpu.memory_space<vmem>>) semaphore(%arg24 : memref<!tpu.dma_semaphore, #tpu.memory_space<semaphore_mem>>) {add = true}
    %dma_wait3A_33 = arith.constant 0 : i32
    %dma_wait3A_34 = arith.constant 0 : i32
    %dma_wait3A_35 = tpu.memref_slice %arg19[%dma_wait3A_33, %dma_wait3A_34] : memref<10240x128xf32, #tpu.memory_space<vmem_shared>> -> memref<10240x128xf32, #tpu.memory_space<vmem_shared>>
    tpu.wait_indirect_dma semaphore(%arg25 : memref<!tpu.dma_semaphore, #tpu.memory_space<semaphore_mem>>) src(%arg16 : memref<80x128xf32, #tpu.memory_space<vmem>>) dst(%dma_wait3A_35 : memref<10240x128xf32, #tpu.memory_space<vmem_shared>>)
    %dma_wait3A_36 = arith.constant 0 : i32
    %dma_wait3A_37 = arith.constant 0 : i32
    %dma_wait3A_38 = tpu.memref_slice %arg19[%dma_wait3A_36, %dma_wait3A_37] : memref<10240x128xf32, #tpu.memory_space<vmem_shared>> -> memref<10240x128xf32, #tpu.memory_space<vmem_shared>>
    tpu.wait_indirect_dma semaphore(%arg26 : memref<!tpu.dma_semaphore, #tpu.memory_space<semaphore_mem>>) src(%arg17 : memref<80x128xf32, #tpu.memory_space<vmem>>) dst(%dma_wait3A_38 : memref<10240x128xf32, #tpu.memory_space<vmem_shared>>)
    %dma_wait3A_39 = arith.constant 0 : i32
    %dma_wait3A_40 = arith.constant 0 : i32
    %dma_wait3A_41 = tpu.memref_slice %arg19[%dma_wait3A_39, %dma_wait3A_40] : memref<10240x128xf32, #tpu.memory_space<vmem_shared>> -> memref<10240x128xf32, #tpu.memory_space<vmem_shared>>
    tpu.wait_indirect_dma semaphore(%arg27 : memref<!tpu.dma_semaphore, #tpu.memory_space<semaphore_mem>>) src(%arg18 : memref<80x128xf32, #tpu.memory_space<vmem>>) dst(%dma_wait3A_41 : memref<10240x128xf32, #tpu.memory_space<vmem_shared>>)
    %dma_wait3A_42 = arith.constant 0 : i32
    %dma_wait3A_43 = arith.constant 0 : i32
    %dma_wait3A_44 = tpu.memref_slice %arg19[%dma_wait3A_42, %dma_wait3A_43] : memref<10240x128xf32, #tpu.memory_space<vmem_shared>> -> memref<10240x128xf32, #tpu.memory_space<vmem_shared>>
    tpu.wait_indirect_dma semaphore(%arg24 : memref<!tpu.dma_semaphore, #tpu.memory_space<semaphore_mem>>) src(%arg15 : memref<80x128xf32, #tpu.memory_space<vmem>>) dst(%dma_wait3A_44 : memref<10240x128xf32, #tpu.memory_space<vmem_shared>>)
    %barrier3A_45 = arith.constant 0 : index
    tpu.barrier barrier_id(%barrier3A_45)
    %mul3A_46 = arith.constant 640 : i32
    %mul3A_47 = arith.muli %mul3A_46, %arg1 : i32
    %mul3A_48 = arith.constant 640 : i32
    %mul3A_49 = arith.muli %mul3A_48, %arg1 : i32
    "tpu.region"() ({
      %run_scoped3A = tpu.sem_alloc : memref<!tpu.dma_semaphore, #tpu.memory_space<semaphore_mem>>
      %dma_start3A_50 = arith.constant 0 : i32
      %dma_start3A_51 = tpu.memref_slice %arg6[%arg0, %mul3A_49, %dma_start3A_50] : memref<2x10240x128xf32, #tpu.memory_space<hbm>> -> memref<1x640x128xf32, #tpu.memory_space<hbm>>
      %dma_start3A_52 = tpu.memref_squeeze %dma_start3A_51 : memref<1x640x128xf32, #tpu.memory_space<hbm>> -> memref<640x128xf32, #tpu.memory_space<hbm>>
      %dma_start3A_53 = arith.constant 0 : i32
      %dma_start3A_54 = tpu.memref_slice %arg19[%mul3A_47, %dma_start3A_53] : memref<10240x128xf32, #tpu.memory_space<vmem_shared>> -> memref<640x128xf32, #tpu.memory_space<vmem_shared>>
      tpu.enqueue_dma source(%dma_start3A_54 : memref<640x128xf32, #tpu.memory_space<vmem_shared>>) target(%dma_start3A_52 : memref<640x128xf32, #tpu.memory_space<hbm>>) target_semaphore(%run_scoped3A : memref<!tpu.dma_semaphore, #tpu.memory_space<semaphore_mem>>)
      %dma_wait3A_55 = arith.constant 0 : i32
      %dma_wait3A_56 = tpu.memref_slice %arg6[%arg0, %mul3A_49, %dma_wait3A_55] : memref<2x10240x128xf32, #tpu.memory_space<hbm>> -> memref<1x640x128xf32, #tpu.memory_space<hbm>>
      %dma_wait3A_57 = tpu.memref_squeeze %dma_wait3A_56 : memref<1x640x128xf32, #tpu.memory_space<hbm>> -> memref<640x128xf32, #tpu.memory_space<hbm>>
      %dma_wait3A_58 = arith.constant 0 : i32
      %dma_wait3A_59 = tpu.memref_slice %arg19[%mul3A_47, %dma_wait3A_58] : memref<10240x128xf32, #tpu.memory_space<vmem_shared>> -> memref<640x128xf32, #tpu.memory_space<vmem_shared>>
      tpu.wait_dma2 semaphore(%run_scoped3A : memref<!tpu.dma_semaphore, #tpu.memory_space<semaphore_mem>>) src(%dma_wait3A_59 : memref<640x128xf32, #tpu.memory_space<vmem_shared>>) dst(%dma_wait3A_57 : memref<640x128xf32, #tpu.memory_space<hbm>>)
      tpu.yield
    }) : () -> ()
    return
  }
}

#map = affine_map<(d0, d1) -> (0, 0)>
#map1 = affine_map<(d0, d1) -> (0)>
#map2 = affine_map<(d0, d1) -> (0, 0, 0)>
module attributes {stable_mosaic.version = 14 : i64} {
  func.func @edge_kernel(%arg0: i32, %arg1: i32, %arg2: memref<10000x128xf32, #tpu.memory_space<hbm>>, %arg3: memref<320000xi32, #tpu.memory_space<hbm>>, %arg4: memref<320000xi32, #tpu.memory_space<hbm>>, %arg5: memref<10240x128xf32, #tpu.memory_space<hbm>>, %arg6: memref<2x10240x128xf32, #tpu.memory_space<hbm>>, %arg7: memref<80xi32, #tpu.memory_space<vmem>>, %arg8: memref<80xi32, #tpu.memory_space<vmem>>, %arg9: memref<80xi32, #tpu.memory_space<vmem>>, %arg10: memref<80xi32, #tpu.memory_space<vmem>>, %arg11: memref<80xi32, #tpu.memory_space<vmem>>, %arg12: memref<80xi32, #tpu.memory_space<vmem>>, %arg13: memref<80xi32, #tpu.memory_space<vmem>>, %arg14: memref<80xi32, #tpu.memory_space<vmem>>, %arg15: memref<80x128xf32, #tpu.memory_space<vmem>>, %arg16: memref<80x128xf32, #tpu.memory_space<vmem>>, %arg17: memref<80x128xf32, #tpu.memory_space<vmem>>, %arg18: memref<80x128xf32, #tpu.memory_space<vmem>>, %arg19: memref<10240x128xf32, #tpu.memory_space<vmem_shared>>, %arg20: memref<!tpu.dma_semaphore, #tpu.memory_space<semaphore_mem>>, %arg21: memref<!tpu.dma_semaphore, #tpu.memory_space<semaphore_mem>>, %arg22: memref<!tpu.dma_semaphore, #tpu.memory_space<semaphore_mem>>, %arg23: memref<!tpu.dma_semaphore, #tpu.memory_space<semaphore_mem>>, %arg24: memref<!tpu.dma_semaphore, #tpu.memory_space<semaphore_mem>>, %arg25: memref<!tpu.dma_semaphore, #tpu.memory_space<semaphore_mem>>, %arg26: memref<!tpu.dma_semaphore, #tpu.memory_space<semaphore_mem>>, %arg27: memref<!tpu.dma_semaphore, #tpu.memory_space<semaphore_mem>>) attributes {dimension_semantics = [#tpu.dimension_semantics<core_parallel>, #tpu.dimension_semantics<subcore_parallel>], iteration_bounds = array<i64: 2, 16>, scalar_prefetch = 0 : i64, scratch_operands = 21 : i64, tpu.core_type = #tpu.core_type<sc_vector_subcore>, window_params = [{transform_indices = #map}, {transform_indices = #map1}, {transform_indices = #map1}, {transform_indices = #map}, {transform_indices = #map2}]} {
    %mul3A = arith.constant 2 : i32
    %mul3A_0 = arith.muli %arg1, %mul3A : i32
    %add3A = arith.addi %mul3A_0, %arg0 : i32
    %mul3A_1 = arith.constant 10000 : i32
    %mul3A_2 = arith.muli %add3A, %mul3A_1 : i32
    %mul3A_3 = arith.constant 640 : i32
    %mul3A_4 = arith.muli %mul3A_3, %arg1 : i32
    %mul3A_5 = arith.constant 640 : i32
    %mul3A_6 = arith.muli %mul3A_5, %arg1 : i32
    "tpu.region"() ({
      %run_scoped3A = tpu.sem_alloc : memref<!tpu.dma_semaphore, #tpu.memory_space<semaphore_mem>>
      %dma_start3A_50 = arith.constant 0 : i32
      %dma_start3A_51 = tpu.memref_slice %arg19[%mul3A_6, %dma_start3A_50] : memref<10240x128xf32, #tpu.memory_space<vmem_shared>> -> memref<640x128xf32, #tpu.memory_space<vmem_shared>>
      %dma_start3A_52 = arith.constant 0 : i32
      %dma_start3A_53 = tpu.memref_slice %arg5[%mul3A_4, %dma_start3A_52] : memref<10240x128xf32, #tpu.memory_space<hbm>> -> memref<640x128xf32, #tpu.memory_space<hbm>>
      tpu.enqueue_dma source(%dma_start3A_53 : memref<640x128xf32, #tpu.memory_space<hbm>>) target(%dma_start3A_51 : memref<640x128xf32, #tpu.memory_space<vmem_shared>>) target_semaphore(%run_scoped3A : memref<!tpu.dma_semaphore, #tpu.memory_space<semaphore_mem>>)
      %dma_wait3A_54 = arith.constant 0 : i32
      %dma_wait3A_55 = tpu.memref_slice %arg19[%mul3A_6, %dma_wait3A_54] : memref<10240x128xf32, #tpu.memory_space<vmem_shared>> -> memref<640x128xf32, #tpu.memory_space<vmem_shared>>
      %dma_wait3A_56 = arith.constant 0 : i32
      %dma_wait3A_57 = tpu.memref_slice %arg5[%mul3A_4, %dma_wait3A_56] : memref<10240x128xf32, #tpu.memory_space<hbm>> -> memref<640x128xf32, #tpu.memory_space<hbm>>
      tpu.wait_dma2 semaphore(%run_scoped3A : memref<!tpu.dma_semaphore, #tpu.memory_space<semaphore_mem>>) src(%dma_wait3A_57 : memref<640x128xf32, #tpu.memory_space<hbm>>) dst(%dma_wait3A_55 : memref<640x128xf32, #tpu.memory_space<vmem_shared>>)
      tpu.yield
    }) : () -> ()
    %barrier3A = arith.constant 0 : index
    tpu.barrier barrier_id(%barrier3A)
    %add3A_7 = arith.constant 0 : i32
    %add3A_8 = arith.addi %mul3A_2, %add3A_7 : i32
    %multiple_of3A = tpu.assume_multiple %add3A_8, 8 : i32
    "tpu.region"() ({
      %run_scoped3A = tpu.sem_alloc : memref<!tpu.dma_semaphore, #tpu.memory_space<semaphore_mem>>
      %dma_start3A_50 = tpu.memref_slice %arg3[%multiple_of3A] : memref<320000xi32, #tpu.memory_space<hbm>> -> memref<80xi32, #tpu.memory_space<hbm>>
      %dma_start3A_51 = tpu.memref_slice %arg3[%multiple_of3A] : memref<320000xi32, #tpu.memory_space<hbm>> -> memref<80xi32, #tpu.memory_space<hbm>>
      tpu.enqueue_dma source(%dma_start3A_51 : memref<80xi32, #tpu.memory_space<hbm>>) target(%arg7 : memref<80xi32, #tpu.memory_space<vmem>>) target_semaphore(%run_scoped3A : memref<!tpu.dma_semaphore, #tpu.memory_space<semaphore_mem>>)
      %dma_wait3A_52 = tpu.memref_slice %arg3[%multiple_of3A] : memref<320000xi32, #tpu.memory_space<hbm>> -> memref<80xi32, #tpu.memory_space<hbm>>
      %dma_wait3A_53 = tpu.memref_slice %arg3[%multiple_of3A] : memref<320000xi32, #tpu.memory_space<hbm>> -> memref<80xi32, #tpu.memory_space<hbm>>
      tpu.wait_dma2 semaphore(%run_scoped3A : memref<!tpu.dma_semaphore, #tpu.memory_space<semaphore_mem>>) src(%dma_wait3A_53 : memref<80xi32, #tpu.memory_space<hbm>>) dst(%arg7 : memref<80xi32, #tpu.memory_space<vmem>>)
      tpu.yield
    }) : () -> ()
    "tpu.region"() ({
      %run_scoped3A = tpu.sem_alloc : memref<!tpu.dma_semaphore, #tpu.memory_space<semaphore_mem>>
      %dma_start3A_50 = tpu.memref_slice %arg4[%multiple_of3A] : memref<320000xi32, #tpu.memory_space<hbm>> -> memref<80xi32, #tpu.memory_space<hbm>>
      %dma_start3A_51 = tpu.memref_slice %arg4[%multiple_of3A] : memref<320000xi32, #tpu.memory_space<hbm>> -> memref<80xi32, #tpu.memory_space<hbm>>
      tpu.enqueue_dma source(%dma_start3A_51 : memref<80xi32, #tpu.memory_space<hbm>>) target(%arg11 : memref<80xi32, #tpu.memory_space<vmem>>) target_semaphore(%run_scoped3A : memref<!tpu.dma_semaphore, #tpu.memory_space<semaphore_mem>>)
      %dma_wait3A_52 = tpu.memref_slice %arg4[%multiple_of3A] : memref<320000xi32, #tpu.memory_space<hbm>> -> memref<80xi32, #tpu.memory_space<hbm>>
      %dma_wait3A_53 = tpu.memref_slice %arg4[%multiple_of3A] : memref<320000xi32, #tpu.memory_space<hbm>> -> memref<80xi32, #tpu.memory_space<hbm>>
      tpu.wait_dma2 semaphore(%run_scoped3A : memref<!tpu.dma_semaphore, #tpu.memory_space<semaphore_mem>>) src(%dma_wait3A_53 : memref<80xi32, #tpu.memory_space<hbm>>) dst(%arg11 : memref<80xi32, #tpu.memory_space<vmem>>)
      tpu.yield
    }) : () -> ()
    %dma_start3A = arith.constant 0 : i32
    %dma_start3A_9 = arith.constant 0 : i32
    %dma_start3A_10 = tpu.memref_slice %arg2[%dma_start3A, %dma_start3A_9] : memref<10000x128xf32, #tpu.memory_space<hbm>> -> memref<10000x128xf32, #tpu.memory_space<hbm>>
    tpu.enqueue_indirect_dma source(%dma_start3A_10 : memref<10000x128xf32, #tpu.memory_space<hbm>>) target(%arg15 : memref<80x128xf32, #tpu.memory_space<vmem>>) offsets(%arg7 : memref<80xi32, #tpu.memory_space<vmem>>) semaphore(%arg20 : memref<!tpu.dma_semaphore, #tpu.memory_space<semaphore_mem>>)
    %add3A_11 = arith.constant 80 : i32
    %add3A_12 = arith.addi %mul3A_2, %add3A_11 : i32
    %multiple_of3A_13 = tpu.assume_multiple %add3A_12, 8 : i32
    "tpu.region"() ({
      %run_scoped3A = tpu.sem_alloc : memref<!tpu.dma_semaphore, #tpu.memory_space<semaphore_mem>>
      %dma_start3A_50 = tpu.memref_slice %arg3[%multiple_of3A_13] : memref<320000xi32, #tpu.memory_space<hbm>> -> memref<80xi32, #tpu.memory_space<hbm>>
      %dma_start3A_51 = tpu.memref_slice %arg3[%multiple_of3A_13] : memref<320000xi32, #tpu.memory_space<hbm>> -> memref<80xi32, #tpu.memory_space<hbm>>
      tpu.enqueue_dma source(%dma_start3A_51 : memref<80xi32, #tpu.memory_space<hbm>>) target(%arg8 : memref<80xi32, #tpu.memory_space<vmem>>) target_semaphore(%run_scoped3A : memref<!tpu.dma_semaphore, #tpu.memory_space<semaphore_mem>>)
      %dma_wait3A_52 = tpu.memref_slice %arg3[%multiple_of3A_13] : memref<320000xi32, #tpu.memory_space<hbm>> -> memref<80xi32, #tpu.memory_space<hbm>>
      %dma_wait3A_53 = tpu.memref_slice %arg3[%multiple_of3A_13] : memref<320000xi32, #tpu.memory_space<hbm>> -> memref<80xi32, #tpu.memory_space<hbm>>
      tpu.wait_dma2 semaphore(%run_scoped3A : memref<!tpu.dma_semaphore, #tpu.memory_space<semaphore_mem>>) src(%dma_wait3A_53 : memref<80xi32, #tpu.memory_space<hbm>>) dst(%arg8 : memref<80xi32, #tpu.memory_space<vmem>>)
      tpu.yield
    }) : () -> ()
    "tpu.region"() ({
      %run_scoped3A = tpu.sem_alloc : memref<!tpu.dma_semaphore, #tpu.memory_space<semaphore_mem>>
      %dma_start3A_50 = tpu.memref_slice %arg4[%multiple_of3A_13] : memref<320000xi32, #tpu.memory_space<hbm>> -> memref<80xi32, #tpu.memory_space<hbm>>
      %dma_start3A_51 = tpu.memref_slice %arg4[%multiple_of3A_13] : memref<320000xi32, #tpu.memory_space<hbm>> -> memref<80xi32, #tpu.memory_space<hbm>>
      tpu.enqueue_dma source(%dma_start3A_51 : memref<80xi32, #tpu.memory_space<hbm>>) target(%arg12 : memref<80xi32, #tpu.memory_space<vmem>>) target_semaphore(%run_scoped3A : memref<!tpu.dma_semaphore, #tpu.memory_space<semaphore_mem>>)
      %dma_wait3A_52 = tpu.memref_slice %arg4[%multiple_of3A_13] : memref<320000xi32, #tpu.memory_space<hbm>> -> memref<80xi32, #tpu.memory_space<hbm>>
      %dma_wait3A_53 = tpu.memref_slice %arg4[%multiple_of3A_13] : memref<320000xi32, #tpu.memory_space<hbm>> -> memref<80xi32, #tpu.memory_space<hbm>>
      tpu.wait_dma2 semaphore(%run_scoped3A : memref<!tpu.dma_semaphore, #tpu.memory_space<semaphore_mem>>) src(%dma_wait3A_53 : memref<80xi32, #tpu.memory_space<hbm>>) dst(%arg12 : memref<80xi32, #tpu.memory_space<vmem>>)
      tpu.yield
    }) : () -> ()
    %dma_start3A_14 = arith.constant 0 : i32
    %dma_start3A_15 = arith.constant 0 : i32
    %dma_start3A_16 = tpu.memref_slice %arg2[%dma_start3A_14, %dma_start3A_15] : memref<10000x128xf32, #tpu.memory_space<hbm>> -> memref<10000x128xf32, #tpu.memory_space<hbm>>
    tpu.enqueue_indirect_dma source(%dma_start3A_16 : memref<10000x128xf32, #tpu.memory_space<hbm>>) target(%arg16 : memref<80x128xf32, #tpu.memory_space<vmem>>) offsets(%arg8 : memref<80xi32, #tpu.memory_space<vmem>>) semaphore(%arg21 : memref<!tpu.dma_semaphore, #tpu.memory_space<semaphore_mem>>)
    %add3A_17 = arith.constant 160 : i32
    %add3A_18 = arith.addi %mul3A_2, %add3A_17 : i32
    %multiple_of3A_19 = tpu.assume_multiple %add3A_18, 8 : i32
    "tpu.region"() ({
      %run_scoped3A = tpu.sem_alloc : memref<!tpu.dma_semaphore, #tpu.memory_space<semaphore_mem>>
      %dma_start3A_50 = tpu.memref_slice %arg3[%multiple_of3A_19] : memref<320000xi32, #tpu.memory_space<hbm>> -> memref<80xi32, #tpu.memory_space<hbm>>
      %dma_start3A_51 = tpu.memref_slice %arg3[%multiple_of3A_19] : memref<320000xi32, #tpu.memory_space<hbm>> -> memref<80xi32, #tpu.memory_space<hbm>>
      tpu.enqueue_dma source(%dma_start3A_51 : memref<80xi32, #tpu.memory_space<hbm>>) target(%arg9 : memref<80xi32, #tpu.memory_space<vmem>>) target_semaphore(%run_scoped3A : memref<!tpu.dma_semaphore, #tpu.memory_space<semaphore_mem>>)
      %dma_wait3A_52 = tpu.memref_slice %arg3[%multiple_of3A_19] : memref<320000xi32, #tpu.memory_space<hbm>> -> memref<80xi32, #tpu.memory_space<hbm>>
      %dma_wait3A_53 = tpu.memref_slice %arg3[%multiple_of3A_19] : memref<320000xi32, #tpu.memory_space<hbm>> -> memref<80xi32, #tpu.memory_space<hbm>>
      tpu.wait_dma2 semaphore(%run_scoped3A : memref<!tpu.dma_semaphore, #tpu.memory_space<semaphore_mem>>) src(%dma_wait3A_53 : memref<80xi32, #tpu.memory_space<hbm>>) dst(%arg9 : memref<80xi32, #tpu.memory_space<vmem>>)
      tpu.yield
    }) : () -> ()
    "tpu.region"() ({
      %run_scoped3A = tpu.sem_alloc : memref<!tpu.dma_semaphore, #tpu.memory_space<semaphore_mem>>
      %dma_start3A_50 = tpu.memref_slice %arg4[%multiple_of3A_19] : memref<320000xi32, #tpu.memory_space<hbm>> -> memref<80xi32, #tpu.memory_space<hbm>>
      %dma_start3A_51 = tpu.memref_slice %arg4[%multiple_of3A_19] : memref<320000xi32, #tpu.memory_space<hbm>> -> memref<80xi32, #tpu.memory_space<hbm>>
      tpu.enqueue_dma source(%dma_start3A_51 : memref<80xi32, #tpu.memory_space<hbm>>) target(%arg13 : memref<80xi32, #tpu.memory_space<vmem>>) target_semaphore(%run_scoped3A : memref<!tpu.dma_semaphore, #tpu.memory_space<semaphore_mem>>)
      %dma_wait3A_52 = tpu.memref_slice %arg4[%multiple_of3A_19] : memref<320000xi32, #tpu.memory_space<hbm>> -> memref<80xi32, #tpu.memory_space<hbm>>
      %dma_wait3A_53 = tpu.memref_slice %arg4[%multiple_of3A_19] : memref<320000xi32, #tpu.memory_space<hbm>> -> memref<80xi32, #tpu.memory_space<hbm>>
      tpu.wait_dma2 semaphore(%run_scoped3A : memref<!tpu.dma_semaphore, #tpu.memory_space<semaphore_mem>>) src(%dma_wait3A_53 : memref<80xi32, #tpu.memory_space<hbm>>) dst(%arg13 : memref<80xi32, #tpu.memory_space<vmem>>)
      tpu.yield
    }) : () -> ()
    %dma_start3A_20 = arith.constant 0 : i32
    %dma_start3A_21 = arith.constant 0 : i32
    %dma_start3A_22 = tpu.memref_slice %arg2[%dma_start3A_20, %dma_start3A_21] : memref<10000x128xf32, #tpu.memory_space<hbm>> -> memref<10000x128xf32, #tpu.memory_space<hbm>>
    tpu.enqueue_indirect_dma source(%dma_start3A_22 : memref<10000x128xf32, #tpu.memory_space<hbm>>) target(%arg17 : memref<80x128xf32, #tpu.memory_space<vmem>>) offsets(%arg9 : memref<80xi32, #tpu.memory_space<vmem>>) semaphore(%arg22 : memref<!tpu.dma_semaphore, #tpu.memory_space<semaphore_mem>>)
    %scan3A = arith.constant 0 : i32
    %scan3A_23 = arith.constant 0 : i32
    %scan3A_24 = arith.constant 31 : i32
    %scan3A_25 = arith.addi %scan3A_23, %scan3A_24 : i32
    %scan3A_26 = arith.constant 1 : i32
    scf.for %scan3A_50 = %scan3A_23 to %scan3A_25 step %scan3A_26  : i32 {
      %mul3A_51 = arith.constant 4 : i32
      %mul3A_52 = arith.muli %mul3A_51, %scan3A_50 : i32
      %add3A_53 = arith.constant 0 : i32
      %add3A_54 = arith.addi %mul3A_52, %add3A_53 : i32
      %dma_wait3A_55 = arith.constant 0 : i32
      %dma_wait3A_56 = arith.constant 0 : i32
      %dma_wait3A_57 = tpu.memref_slice %arg2[%dma_wait3A_55, %dma_wait3A_56] : memref<10000x128xf32, #tpu.memory_space<hbm>> -> memref<10000x128xf32, #tpu.memory_space<hbm>>
      tpu.wait_indirect_dma semaphore(%arg20 : memref<!tpu.dma_semaphore, #tpu.memory_space<semaphore_mem>>) src(%dma_wait3A_57 : memref<10000x128xf32, #tpu.memory_space<hbm>>) dst(%arg15 : memref<80x128xf32, #tpu.memory_space<vmem>>)
      %dma_start3A_58 = arith.constant 0 : i32
      %dma_start3A_59 = arith.constant 0 : i32
      %dma_start3A_60 = tpu.memref_slice %arg19[%dma_start3A_58, %dma_start3A_59] : memref<10240x128xf32, #tpu.memory_space<vmem_shared>> -> memref<10240x128xf32, #tpu.memory_space<vmem_shared>>
      tpu.enqueue_indirect_dma source(%arg15 : memref<80x128xf32, #tpu.memory_space<vmem>>) target(%dma_start3A_60 : memref<10240x128xf32, #tpu.memory_space<vmem_shared>>) offsets(%arg11 : memref<80xi32, #tpu.memory_space<vmem>>) semaphore(%arg24 : memref<!tpu.dma_semaphore, #tpu.memory_space<semaphore_mem>>) {add = true}
      %eq3A = arith.constant 0 : i32
      %eq3A_61 = arith.cmpi eq, %scan3A_50, %eq3A : i32
      %convert_element_type3A = arith.extui %eq3A_61 : i1 to i32
      %cond3A = arith.constant 0 : i32
      %cond3A_62 = arith.cmpi ne, %convert_element_type3A, %cond3A : i32
      scf.if %cond3A_62 {
        %add3A_116 = arith.constant 240 : i32
        %add3A_117 = arith.addi %mul3A_2, %add3A_116 : i32
        %multiple_of3A_118 = tpu.assume_multiple %add3A_117, 8 : i32
        "tpu.region"() ({
          %run_scoped3A = tpu.sem_alloc : memref<!tpu.dma_semaphore, #tpu.memory_space<semaphore_mem>>
          %dma_start3A_122 = tpu.memref_slice %arg3[%multiple_of3A_118] : memref<320000xi32, #tpu.memory_space<hbm>> -> memref<80xi32, #tpu.memory_space<hbm>>
          %dma_start3A_123 = tpu.memref_slice %arg3[%multiple_of3A_118] : memref<320000xi32, #tpu.memory_space<hbm>> -> memref<80xi32, #tpu.memory_space<hbm>>
          tpu.enqueue_dma source(%dma_start3A_123 : memref<80xi32, #tpu.memory_space<hbm>>) target(%arg10 : memref<80xi32, #tpu.memory_space<vmem>>) target_semaphore(%run_scoped3A : memref<!tpu.dma_semaphore, #tpu.memory_space<semaphore_mem>>)
          %dma_wait3A_124 = tpu.memref_slice %arg3[%multiple_of3A_118] : memref<320000xi32, #tpu.memory_space<hbm>> -> memref<80xi32, #tpu.memory_space<hbm>>
          %dma_wait3A_125 = tpu.memref_slice %arg3[%multiple_of3A_118] : memref<320000xi32, #tpu.memory_space<hbm>> -> memref<80xi32, #tpu.memory_space<hbm>>
          tpu.wait_dma2 semaphore(%run_scoped3A : memref<!tpu.dma_semaphore, #tpu.memory_space<semaphore_mem>>) src(%dma_wait3A_125 : memref<80xi32, #tpu.memory_space<hbm>>) dst(%arg10 : memref<80xi32, #tpu.memory_space<vmem>>)
          tpu.yield
        }) : () -> ()
        "tpu.region"() ({
          %run_scoped3A = tpu.sem_alloc : memref<!tpu.dma_semaphore, #tpu.memory_space<semaphore_mem>>
          %dma_start3A_122 = tpu.memref_slice %arg4[%multiple_of3A_118] : memref<320000xi32, #tpu.memory_space<hbm>> -> memref<80xi32, #tpu.memory_space<hbm>>
          %dma_start3A_123 = tpu.memref_slice %arg4[%multiple_of3A_118] : memref<320000xi32, #tpu.memory_space<hbm>> -> memref<80xi32, #tpu.memory_space<hbm>>
          tpu.enqueue_dma source(%dma_start3A_123 : memref<80xi32, #tpu.memory_space<hbm>>) target(%arg14 : memref<80xi32, #tpu.memory_space<vmem>>) target_semaphore(%run_scoped3A : memref<!tpu.dma_semaphore, #tpu.memory_space<semaphore_mem>>)
          %dma_wait3A_124 = tpu.memref_slice %arg4[%multiple_of3A_118] : memref<320000xi32, #tpu.memory_space<hbm>> -> memref<80xi32, #tpu.memory_space<hbm>>
          %dma_wait3A_125 = tpu.memref_slice %arg4[%multiple_of3A_118] : memref<320000xi32, #tpu.memory_space<hbm>> -> memref<80xi32, #tpu.memory_space<hbm>>
          tpu.wait_dma2 semaphore(%run_scoped3A : memref<!tpu.dma_semaphore, #tpu.memory_space<semaphore_mem>>) src(%dma_wait3A_125 : memref<80xi32, #tpu.memory_space<hbm>>) dst(%arg14 : memref<80xi32, #tpu.memory_space<vmem>>)
          tpu.yield
        }) : () -> ()
        %dma_start3A_119 = arith.constant 0 : i32
        %dma_start3A_120 = arith.constant 0 : i32
        %dma_start3A_121 = tpu.memref_slice %arg2[%dma_start3A_119, %dma_start3A_120] : memref<10000x128xf32, #tpu.memory_space<hbm>> -> memref<10000x128xf32, #tpu.memory_space<hbm>>
        tpu.enqueue_indirect_dma source(%dma_start3A_121 : memref<10000x128xf32, #tpu.memory_space<hbm>>) target(%arg18 : memref<80x128xf32, #tpu.memory_space<vmem>>) offsets(%arg10 : memref<80xi32, #tpu.memory_space<vmem>>) semaphore(%arg23 : memref<!tpu.dma_semaphore, #tpu.memory_space<semaphore_mem>>)
      } else {
      }
      %ge3A = arith.constant 1 : i32
      %ge3A_63 = arith.cmpi sge, %scan3A_50, %ge3A : i32
      %convert_element_type3A_64 = arith.extui %ge3A_63 : i1 to i32
      %cond3A_65 = arith.constant 0 : i32
      %cond3A_66 = arith.cmpi ne, %convert_element_type3A_64, %cond3A_65 : i32
      scf.if %cond3A_66 {
        %dma_wait3A_116 = arith.constant 0 : i32
        %dma_wait3A_117 = arith.constant 0 : i32
        %dma_wait3A_118 = tpu.memref_slice %arg19[%dma_wait3A_116, %dma_wait3A_117] : memref<10240x128xf32, #tpu.memory_space<vmem_shared>> -> memref<10240x128xf32, #tpu.memory_space<vmem_shared>>
        tpu.wait_indirect_dma semaphore(%arg27 : memref<!tpu.dma_semaphore, #tpu.memory_space<semaphore_mem>>) src(%arg18 : memref<80x128xf32, #tpu.memory_space<vmem>>) dst(%dma_wait3A_118 : memref<10240x128xf32, #tpu.memory_space<vmem_shared>>)
        %add3A_119 = arith.constant 4 : i32
        %add3A_120 = arith.addi %add3A_54, %add3A_119 : i32
        %sub3A_121 = arith.constant 1 : i32
        %sub3A_122 = arith.subi %add3A_120, %sub3A_121 : i32
        %mul3A_123 = arith.constant 80 : i32
        %mul3A_124 = arith.muli %sub3A_122, %mul3A_123 : i32
        %add3A_125 = arith.addi %mul3A_2, %mul3A_124 : i32
        %multiple_of3A_126 = tpu.assume_multiple %add3A_125, 8 : i32
        "tpu.region"() ({
          %run_scoped3A = tpu.sem_alloc : memref<!tpu.dma_semaphore, #tpu.memory_space<semaphore_mem>>
          %dma_start3A_130 = tpu.memref_slice %arg3[%multiple_of3A_126] : memref<320000xi32, #tpu.memory_space<hbm>> -> memref<80xi32, #tpu.memory_space<hbm>>
          %dma_start3A_131 = tpu.memref_slice %arg3[%multiple_of3A_126] : memref<320000xi32, #tpu.memory_space<hbm>> -> memref<80xi32, #tpu.memory_space<hbm>>
          tpu.enqueue_dma source(%dma_start3A_131 : memref<80xi32, #tpu.memory_space<hbm>>) target(%arg10 : memref<80xi32, #tpu.memory_space<vmem>>) target_semaphore(%run_scoped3A : memref<!tpu.dma_semaphore, #tpu.memory_space<semaphore_mem>>)
          %dma_wait3A_132 = tpu.memref_slice %arg3[%multiple_of3A_126] : memref<320000xi32, #tpu.memory_space<hbm>> -> memref<80xi32, #tpu.memory_space<hbm>>
          %dma_wait3A_133 = tpu.memref_slice %arg3[%multiple_of3A_126] : memref<320000xi32, #tpu.memory_space<hbm>> -> memref<80xi32, #tpu.memory_space<hbm>>
          tpu.wait_dma2 semaphore(%run_scoped3A : memref<!tpu.dma_semaphore, #tpu.memory_space<semaphore_mem>>) src(%dma_wait3A_133 : memref<80xi32, #tpu.memory_space<hbm>>) dst(%arg10 : memref<80xi32, #tpu.memory_space<vmem>>)
          tpu.yield
        }) : () -> ()
        "tpu.region"() ({
          %run_scoped3A = tpu.sem_alloc : memref<!tpu.dma_semaphore, #tpu.memory_space<semaphore_mem>>
          %dma_start3A_130 = tpu.memref_slice %arg4[%multiple_of3A_126] : memref<320000xi32, #tpu.memory_space<hbm>> -> memref<80xi32, #tpu.memory_space<hbm>>
          %dma_start3A_131 = tpu.memref_slice %arg4[%multiple_of3A_126] : memref<320000xi32, #tpu.memory_space<hbm>> -> memref<80xi32, #tpu.memory_space<hbm>>
          tpu.enqueue_dma source(%dma_start3A_131 : memref<80xi32, #tpu.memory_space<hbm>>) target(%arg14 : memref<80xi32, #tpu.memory_space<vmem>>) target_semaphore(%run_scoped3A : memref<!tpu.dma_semaphore, #tpu.memory_space<semaphore_mem>>)
          %dma_wait3A_132 = tpu.memref_slice %arg4[%multiple_of3A_126] : memref<320000xi32, #tpu.memory_space<hbm>> -> memref<80xi32, #tpu.memory_space<hbm>>
          %dma_wait3A_133 = tpu.memref_slice %arg4[%multiple_of3A_126] : memref<320000xi32, #tpu.memory_space<hbm>> -> memref<80xi32, #tpu.memory_space<hbm>>
          tpu.wait_dma2 semaphore(%run_scoped3A : memref<!tpu.dma_semaphore, #tpu.memory_space<semaphore_mem>>) src(%dma_wait3A_133 : memref<80xi32, #tpu.memory_space<hbm>>) dst(%arg14 : memref<80xi32, #tpu.memory_space<vmem>>)
          tpu.yield
        }) : () -> ()
        %dma_start3A_127 = arith.constant 0 : i32
        %dma_start3A_128 = arith.constant 0 : i32
        %dma_start3A_129 = tpu.memref_slice %arg2[%dma_start3A_127, %dma_start3A_128] : memref<10000x128xf32, #tpu.memory_space<hbm>> -> memref<10000x128xf32, #tpu.memory_space<hbm>>
        tpu.enqueue_indirect_dma source(%dma_start3A_129 : memref<10000x128xf32, #tpu.memory_space<hbm>>) target(%arg18 : memref<80x128xf32, #tpu.memory_space<vmem>>) offsets(%arg10 : memref<80xi32, #tpu.memory_space<vmem>>) semaphore(%arg23 : memref<!tpu.dma_semaphore, #tpu.memory_space<semaphore_mem>>)
      } else {
      }
      %add3A_67 = arith.constant 1 : i32
      %add3A_68 = arith.addi %mul3A_52, %add3A_67 : i32
      %dma_wait3A_69 = arith.constant 0 : i32
      %dma_wait3A_70 = arith.constant 0 : i32
      %dma_wait3A_71 = tpu.memref_slice %arg2[%dma_wait3A_69, %dma_wait3A_70] : memref<10000x128xf32, #tpu.memory_space<hbm>> -> memref<10000x128xf32, #tpu.memory_space<hbm>>
      tpu.wait_indirect_dma semaphore(%arg21 : memref<!tpu.dma_semaphore, #tpu.memory_space<semaphore_mem>>) src(%dma_wait3A_71 : memref<10000x128xf32, #tpu.memory_space<hbm>>) dst(%arg16 : memref<80x128xf32, #tpu.memory_space<vmem>>)
      %dma_start3A_72 = arith.constant 0 : i32
      %dma_start3A_73 = arith.constant 0 : i32
      %dma_start3A_74 = tpu.memref_slice %arg19[%dma_start3A_72, %dma_start3A_73] : memref<10240x128xf32, #tpu.memory_space<vmem_shared>> -> memref<10240x128xf32, #tpu.memory_space<vmem_shared>>
      tpu.enqueue_indirect_dma source(%arg16 : memref<80x128xf32, #tpu.memory_space<vmem>>) target(%dma_start3A_74 : memref<10240x128xf32, #tpu.memory_space<vmem_shared>>) offsets(%arg12 : memref<80xi32, #tpu.memory_space<vmem>>) semaphore(%arg25 : memref<!tpu.dma_semaphore, #tpu.memory_space<semaphore_mem>>) {add = true}
      %add3A_75 = arith.constant 4 : i32
      %add3A_76 = arith.addi %add3A_68, %add3A_75 : i32
      %sub3A = arith.constant 1 : i32
      %sub3A_77 = arith.subi %add3A_76, %sub3A : i32
      %lt3A = arith.constant 125 : i32
      %lt3A_78 = arith.cmpi slt, %sub3A_77, %lt3A : i32
      %convert_element_type3A_79 = arith.extui %lt3A_78 : i1 to i32
      %cond3A_80 = arith.constant 0 : i32
      %cond3A_81 = arith.cmpi ne, %convert_element_type3A_79, %cond3A_80 : i32
      scf.if %cond3A_81 {
        %dma_wait3A_116 = arith.constant 0 : i32
        %dma_wait3A_117 = arith.constant 0 : i32
        %dma_wait3A_118 = tpu.memref_slice %arg19[%dma_wait3A_116, %dma_wait3A_117] : memref<10240x128xf32, #tpu.memory_space<vmem_shared>> -> memref<10240x128xf32, #tpu.memory_space<vmem_shared>>
        tpu.wait_indirect_dma semaphore(%arg24 : memref<!tpu.dma_semaphore, #tpu.memory_space<semaphore_mem>>) src(%arg15 : memref<80x128xf32, #tpu.memory_space<vmem>>) dst(%dma_wait3A_118 : memref<10240x128xf32, #tpu.memory_space<vmem_shared>>)
        %add3A_119 = arith.constant 4 : i32
        %add3A_120 = arith.addi %add3A_68, %add3A_119 : i32
        %sub3A_121 = arith.constant 1 : i32
        %sub3A_122 = arith.subi %add3A_120, %sub3A_121 : i32
        %mul3A_123 = arith.constant 80 : i32
        %mul3A_124 = arith.muli %sub3A_122, %mul3A_123 : i32
        %add3A_125 = arith.addi %mul3A_2, %mul3A_124 : i32
        %multiple_of3A_126 = tpu.assume_multiple %add3A_125, 8 : i32
        "tpu.region"() ({
          %run_scoped3A = tpu.sem_alloc : memref<!tpu.dma_semaphore, #tpu.memory_space<semaphore_mem>>
          %dma_start3A_130 = tpu.memref_slice %arg3[%multiple_of3A_126] : memref<320000xi32, #tpu.memory_space<hbm>> -> memref<80xi32, #tpu.memory_space<hbm>>
          %dma_start3A_131 = tpu.memref_slice %arg3[%multiple_of3A_126] : memref<320000xi32, #tpu.memory_space<hbm>> -> memref<80xi32, #tpu.memory_space<hbm>>
          tpu.enqueue_dma source(%dma_start3A_131 : memref<80xi32, #tpu.memory_space<hbm>>) target(%arg7 : memref<80xi32, #tpu.memory_space<vmem>>) target_semaphore(%run_scoped3A : memref<!tpu.dma_semaphore, #tpu.memory_space<semaphore_mem>>)
          %dma_wait3A_132 = tpu.memref_slice %arg3[%multiple_of3A_126] : memref<320000xi32, #tpu.memory_space<hbm>> -> memref<80xi32, #tpu.memory_space<hbm>>
          %dma_wait3A_133 = tpu.memref_slice %arg3[%multiple_of3A_126] : memref<320000xi32, #tpu.memory_space<hbm>> -> memref<80xi32, #tpu.memory_space<hbm>>
          tpu.wait_dma2 semaphore(%run_scoped3A : memref<!tpu.dma_semaphore, #tpu.memory_space<semaphore_mem>>) src(%dma_wait3A_133 : memref<80xi32, #tpu.memory_space<hbm>>) dst(%arg7 : memref<80xi32, #tpu.memory_space<vmem>>)
          tpu.yield
        }) : () -> ()
        "tpu.region"() ({
          %run_scoped3A = tpu.sem_alloc : memref<!tpu.dma_semaphore, #tpu.memory_space<semaphore_mem>>
          %dma_start3A_130 = tpu.memref_slice %arg4[%multiple_of3A_126] : memref<320000xi32, #tpu.memory_space<hbm>> -> memref<80xi32, #tpu.memory_space<hbm>>
          %dma_start3A_131 = tpu.memref_slice %arg4[%multiple_of3A_126] : memref<320000xi32, #tpu.memory_space<hbm>> -> memref<80xi32, #tpu.memory_space<hbm>>
          tpu.enqueue_dma source(%dma_start3A_131 : memref<80xi32, #tpu.memory_space<hbm>>) target(%arg11 : memref<80xi32, #tpu.memory_space<vmem>>) target_semaphore(%run_scoped3A : memref<!tpu.dma_semaphore, #tpu.memory_space<semaphore_mem>>)
          %dma_wait3A_132 = tpu.memref_slice %arg4[%multiple_of3A_126] : memref<320000xi32, #tpu.memory_space<hbm>> -> memref<80xi32, #tpu.memory_space<hbm>>
          %dma_wait3A_133 = tpu.memref_slice %arg4[%multiple_of3A_126] : memref<320000xi32, #tpu.memory_space<hbm>> -> memref<80xi32, #tpu.memory_space<hbm>>
          tpu.wait_dma2 semaphore(%run_scoped3A : memref<!tpu.dma_semaphore, #tpu.memory_space<semaphore_mem>>) src(%dma_wait3A_133 : memref<80xi32, #tpu.memory_space<hbm>>) dst(%arg11 : memref<80xi32, #tpu.memory_space<vmem>>)
          tpu.yield
        }) : () -> ()
        %dma_start3A_127 = arith.constant 0 : i32
        %dma_start3A_128 = arith.constant 0 : i32
        %dma_start3A_129 = tpu.memref_slice %arg2[%dma_start3A_127, %dma_start3A_128] : memref<10000x128xf32, #tpu.memory_space<hbm>> -> memref<10000x128xf32, #tpu.memory_space<hbm>>
        tpu.enqueue_indirect_dma source(%dma_start3A_129 : memref<10000x128xf32, #tpu.memory_space<hbm>>) target(%arg15 : memref<80x128xf32, #tpu.memory_space<vmem>>) offsets(%arg7 : memref<80xi32, #tpu.memory_space<vmem>>) semaphore(%arg20 : memref<!tpu.dma_semaphore, #tpu.memory_space<semaphore_mem>>)
      } else {
      }
      %add3A_82 = arith.constant 2 : i32
      %add3A_83 = arith.addi %mul3A_52, %add3A_82 : i32
      %dma_wait3A_84 = arith.constant 0 : i32
      %dma_wait3A_85 = arith.constant 0 : i32
      %dma_wait3A_86 = tpu.memref_slice %arg2[%dma_wait3A_84, %dma_wait3A_85] : memref<10000x128xf32, #tpu.memory_space<hbm>> -> memref<10000x128xf32, #tpu.memory_space<hbm>>
      tpu.wait_indirect_dma semaphore(%arg22 : memref<!tpu.dma_semaphore, #tpu.memory_space<semaphore_mem>>) src(%dma_wait3A_86 : memref<10000x128xf32, #tpu.memory_space<hbm>>) dst(%arg17 : memref<80x128xf32, #tpu.memory_space<vmem>>)
      %dma_start3A_87 = arith.constant 0 : i32
      %dma_start3A_88 = arith.constant 0 : i32
      %dma_start3A_89 = tpu.memref_slice %arg19[%dma_start3A_87, %dma_start3A_88] : memref<10240x128xf32, #tpu.memory_space<vmem_shared>> -> memref<10240x128xf32, #tpu.memory_space<vmem_shared>>
      tpu.enqueue_indirect_dma source(%arg17 : memref<80x128xf32, #tpu.memory_space<vmem>>) target(%dma_start3A_89 : memref<10240x128xf32, #tpu.memory_space<vmem_shared>>) offsets(%arg13 : memref<80xi32, #tpu.memory_space<vmem>>) semaphore(%arg26 : memref<!tpu.dma_semaphore, #tpu.memory_space<semaphore_mem>>) {add = true}
      %add3A_90 = arith.constant 4 : i32
      %add3A_91 = arith.addi %add3A_83, %add3A_90 : i32
      %sub3A_92 = arith.constant 1 : i32
      %sub3A_93 = arith.subi %add3A_91, %sub3A_92 : i32
      %lt3A_94 = arith.constant 125 : i32
      %lt3A_95 = arith.cmpi slt, %sub3A_93, %lt3A_94 : i32
      %convert_element_type3A_96 = arith.extui %lt3A_95 : i1 to i32
      %cond3A_97 = arith.constant 0 : i32
      %cond3A_98 = arith.cmpi ne, %convert_element_type3A_96, %cond3A_97 : i32
      scf.if %cond3A_98 {
        %dma_wait3A_116 = arith.constant 0 : i32
        %dma_wait3A_117 = arith.constant 0 : i32
        %dma_wait3A_118 = tpu.memref_slice %arg19[%dma_wait3A_116, %dma_wait3A_117] : memref<10240x128xf32, #tpu.memory_space<vmem_shared>> -> memref<10240x128xf32, #tpu.memory_space<vmem_shared>>
        tpu.wait_indirect_dma semaphore(%arg25 : memref<!tpu.dma_semaphore, #tpu.memory_space<semaphore_mem>>) src(%arg16 : memref<80x128xf32, #tpu.memory_space<vmem>>) dst(%dma_wait3A_118 : memref<10240x128xf32, #tpu.memory_space<vmem_shared>>)
        %add3A_119 = arith.constant 4 : i32
        %add3A_120 = arith.addi %add3A_83, %add3A_119 : i32
        %sub3A_121 = arith.constant 1 : i32
        %sub3A_122 = arith.subi %add3A_120, %sub3A_121 : i32
        %mul3A_123 = arith.constant 80 : i32
        %mul3A_124 = arith.muli %sub3A_122, %mul3A_123 : i32
        %add3A_125 = arith.addi %mul3A_2, %mul3A_124 : i32
        %multiple_of3A_126 = tpu.assume_multiple %add3A_125, 8 : i32
        "tpu.region"() ({
          %run_scoped3A = tpu.sem_alloc : memref<!tpu.dma_semaphore, #tpu.memory_space<semaphore_mem>>
          %dma_start3A_130 = tpu.memref_slice %arg3[%multiple_of3A_126] : memref<320000xi32, #tpu.memory_space<hbm>> -> memref<80xi32, #tpu.memory_space<hbm>>
          %dma_start3A_131 = tpu.memref_slice %arg3[%multiple_of3A_126] : memref<320000xi32, #tpu.memory_space<hbm>> -> memref<80xi32, #tpu.memory_space<hbm>>
          tpu.enqueue_dma source(%dma_start3A_131 : memref<80xi32, #tpu.memory_space<hbm>>) target(%arg8 : memref<80xi32, #tpu.memory_space<vmem>>) target_semaphore(%run_scoped3A : memref<!tpu.dma_semaphore, #tpu.memory_space<semaphore_mem>>)
          %dma_wait3A_132 = tpu.memref_slice %arg3[%multiple_of3A_126] : memref<320000xi32, #tpu.memory_space<hbm>> -> memref<80xi32, #tpu.memory_space<hbm>>
          %dma_wait3A_133 = tpu.memref_slice %arg3[%multiple_of3A_126] : memref<320000xi32, #tpu.memory_space<hbm>> -> memref<80xi32, #tpu.memory_space<hbm>>
          tpu.wait_dma2 semaphore(%run_scoped3A : memref<!tpu.dma_semaphore, #tpu.memory_space<semaphore_mem>>) src(%dma_wait3A_133 : memref<80xi32, #tpu.memory_space<hbm>>) dst(%arg8 : memref<80xi32, #tpu.memory_space<vmem>>)
          tpu.yield
        }) : () -> ()
        "tpu.region"() ({
          %run_scoped3A = tpu.sem_alloc : memref<!tpu.dma_semaphore, #tpu.memory_space<semaphore_mem>>
          %dma_start3A_130 = tpu.memref_slice %arg4[%multiple_of3A_126] : memref<320000xi32, #tpu.memory_space<hbm>> -> memref<80xi32, #tpu.memory_space<hbm>>
          %dma_start3A_131 = tpu.memref_slice %arg4[%multiple_of3A_126] : memref<320000xi32, #tpu.memory_space<hbm>> -> memref<80xi32, #tpu.memory_space<hbm>>
          tpu.enqueue_dma source(%dma_start3A_131 : memref<80xi32, #tpu.memory_space<hbm>>) target(%arg12 : memref<80xi32, #tpu.memory_space<vmem>>) target_semaphore(%run_scoped3A : memref<!tpu.dma_semaphore, #tpu.memory_space<semaphore_mem>>)
          %dma_wait3A_132 = tpu.memref_slice %arg4[%multiple_of3A_126] : memref<320000xi32, #tpu.memory_space<hbm>> -> memref<80xi32, #tpu.memory_space<hbm>>
          %dma_wait3A_133 = tpu.memref_slice %arg4[%multiple_of3A_126] : memref<320000xi32, #tpu.memory_space<hbm>> -> memref<80xi32, #tpu.memory_space<hbm>>
          tpu.wait_dma2 semaphore(%run_scoped3A : memref<!tpu.dma_semaphore, #tpu.memory_space<semaphore_mem>>) src(%dma_wait3A_133 : memref<80xi32, #tpu.memory_space<hbm>>) dst(%arg12 : memref<80xi32, #tpu.memory_space<vmem>>)
          tpu.yield
        }) : () -> ()
        %dma_start3A_127 = arith.constant 0 : i32
        %dma_start3A_128 = arith.constant 0 : i32
        %dma_start3A_129 = tpu.memref_slice %arg2[%dma_start3A_127, %dma_start3A_128] : memref<10000x128xf32, #tpu.memory_space<hbm>> -> memref<10000x128xf32, #tpu.memory_space<hbm>>
        tpu.enqueue_indirect_dma source(%dma_start3A_129 : memref<10000x128xf32, #tpu.memory_space<hbm>>) target(%arg16 : memref<80x128xf32, #tpu.memory_space<vmem>>) offsets(%arg8 : memref<80xi32, #tpu.memory_space<vmem>>) semaphore(%arg21 : memref<!tpu.dma_semaphore, #tpu.memory_space<semaphore_mem>>)
      } else {
      }
      %add3A_99 = arith.constant 3 : i32
      %add3A_100 = arith.addi %mul3A_52, %add3A_99 : i32
      %dma_wait3A_101 = arith.constant 0 : i32
      %dma_wait3A_102 = arith.constant 0 : i32
      %dma_wait3A_103 = tpu.memref_slice %arg2[%dma_wait3A_101, %dma_wait3A_102] : memref<10000x128xf32, #tpu.memory_space<hbm>> -> memref<10000x128xf32, #tpu.memory_space<hbm>>
      tpu.wait_indirect_dma semaphore(%arg23 : memref<!tpu.dma_semaphore, #tpu.memory_space<semaphore_mem>>) src(%dma_wait3A_103 : memref<10000x128xf32, #tpu.memory_space<hbm>>) dst(%arg18 : memref<80x128xf32, #tpu.memory_space<vmem>>)
      %dma_start3A_104 = arith.constant 0 : i32
      %dma_start3A_105 = arith.constant 0 : i32
      %dma_start3A_106 = tpu.memref_slice %arg19[%dma_start3A_104, %dma_start3A_105] : memref<10240x128xf32, #tpu.memory_space<vmem_shared>> -> memref<10240x128xf32, #tpu.memory_space<vmem_shared>>
      tpu.enqueue_indirect_dma source(%arg18 : memref<80x128xf32, #tpu.memory_space<vmem>>) target(%dma_start3A_106 : memref<10240x128xf32, #tpu.memory_space<vmem_shared>>) offsets(%arg14 : memref<80xi32, #tpu.memory_space<vmem>>) semaphore(%arg27 : memref<!tpu.dma_semaphore, #tpu.memory_space<semaphore_mem>>) {add = true}
      %add3A_107 = arith.constant 4 : i32
      %add3A_108 = arith.addi %add3A_100, %add3A_107 : i32
      %sub3A_109 = arith.constant 1 : i32
      %sub3A_110 = arith.subi %add3A_108, %sub3A_109 : i32
      %lt3A_111 = arith.constant 125 : i32
      %lt3A_112 = arith.cmpi slt, %sub3A_110, %lt3A_111 : i32
      %convert_element_type3A_113 = arith.extui %lt3A_112 : i1 to i32
      %cond3A_114 = arith.constant 0 : i32
      %cond3A_115 = arith.cmpi ne, %convert_element_type3A_113, %cond3A_114 : i32
      scf.if %cond3A_115 {
        %dma_wait3A_116 = arith.constant 0 : i32
        %dma_wait3A_117 = arith.constant 0 : i32
        %dma_wait3A_118 = tpu.memref_slice %arg19[%dma_wait3A_116, %dma_wait3A_117] : memref<10240x128xf32, #tpu.memory_space<vmem_shared>> -> memref<10240x128xf32, #tpu.memory_space<vmem_shared>>
        tpu.wait_indirect_dma semaphore(%arg26 : memref<!tpu.dma_semaphore, #tpu.memory_space<semaphore_mem>>) src(%arg17 : memref<80x128xf32, #tpu.memory_space<vmem>>) dst(%dma_wait3A_118 : memref<10240x128xf32, #tpu.memory_space<vmem_shared>>)
        %add3A_119 = arith.constant 4 : i32
        %add3A_120 = arith.addi %add3A_100, %add3A_119 : i32
        %sub3A_121 = arith.constant 1 : i32
        %sub3A_122 = arith.subi %add3A_120, %sub3A_121 : i32
        %mul3A_123 = arith.constant 80 : i32
        %mul3A_124 = arith.muli %sub3A_122, %mul3A_123 : i32
        %add3A_125 = arith.addi %mul3A_2, %mul3A_124 : i32
        %multiple_of3A_126 = tpu.assume_multiple %add3A_125, 8 : i32
        "tpu.region"() ({
          %run_scoped3A = tpu.sem_alloc : memref<!tpu.dma_semaphore, #tpu.memory_space<semaphore_mem>>
          %dma_start3A_130 = tpu.memref_slice %arg3[%multiple_of3A_126] : memref<320000xi32, #tpu.memory_space<hbm>> -> memref<80xi32, #tpu.memory_space<hbm>>
          %dma_start3A_131 = tpu.memref_slice %arg3[%multiple_of3A_126] : memref<320000xi32, #tpu.memory_space<hbm>> -> memref<80xi32, #tpu.memory_space<hbm>>
          tpu.enqueue_dma source(%dma_start3A_131 : memref<80xi32, #tpu.memory_space<hbm>>) target(%arg9 : memref<80xi32, #tpu.memory_space<vmem>>) target_semaphore(%run_scoped3A : memref<!tpu.dma_semaphore, #tpu.memory_space<semaphore_mem>>)
          %dma_wait3A_132 = tpu.memref_slice %arg3[%multiple_of3A_126] : memref<320000xi32, #tpu.memory_space<hbm>> -> memref<80xi32, #tpu.memory_space<hbm>>
          %dma_wait3A_133 = tpu.memref_slice %arg3[%multiple_of3A_126] : memref<320000xi32, #tpu.memory_space<hbm>> -> memref<80xi32, #tpu.memory_space<hbm>>
          tpu.wait_dma2 semaphore(%run_scoped3A : memref<!tpu.dma_semaphore, #tpu.memory_space<semaphore_mem>>) src(%dma_wait3A_133 : memref<80xi32, #tpu.memory_space<hbm>>) dst(%arg9 : memref<80xi32, #tpu.memory_space<vmem>>)
          tpu.yield
        }) : () -> ()
        "tpu.region"() ({
          %run_scoped3A = tpu.sem_alloc : memref<!tpu.dma_semaphore, #tpu.memory_space<semaphore_mem>>
          %dma_start3A_130 = tpu.memref_slice %arg4[%multiple_of3A_126] : memref<320000xi32, #tpu.memory_space<hbm>> -> memref<80xi32, #tpu.memory_space<hbm>>
          %dma_start3A_131 = tpu.memref_slice %arg4[%multiple_of3A_126] : memref<320000xi32, #tpu.memory_space<hbm>> -> memref<80xi32, #tpu.memory_space<hbm>>
          tpu.enqueue_dma source(%dma_start3A_131 : memref<80xi32, #tpu.memory_space<hbm>>) target(%arg13 : memref<80xi32, #tpu.memory_space<vmem>>) target_semaphore(%run_scoped3A : memref<!tpu.dma_semaphore, #tpu.memory_space<semaphore_mem>>)
          %dma_wait3A_132 = tpu.memref_slice %arg4[%multiple_of3A_126] : memref<320000xi32, #tpu.memory_space<hbm>> -> memref<80xi32, #tpu.memory_space<hbm>>
          %dma_wait3A_133 = tpu.memref_slice %arg4[%multiple_of3A_126] : memref<320000xi32, #tpu.memory_space<hbm>> -> memref<80xi32, #tpu.memory_space<hbm>>
          tpu.wait_dma2 semaphore(%run_scoped3A : memref<!tpu.dma_semaphore, #tpu.memory_space<semaphore_mem>>) src(%dma_wait3A_133 : memref<80xi32, #tpu.memory_space<hbm>>) dst(%arg13 : memref<80xi32, #tpu.memory_space<vmem>>)
          tpu.yield
        }) : () -> ()
        %dma_start3A_127 = arith.constant 0 : i32
        %dma_start3A_128 = arith.constant 0 : i32
        %dma_start3A_129 = tpu.memref_slice %arg2[%dma_start3A_127, %dma_start3A_128] : memref<10000x128xf32, #tpu.memory_space<hbm>> -> memref<10000x128xf32, #tpu.memory_space<hbm>>
        tpu.enqueue_indirect_dma source(%dma_start3A_129 : memref<10000x128xf32, #tpu.memory_space<hbm>>) target(%arg17 : memref<80x128xf32, #tpu.memory_space<vmem>>) offsets(%arg9 : memref<80xi32, #tpu.memory_space<vmem>>) semaphore(%arg22 : memref<!tpu.dma_semaphore, #tpu.memory_space<semaphore_mem>>)
      } else {
      }
    }
    %scan3A_27 = arith.constant 31 : i32
    %dma_wait3A = arith.constant 0 : i32
    %dma_wait3A_28 = arith.constant 0 : i32
    %dma_wait3A_29 = tpu.memref_slice %arg2[%dma_wait3A, %dma_wait3A_28] : memref<10000x128xf32, #tpu.memory_space<hbm>> -> memref<10000x128xf32, #tpu.memory_space<hbm>>
    tpu.wait_indirect_dma semaphore(%arg20 : memref<!tpu.dma_semaphore, #tpu.memory_space<semaphore_mem>>) src(%dma_wait3A_29 : memref<10000x128xf32, #tpu.memory_space<hbm>>) dst(%arg15 : memref<80x128xf32, #tpu.memory_space<vmem>>)
    %dma_start3A_30 = arith.constant 0 : i32
    %dma_start3A_31 = arith.constant 0 : i32
    %dma_start3A_32 = tpu.memref_slice %arg19[%dma_start3A_30, %dma_start3A_31] : memref<10240x128xf32, #tpu.memory_space<vmem_shared>> -> memref<10240x128xf32, #tpu.memory_space<vmem_shared>>
    tpu.enqueue_indirect_dma source(%arg15 : memref<80x128xf32, #tpu.memory_space<vmem>>) target(%dma_start3A_32 : memref<10240x128xf32, #tpu.memory_space<vmem_shared>>) offsets(%arg11 : memref<80xi32, #tpu.memory_space<vmem>>) semaphore(%arg24 : memref<!tpu.dma_semaphore, #tpu.memory_space<semaphore_mem>>) {add = true}
    %dma_wait3A_33 = arith.constant 0 : i32
    %dma_wait3A_34 = arith.constant 0 : i32
    %dma_wait3A_35 = tpu.memref_slice %arg19[%dma_wait3A_33, %dma_wait3A_34] : memref<10240x128xf32, #tpu.memory_space<vmem_shared>> -> memref<10240x128xf32, #tpu.memory_space<vmem_shared>>
    tpu.wait_indirect_dma semaphore(%arg25 : memref<!tpu.dma_semaphore, #tpu.memory_space<semaphore_mem>>) src(%arg16 : memref<80x128xf32, #tpu.memory_space<vmem>>) dst(%dma_wait3A_35 : memref<10240x128xf32, #tpu.memory_space<vmem_shared>>)
    %dma_wait3A_36 = arith.constant 0 : i32
    %dma_wait3A_37 = arith.constant 0 : i32
    %dma_wait3A_38 = tpu.memref_slice %arg19[%dma_wait3A_36, %dma_wait3A_37] : memref<10240x128xf32, #tpu.memory_space<vmem_shared>> -> memref<10240x128xf32, #tpu.memory_space<vmem_shared>>
    tpu.wait_indirect_dma semaphore(%arg26 : memref<!tpu.dma_semaphore, #tpu.memory_space<semaphore_mem>>) src(%arg17 : memref<80x128xf32, #tpu.memory_space<vmem>>) dst(%dma_wait3A_38 : memref<10240x128xf32, #tpu.memory_space<vmem_shared>>)
    %dma_wait3A_39 = arith.constant 0 : i32
    %dma_wait3A_40 = arith.constant 0 : i32
    %dma_wait3A_41 = tpu.memref_slice %arg19[%dma_wait3A_39, %dma_wait3A_40] : memref<10240x128xf32, #tpu.memory_space<vmem_shared>> -> memref<10240x128xf32, #tpu.memory_space<vmem_shared>>
    tpu.wait_indirect_dma semaphore(%arg27 : memref<!tpu.dma_semaphore, #tpu.memory_space<semaphore_mem>>) src(%arg18 : memref<80x128xf32, #tpu.memory_space<vmem>>) dst(%dma_wait3A_41 : memref<10240x128xf32, #tpu.memory_space<vmem_shared>>)
    %dma_wait3A_42 = arith.constant 0 : i32
    %dma_wait3A_43 = arith.constant 0 : i32
    %dma_wait3A_44 = tpu.memref_slice %arg19[%dma_wait3A_42, %dma_wait3A_43] : memref<10240x128xf32, #tpu.memory_space<vmem_shared>> -> memref<10240x128xf32, #tpu.memory_space<vmem_shared>>
    tpu.wait_indirect_dma semaphore(%arg24 : memref<!tpu.dma_semaphore, #tpu.memory_space<semaphore_mem>>) src(%arg15 : memref<80x128xf32, #tpu.memory_space<vmem>>) dst(%dma_wait3A_44 : memref<10240x128xf32, #tpu.memory_space<vmem_shared>>)
    %barrier3A_45 = arith.constant 0 : index
    tpu.barrier barrier_id(%barrier3A_45)
    %mul3A_46 = arith.constant 640 : i32
    %mul3A_47 = arith.muli %mul3A_46, %arg1 : i32
    %mul3A_48 = arith.constant 640 : i32
    %mul3A_49 = arith.muli %mul3A_48, %arg1 : i32
    "tpu.region"() ({
      %run_scoped3A = tpu.sem_alloc : memref<!tpu.dma_semaphore, #tpu.memory_space<semaphore_mem>>
      %dma_start3A_50 = arith.constant 0 : i32
      %dma_start3A_51 = tpu.memref_slice %arg6[%arg0, %mul3A_49, %dma_start3A_50] : memref<2x10240x128xf32, #tpu.memory_space<hbm>> -> memref<1x640x128xf32, #tpu.memory_space<hbm>>
      %dma_start3A_52 = tpu.memref_squeeze %dma_start3A_51 : memref<1x640x128xf32, #tpu.memory_space<hbm>> -> memref<640x128xf32, #tpu.memory_space<hbm>>
      %dma_start3A_53 = arith.constant 0 : i32
      %dma_start3A_54 = tpu.memref_slice %arg19[%mul3A_47, %dma_start3A_53] : memref<10240x128xf32, #tpu.memory_space<vmem_shared>> -> memref<640x128xf32, #tpu.memory_space<vmem_shared>>
      tpu.enqueue_dma source(%dma_start3A_54 : memref<640x128xf32, #tpu.memory_space<vmem_shared>>) target(%dma_start3A_52 : memref<640x128xf32, #tpu.memory_space<hbm>>) target_semaphore(%run_scoped3A : memref<!tpu.dma_semaphore, #tpu.memory_space<semaphore_mem>>)
      %dma_wait3A_55 = arith.constant 0 : i32
      %dma_wait3A_56 = tpu.memref_slice %arg6[%arg0, %mul3A_49, %dma_wait3A_55] : memref<2x10240x128xf32, #tpu.memory_space<hbm>> -> memref<1x640x128xf32, #tpu.memory_space<hbm>>
      %dma_wait3A_57 = tpu.memref_squeeze %dma_wait3A_56 : memref<1x640x128xf32, #tpu.memory_space<hbm>> -> memref<640x128xf32, #tpu.memory_space<hbm>>
      %dma_wait3A_58 = arith.constant 0 : i32
      %dma_wait3A_59 = tpu.memref_slice %arg19[%mul3A_47, %dma_wait3A_58] : memref<10240x128xf32, #tpu.memory_space<vmem_shared>> -> memref<640x128xf32, #tpu.memory_space<vmem_shared>>
      tpu.wait_dma2 semaphore(%run_scoped3A : memref<!tpu.dma_semaphore, #tpu.memory_space<semaphore_mem>>) src(%dma_wait3A_59 : memref<640x128xf32, #tpu.memory_space<vmem_shared>>) dst(%dma_wait3A_57 : memref<640x128xf32, #tpu.memory_space<hbm>>)
      tpu.yield
    }) : () -> ()
    return
  }
}

module attributes {stable_mosaic.version = 14 : i64} {
  func.func @_mm2_body(%arg0: memref<10000x128xf32, #tpu.memory_space<vmem>>, %arg1: memref<128x128xf32, #tpu.memory_space<vmem>>, %arg2: memref<128x128xf32, #tpu.memory_space<vmem>>, %arg3: memref<10000x128xf32, #tpu.memory_space<vmem>>, %arg4: memref<10000x128xf32, #tpu.memory_space<vmem>>) attributes {dimension_semantics = [], scalar_prefetch = 0 : i64, scratch_operands = 0 : i64, tpu.core_type = #tpu.core_type<tc>} {
    %get3A = arith.constant 0 : index
    %get3A_0 = arith.constant 0 : index
    %get3A_1 = vector.load %arg0[%get3A, %get3A_0] : memref<10000x128xf32, #tpu.memory_space<vmem>>, vector<10000x128xf32>
    %get3A_2 = arith.constant 0 : index
    %get3A_3 = arith.constant 0 : index
    %get3A_4 = vector.load %arg1[%get3A_2, %get3A_3] : memref<128x128xf32, #tpu.memory_space<vmem>>, vector<128x128xf32>
    %dot_general3A = arith.constant dense<0.000000e+00> : vector<10000x128xf32>
    %dot_general3A_5 = tpu.matmul %get3A_1, %get3A_4, %dot_general3A {dimension_numbers = #tpu.dot_dimension_numbers<[1], [0], [0], [1], [0, 0, 1, 1], [], []>, transpose_lhs_hint = false} : vector<10000x128xf32>, vector<128x128xf32>, vector<10000x128xf32> -> vector<10000x128xf32>
    %swap3A = arith.constant 0 : index
    %swap3A_6 = arith.constant 0 : index
    %swap3A_7 = vector.load %arg3[%swap3A, %swap3A_6] : memref<10000x128xf32, #tpu.memory_space<vmem>>, vector<10000x128xf32>
    tpu.vector_store %arg3[%swap3A, %swap3A_6], %dot_general3A_5 {strides = array<i32>} : memref<10000x128xf32, #tpu.memory_space<vmem>>, vector<10000x128xf32>,
    %get3A_8 = arith.constant 0 : index
    %get3A_9 = arith.constant 0 : index
    %get3A_10 = vector.load %arg2[%get3A_8, %get3A_9] : memref<128x128xf32, #tpu.memory_space<vmem>>, vector<128x128xf32>
    %dot_general3A_11 = arith.constant dense<0.000000e+00> : vector<10000x128xf32>
    %dot_general3A_12 = tpu.matmul %get3A_1, %get3A_10, %dot_general3A_11 {dimension_numbers = #tpu.dot_dimension_numbers<[1], [0], [0], [1], [0, 0, 1, 1], [], []>, transpose_lhs_hint = false} : vector<10000x128xf32>, vector<128x128xf32>, vector<10000x128xf32> -> vector<10000x128xf32>
    %swap3A_13 = arith.constant 0 : index
    %swap3A_14 = arith.constant 0 : index
    %swap3A_15 = vector.load %arg4[%swap3A_13, %swap3A_14] : memref<10000x128xf32, #tpu.memory_space<vmem>>, vector<10000x128xf32>
    tpu.vector_store %arg4[%swap3A_13, %swap3A_14], %dot_general3A_12 {strides = array<i32>} : memref<10000x128xf32, #tpu.memory_space<vmem>>, vector<10000x128xf32>,
    return
  }
}

module attributes {stable_mosaic.version = 14 : i64} {
  func.func @_scale_body(%arg0: memref<10000x128xf32, #tpu.memory_space<vmem>>, %arg1: memref<2x10240x128xf32, #tpu.memory_space<vmem>>, %arg2: memref<10000x128xf32, #tpu.memory_space<vmem>>, %arg3: memref<10000x1xf32, #tpu.memory_space<vmem>>) attributes {dimension_semantics = [], scalar_prefetch = 0 : i64, scratch_operands = 0 : i64, tpu.core_type = #tpu.core_type<tc>} {
    %get3A = arith.constant 0 : index
    %get3A_0 = arith.constant 0 : index
    %get3A_1 = arith.constant 0 : index
    %get3A_2 = vector.load %arg1[%get3A, %get3A_0, %get3A_1] : memref<2x10240x128xf32, #tpu.memory_space<vmem>>, vector<1x10240x128xf32>
    %get3A_3 = vector.shape_cast %get3A_2 : vector<1x10240x128xf32> to vector<10240x128xf32>
    %get3A_4 = arith.constant 1 : index
    %get3A_5 = arith.constant 0 : index
    %get3A_6 = arith.constant 0 : index
    %get3A_7 = vector.load %arg1[%get3A_4, %get3A_5, %get3A_6] : memref<2x10240x128xf32, #tpu.memory_space<vmem>>, vector<1x10240x128xf32>
    %get3A_8 = vector.shape_cast %get3A_7 : vector<1x10240x128xf32> to vector<10240x128xf32>
    %add3A = arith.addf %get3A_3, %get3A_8 : vector<10240x128xf32>
    %slice3A = vector.extract_strided_slice %add3A {offsets = [0, 0], sizes = [10000, 1], strides = [1, 1]} : vector<10240x128xf32> to vector<10000x1xf32>
    %gt3A = arith.constant 0.000000e+00 : f32
    %gt3A_9 = vector.broadcast %gt3A : f32 to vector<10000x1xf32>
    %gt3A_10 = arith.cmpf ogt, %slice3A, %gt3A_9 : vector<10000x1xf32>
    %rsqrt3A = math.rsqrt %slice3A : vector<10000x1xf32>
    %jit3A = arith.constant 0.000000e+00 : f32
    %broadcast_in_dim3A = vector.broadcast %jit3A : f32 to vector<10000x1xf32>
    %select_n3A = arith.select %gt3A_10, %rsqrt3A, %broadcast_in_dim3A : vector<10000x1xi1>, vector<10000x1xf32>
    %get3A_11 = arith.constant 0 : index
    %get3A_12 = arith.constant 0 : index
    %get3A_13 = vector.load %arg0[%get3A_11, %get3A_12] : memref<10000x128xf32, #tpu.memory_space<vmem>>, vector<10000x128xf32>
    %mul3A = vector.broadcast %select_n3A : vector<10000x1xf32> to vector<10000x128xf32>
    %mul3A_14 = arith.mulf %get3A_13, %mul3A : vector<10000x128xf32>
    %swap3A = arith.constant 0 : index
    %swap3A_15 = arith.constant 0 : index
    %swap3A_16 = vector.load %arg2[%swap3A, %swap3A_15] : memref<10000x128xf32, #tpu.memory_space<vmem>>, vector<10000x128xf32>
    tpu.vector_store %arg2[%swap3A, %swap3A_15], %mul3A_14 {strides = array<i32>} : memref<10000x128xf32, #tpu.memory_space<vmem>>, vector<10000x128xf32>,
    %swap3A_17 = arith.constant 0 : index
    %swap3A_18 = arith.constant 0 : index
    %swap3A_19 = vector.load %arg3[%swap3A_17, %swap3A_18] : memref<10000x1xf32, #tpu.memory_space<vmem>>, vector<10000x1xf32>
    tpu.vector_store %arg3[%swap3A_17, %swap3A_18], %select_n3A {strides = array<i32>} : memref<10000x1xf32, #tpu.memory_space<vmem>>, vector<10000x1xf32>,
    return
  }
}

module attributes {stable_mosaic.version = 14 : i64} {
  func.func @_mida_body(%arg0: memref<10000x128xf32, #tpu.memory_space<vmem>>, %arg1: memref<2x10240x128xf32, #tpu.memory_space<vmem>>, %arg2: memref<10000x1xf32, #tpu.memory_space<vmem>>, %arg3: memref<128xf32, #tpu.memory_space<vmem>>, %arg4: memref<128xf32, #tpu.memory_space<vmem>>, %arg5: memref<128x128xf32, #tpu.memory_space<vmem>>, %arg6: memref<10000x128xf32, #tpu.memory_space<vmem>>, %arg7: memref<10000x128xf32, #tpu.memory_space<vmem>>) attributes {dimension_semantics = [], scalar_prefetch = 0 : i64, scratch_operands = 0 : i64, tpu.core_type = #tpu.core_type<tc>} {
    %get3A = arith.constant 0 : index
    %get3A_0 = arith.constant 0 : index
    %get3A_1 = vector.load %arg2[%get3A, %get3A_0] : memref<10000x1xf32, #tpu.memory_space<vmem>>, vector<10000x1xf32>
    %get3A_2 = arith.constant 0 : index
    %get3A_3 = arith.constant 0 : index
    %get3A_4 = vector.load %arg0[%get3A_2, %get3A_3] : memref<10000x128xf32, #tpu.memory_space<vmem>>, vector<10000x128xf32>
    %get3A_5 = arith.constant 0 : index
    %get3A_6 = arith.constant 0 : index
    %get3A_7 = arith.constant 0 : index
    %get3A_8 = vector.load %arg1[%get3A_5, %get3A_6, %get3A_7] : memref<2x10240x128xf32, #tpu.memory_space<vmem>>, vector<1x10240x128xf32>
    %get3A_9 = vector.shape_cast %get3A_8 : vector<1x10240x128xf32> to vector<10240x128xf32>
    %get3A_10 = arith.constant 1 : index
    %get3A_11 = arith.constant 0 : index
    %get3A_12 = arith.constant 0 : index
    %get3A_13 = vector.load %arg1[%get3A_10, %get3A_11, %get3A_12] : memref<2x10240x128xf32, #tpu.memory_space<vmem>>, vector<1x10240x128xf32>
    %get3A_14 = vector.shape_cast %get3A_13 : vector<1x10240x128xf32> to vector<10240x128xf32>
    %add3A = arith.addf %get3A_9, %get3A_14 : vector<10240x128xf32>
    %slice3A = vector.extract_strided_slice %add3A {offsets = [0, 0], sizes = [10000, 128], strides = [1, 1]} : vector<10240x128xf32> to vector<10000x128xf32>
    %mul3A = vector.broadcast %get3A_1 : vector<10000x1xf32> to vector<10000x128xf32>
    %mul3A_15 = arith.mulf %mul3A, %slice3A : vector<10000x128xf32>
    %add3A_16 = arith.addf %get3A_4, %mul3A_15 : vector<10000x128xf32>
    %reduce_sum3A = arith.constant dense<0.000000e+00> : vector<128xf32>
    %reduce_sum3A_17 = vector.multi_reduction <add>, %add3A_16, %reduce_sum3A [0] : vector<10000x128xf32> to vector<128xf32>
    %broadcast_in_dim3A = vector.shape_cast %reduce_sum3A_17 : vector<128xf32> to vector<1x128xf32>
    %div3A = arith.constant 1.000000e+04 : f32
    %div3A_18 = vector.broadcast %div3A : f32 to vector<1x128xf32>
    %div3A_19 = arith.divf %broadcast_in_dim3A, %div3A_18 : vector<1x128xf32>
    %sub3A = vector.broadcast %div3A_19 : vector<1x128xf32> to vector<10000x128xf32>
    %sub3A_20 = arith.subf %add3A_16, %sub3A : vector<10000x128xf32>
    %integer_pow3A = arith.mulf %sub3A_20, %sub3A_20 : vector<10000x128xf32>
    %reduce_sum3A_21 = arith.constant dense<0.000000e+00> : vector<128xf32>
    %reduce_sum3A_22 = vector.multi_reduction <add>, %integer_pow3A, %reduce_sum3A_21 [0] : vector<10000x128xf32> to vector<128xf32>
    %broadcast_in_dim3A_23 = vector.shape_cast %reduce_sum3A_22 : vector<128xf32> to vector<1x128xf32>
    %div3A_24 = arith.constant 1.000000e+04 : f32
    %div3A_25 = vector.broadcast %div3A_24 : f32 to vector<1x128xf32>
    %div3A_26 = arith.divf %broadcast_in_dim3A_23, %div3A_25 : vector<1x128xf32>
    %sub3A_27 = vector.broadcast %div3A_19 : vector<1x128xf32> to vector<10000x128xf32>
    %sub3A_28 = arith.subf %add3A_16, %sub3A_27 : vector<10000x128xf32>
    %add3A_29 = arith.constant 9.99999974E-6 : f32
    %add3A_30 = vector.broadcast %add3A_29 : f32 to vector<1x128xf32>
    %add3A_31 = arith.addf %div3A_26, %add3A_30 : vector<1x128xf32>
    %rsqrt3A = math.rsqrt %add3A_31 : vector<1x128xf32>
    %mul3A_32 = vector.broadcast %rsqrt3A : vector<1x128xf32> to vector<10000x128xf32>
    %mul3A_33 = arith.mulf %sub3A_28, %mul3A_32 : vector<10000x128xf32>
    %get3A_34 = arith.constant 0 : index
    %get3A_35 = vector.load %arg3[%get3A_34] : memref<128xf32, #tpu.memory_space<vmem>>, vector<128xf32>
    %broadcast_in_dim3A_36 = vector.shape_cast %get3A_35 : vector<128xf32> to vector<1x128xf32>
    %mul3A_37 = vector.broadcast %broadcast_in_dim3A_36 : vector<1x128xf32> to vector<10000x128xf32>
    %mul3A_38 = arith.mulf %mul3A_33, %mul3A_37 : vector<10000x128xf32>
    %get3A_39 = arith.constant 0 : index
    %get3A_40 = vector.load %arg4[%get3A_39] : memref<128xf32, #tpu.memory_space<vmem>>, vector<128xf32>
    %broadcast_in_dim3A_41 = vector.shape_cast %get3A_40 : vector<128xf32> to vector<1x128xf32>
    %add3A_42 = vector.broadcast %broadcast_in_dim3A_41 : vector<1x128xf32> to vector<10000x128xf32>
    %add3A_43 = arith.addf %mul3A_38, %add3A_42 : vector<10000x128xf32>
    %max3A = arith.constant 0.000000e+00 : f32
    %max3A_44 = vector.broadcast %max3A : f32 to vector<10000x128xf32>
    %max3A_45 = arith.maximumf %add3A_43, %max3A_44 : vector<10000x128xf32>
    %swap3A = arith.constant 0 : index
    %swap3A_46 = arith.constant 0 : index
    %swap3A_47 = vector.load %arg6[%swap3A, %swap3A_46] : memref<10000x128xf32, #tpu.memory_space<vmem>>, vector<10000x128xf32>
    tpu.vector_store %arg6[%swap3A, %swap3A_46], %max3A_45 {strides = array<i32>} : memref<10000x128xf32, #tpu.memory_space<vmem>>, vector<10000x128xf32>,
    %get3A_48 = arith.constant 0 : index
    %get3A_49 = arith.constant 0 : index
    %get3A_50 = vector.load %arg5[%get3A_48, %get3A_49] : memref<128x128xf32, #tpu.memory_space<vmem>>, vector<128x128xf32>
    %dot_general3A = arith.constant dense<0.000000e+00> : vector<10000x128xf32>
    %dot_general3A_51 = tpu.matmul %max3A_45, %get3A_50, %dot_general3A {dimension_numbers = #tpu.dot_dimension_numbers<[1], [0], [0], [1], [0, 0, 1, 1], [], []>, transpose_lhs_hint = false} : vector<10000x128xf32>, vector<128x128xf32>, vector<10000x128xf32> -> vector<10000x128xf32>
    %mul3A_52 = vector.broadcast %get3A_1 : vector<10000x1xf32> to vector<10000x128xf32>
    %mul3A_53 = arith.mulf %dot_general3A_51, %mul3A_52 : vector<10000x128xf32>
    %swap3A_54 = arith.constant 0 : index
    %swap3A_55 = arith.constant 0 : index
    %swap3A_56 = vector.load %arg7[%swap3A_54, %swap3A_55] : memref<10000x128xf32, #tpu.memory_space<vmem>>, vector<10000x128xf32>
    tpu.vector_store %arg7[%swap3A_54, %swap3A_55], %mul3A_53 {strides = array<i32>} : memref<10000x128xf32, #tpu.memory_space<vmem>>, vector<10000x128xf32>,
    return
  }
}

module attributes {stable_mosaic.version = 14 : i64} {
  func.func @_midb_body(%arg0: memref<10000x128xf32, #tpu.memory_space<vmem>>, %arg1: memref<128x128xf32, #tpu.memory_space<vmem>>, %arg2: memref<10000x128xf32, #tpu.memory_space<vmem>>) attributes {dimension_semantics = [], scalar_prefetch = 0 : i64, scratch_operands = 0 : i64, tpu.core_type = #tpu.core_type<tc>} {
    %get3A = arith.constant 0 : index
    %get3A_0 = arith.constant 0 : index
    %get3A_1 = vector.load %arg0[%get3A, %get3A_0] : memref<10000x128xf32, #tpu.memory_space<vmem>>, vector<10000x128xf32>
    %get3A_2 = arith.constant 0 : index
    %get3A_3 = arith.constant 0 : index
    %get3A_4 = vector.load %arg1[%get3A_2, %get3A_3] : memref<128x128xf32, #tpu.memory_space<vmem>>, vector<128x128xf32>
    %dot_general3A = arith.constant dense<0.000000e+00> : vector<10000x128xf32>
    %dot_general3A_5 = tpu.matmul %get3A_1, %get3A_4, %dot_general3A {dimension_numbers = #tpu.dot_dimension_numbers<[1], [0], [0], [1], [0, 0, 1, 1], [], []>, transpose_lhs_hint = false} : vector<10000x128xf32>, vector<128x128xf32>, vector<10000x128xf32> -> vector<10000x128xf32>
    %swap3A = arith.constant 0 : index
    %swap3A_6 = arith.constant 0 : index
    %swap3A_7 = vector.load %arg2[%swap3A, %swap3A_6] : memref<10000x128xf32, #tpu.memory_space<vmem>>, vector<10000x128xf32>
    tpu.vector_store %arg2[%swap3A, %swap3A_6], %dot_general3A_5 {strides = array<i32>} : memref<10000x128xf32, #tpu.memory_space<vmem>>, vector<10000x128xf32>,
    return
  }
}

module attributes {stable_mosaic.version = 14 : i64} {
  func.func @_fin_body(%arg0: memref<10000x128xf32, #tpu.memory_space<vmem>>, %arg1: memref<2x10240x128xf32, #tpu.memory_space<vmem>>, %arg2: memref<10000x1xf32, #tpu.memory_space<vmem>>, %arg3: memref<128xf32, #tpu.memory_space<vmem>>, %arg4: memref<128xf32, #tpu.memory_space<vmem>>, %arg5: memref<10000x128xf32, #tpu.memory_space<vmem>>) attributes {dimension_semantics = [], scalar_prefetch = 0 : i64, scratch_operands = 0 : i64, tpu.core_type = #tpu.core_type<tc>} {
    %get3A = arith.constant 0 : index
    %get3A_0 = arith.constant 0 : index
    %get3A_1 = vector.load %arg2[%get3A, %get3A_0] : memref<10000x1xf32, #tpu.memory_space<vmem>>, vector<10000x1xf32>
    %get3A_2 = arith.constant 0 : index
    %get3A_3 = arith.constant 0 : index
    %get3A_4 = vector.load %arg0[%get3A_2, %get3A_3] : memref<10000x128xf32, #tpu.memory_space<vmem>>, vector<10000x128xf32>
    %get3A_5 = arith.constant 0 : index
    %get3A_6 = arith.constant 0 : index
    %get3A_7 = arith.constant 0 : index
    %get3A_8 = vector.load %arg1[%get3A_5, %get3A_6, %get3A_7] : memref<2x10240x128xf32, #tpu.memory_space<vmem>>, vector<1x10240x128xf32>
    %get3A_9 = vector.shape_cast %get3A_8 : vector<1x10240x128xf32> to vector<10240x128xf32>
    %get3A_10 = arith.constant 1 : index
    %get3A_11 = arith.constant 0 : index
    %get3A_12 = arith.constant 0 : index
    %get3A_13 = vector.load %arg1[%get3A_10, %get3A_11, %get3A_12] : memref<2x10240x128xf32, #tpu.memory_space<vmem>>, vector<1x10240x128xf32>
    %get3A_14 = vector.shape_cast %get3A_13 : vector<1x10240x128xf32> to vector<10240x128xf32>
    %add3A = arith.addf %get3A_9, %get3A_14 : vector<10240x128xf32>
    %slice3A = vector.extract_strided_slice %add3A {offsets = [0, 0], sizes = [10000, 128], strides = [1, 1]} : vector<10240x128xf32> to vector<10000x128xf32>
    %mul3A = vector.broadcast %get3A_1 : vector<10000x1xf32> to vector<10000x128xf32>
    %mul3A_15 = arith.mulf %mul3A, %slice3A : vector<10000x128xf32>
    %add3A_16 = arith.addf %get3A_4, %mul3A_15 : vector<10000x128xf32>
    %reduce_sum3A = arith.constant dense<0.000000e+00> : vector<128xf32>
    %reduce_sum3A_17 = vector.multi_reduction <add>, %add3A_16, %reduce_sum3A [0] : vector<10000x128xf32> to vector<128xf32>
    %broadcast_in_dim3A = vector.shape_cast %reduce_sum3A_17 : vector<128xf32> to vector<1x128xf32>
    %div3A = arith.constant 1.000000e+04 : f32
    %div3A_18 = vector.broadcast %div3A : f32 to vector<1x128xf32>
    %div3A_19 = arith.divf %broadcast_in_dim3A, %div3A_18 : vector<1x128xf32>
    %sub3A = vector.broadcast %div3A_19 : vector<1x128xf32> to vector<10000x128xf32>
    %sub3A_20 = arith.subf %add3A_16, %sub3A : vector<10000x128xf32>
    %integer_pow3A = arith.mulf %sub3A_20, %sub3A_20 : vector<10000x128xf32>
    %reduce_sum3A_21 = arith.constant dense<0.000000e+00> : vector<128xf32>
    %reduce_sum3A_22 = vector.multi_reduction <add>, %integer_pow3A, %reduce_sum3A_21 [0] : vector<10000x128xf32> to vector<128xf32>
    %broadcast_in_dim3A_23 = vector.shape_cast %reduce_sum3A_22 : vector<128xf32> to vector<1x128xf32>
    %div3A_24 = arith.constant 1.000000e+04 : f32
    %div3A_25 = vector.broadcast %div3A_24 : f32 to vector<1x128xf32>
    %div3A_26 = arith.divf %broadcast_in_dim3A_23, %div3A_25 : vector<1x128xf32>
    %sub3A_27 = vector.broadcast %div3A_19 : vector<1x128xf32> to vector<10000x128xf32>
    %sub3A_28 = arith.subf %add3A_16, %sub3A_27 : vector<10000x128xf32>
    %add3A_29 = arith.constant 9.99999974E-6 : f32
    %add3A_30 = vector.broadcast %add3A_29 : f32 to vector<1x128xf32>
    %add3A_31 = arith.addf %div3A_26, %add3A_30 : vector<1x128xf32>
    %rsqrt3A = math.rsqrt %add3A_31 : vector<1x128xf32>
    %mul3A_32 = vector.broadcast %rsqrt3A : vector<1x128xf32> to vector<10000x128xf32>
    %mul3A_33 = arith.mulf %sub3A_28, %mul3A_32 : vector<10000x128xf32>
    %get3A_34 = arith.constant 0 : index
    %get3A_35 = vector.load %arg3[%get3A_34] : memref<128xf32, #tpu.memory_space<vmem>>, vector<128xf32>
    %broadcast_in_dim3A_36 = vector.shape_cast %get3A_35 : vector<128xf32> to vector<1x128xf32>
    %mul3A_37 = vector.broadcast %broadcast_in_dim3A_36 : vector<1x128xf32> to vector<10000x128xf32>
    %mul3A_38 = arith.mulf %mul3A_33, %mul3A_37 : vector<10000x128xf32>
    %get3A_39 = arith.constant 0 : index
    %get3A_40 = vector.load %arg4[%get3A_39] : memref<128xf32, #tpu.memory_space<vmem>>, vector<128xf32>
    %broadcast_in_dim3A_41 = vector.shape_cast %get3A_40 : vector<128xf32> to vector<1x128xf32>
    %add3A_42 = vector.broadcast %broadcast_in_dim3A_41 : vector<1x128xf32> to vector<10000x128xf32>
    %add3A_43 = arith.addf %mul3A_38, %add3A_42 : vector<10000x128xf32>
    %swap3A = arith.constant 0 : index
    %swap3A_44 = arith.constant 0 : index
    %swap3A_45 = vector.load %arg5[%swap3A, %swap3A_44] : memref<10000x128xf32, #tpu.memory_space<vmem>>, vector<10000x128xf32>
    tpu.vector_store %arg5[%swap3A, %swap3A_44], %add3A_43 {strides = array<i32>} : memref<10000x128xf32, #tpu.memory_space<vmem>>, vector<10000x128xf32>,
    return
  }
}

</mosaic_0001>

<sc_bundles>
// kernel: kernel.10.cloned.1.call-start
scs
__scs_entry_jumppad:
0x0: {  	(pc) =	sbr.rel $0x88, $3  }
0x1: {  	(tag) =	ssettag $0x0;
	lr =	simm.s32 $0x1  }
0x2: {  	[smem:$0x3F97] =	sst lr;
	_ =	strace $0xD0000000  }
0x3: {  	_ = 	snop  }
0x4: {  	_ = 	snop  }
0x5: {  	_ = 	snop  }
0x6: {  	_ = 	snop  }
0x7: {  	_ = 	snop  }
__scs_overlays_trampoline_lowered:
0x8: {  	[smem:$0x3FA6] =	sst s0  }
0x9: {  	[smem:$0x3FA7] =	sst s1  }
0xa: {  	[smem:$0x3FA8] =	sst s2  }
0xb: {  	[smem:$0x3FA9] =	sst s3  }
0xc: {  	[smem:$0x3FAA] =	sst s4  }
0xd: {  	[smem:$0x3FAB] =	sst s5  }
0xe: {  	[smem:$0x3FAC] =	sst s6  }
0xf: {  	[smem:$0x3FAD] =	sst s7  }
0x10: {  	[smem:$0x3FAE] =	sst s8  }
0x11: {  	[smem:$0x3FAF] =	sst s9;
	s0 =	simm.s32 @!p0 $0x0  }
0x12: {  	s1 =	sld [smem:$0x3F95];
	s0 =	simm.s32 @p0 $0x1  }
0x13: {  	[smem:$0x3FB0] =	sst s0;
	s0 =	simm.s32 @!p1 $0x0  }
0x14: {  	s2 =	sld [smem:$0x3F94];
	s0 =	simm.s32 @p1 $0x1  }
0x15: {  	[smem:$0x3FB1] =	sst s0;
	s0 =	simm.s32 @!p2 $0x0  }
0x16: {  	s3 =	sld [smem:$0x3FDB];
	s0 =	simm.s32 @p2 $0x1  }
0x17: {  	s4 =	simm.s32 $0x1BF5;
	[smem:$0x3FB3] =	sst s0  }
0x18: {  	s0 =	sld [smem:$0x3F96];
	_ =	swait.ge [sflag:s4], $0x0  }
0x19: {  	s7 =	sld [smem:$0x3F97]  }
0x1a: {  	s8 =	sadd.s32 $0xFFFFE003, lr  }
0x1b: {  	s9 =	sadd.s32 $0xFFFFFEF7, lr;
	s5 =	simm.s32 $0xFFFFFFFF;
	p2 =	slt.u32 s8, $0xFFFFF086  }
0x1c: {  	p1 =	slt.u32 s9, $0xF7A;
	s5 =	simm.s32 @!p2 $0x0  }
0x1d: {  	s5 =	simm.s32 @p1 $0x1;
	p0 =	seq.s32 s7, s2  }
0x1e: {  	s7 =	smul.u32 @!p0 $0xF7A, s2;
	p2 =	seq.s32 @!p0 s5, $0x0  }
0x1f: {  	s9 =	smul.u32 $0xF7A, s1;
	s8 =	simm.s32 @!p0 $0x1BF5;
	p2 =	por !p2, p0  }
0x20: {  	[sflag:s8] =	ssyncset.s32 @!p0 $0xFFFFF086;
	s6 =	sadd.s32 @!p0 s3, s7;
	s7 =	simm.s32 @!p0 $0x108  }
0x21: {  	s3 =	sadd.s32 s3, s9;
	s6 =	sadd.s32 @!p0 $0x88, s6;
	s7 =	simm.s32 @p2 $0x1082  }
0x22: {  	[simem:s7], [sflag:s8] =	dma.local @!p0 [hbm:s6], $0xF7A  }
0x23: {  	s9 =	sor.u32 $0xD0000000, s2;
	s6 =	simm.s32 $0x108;
	_ =	swait.ge @!p0 [sflag:s8], $0x0  }
0x24: {  	s3 =	sadd.s32 $0x88, s3;
	s6 =	simm.s32 @!p1 $0x1082;
	[sflag:s4] =	ssyncset.s32 $0xFFFFF086  }
0x25: {  	[simem:s6], [sflag:s4] =	dma.local [hbm:s3], $0xF7A  }
0x26: {  	[smem:$0x3F97] =	sst s1;
	(tag) =	ssettag s2;
	_ =	strace s9  }
0x27: {  	s1 =	sld [smem:$0x3FA7]  }
0x28: {  	s2 =	sld [smem:$0x3FA8]  }
0x29: {  	s4 =	sld [smem:$0x3FAA]  }
0x2a: {  	p0 =	seq.s32 s5, $0x0;
	s5 =	sld [smem:$0x3FAB]  }
0x2b: {  	s6 =	sld [smem:$0x3FAC]  }
0x2c: {  	s7 =	sld [smem:$0x3FAD]  }
0x2d: {  	s3 =	simm.s32 $0x108;
	s8 =	sld [smem:$0x3FAE]  }
0x2e: {  	s3 =	simm.s32 @!p0 $0x1082;
	s9 =	sld [smem:$0x3FAF]  }
0x2f: {  	lr =	sadd.s32 s0, s3;
	s0 =	sld [smem:$0x3FA6]  }
0x30: {  	s3 =	sld [smem:$0x3FA9]  }
0x31: {  	[smem:$0x3FB2] =	sst s10  }
0x32: {  	s10 =	sld [smem:$0x3FB0];
	_ =	sdelay $0x3  }
0x33: {  	p0 =	seq.s32 s10, $0x1;
	s10 =	sld [smem:$0x3FB2];
	_ =	sdelay $0x3  }
0x34: {  	[smem:$0x3FB2] =	sst s10  }
0x35: {  	s10 =	sld [smem:$0x3FB1];
	_ =	sdelay $0x3  }
0x36: {  	p1 =	seq.s32 s10, $0x1;
	s10 =	sld [smem:$0x3FB2];
	_ =	sdelay $0x3  }
0x37: {  	[smem:$0x3FB2] =	sst s10  }
0x38: {  	s10 =	sld [smem:$0x3FB3]  }
0x39: {  	_ = 	snop;
	(pc) =	sbr.ind lr, $3  }
0x3a: {  	_ = 	snop  }
0x3b: {  	_ = 	snop  }
0x3c: {  	p2 =	seq.s32 s10, $0x1;
	s10 =	sld [smem:$0x3FB2]  }
0x3d: {  	_ =	shalt  }
0x3e: {  	_ =	shalt  }
0x3f: {  	_ =	shalt  }
0x40: {  	_ =	shalt  }
0x41: {  	_ =	shalt  }
0x42: {  	_ =	shalt  }
0x43: {  	_ =	shalt  }
0x44: {  	_ =	shalt  }
0x45: {  	_ =	shalt  }
0x46: {  	_ =	shalt  }
0x47: {  	_ =	shalt  }
0x48: {  	_ =	shalt  }
0x49: {  	_ =	shalt  }
0x4a: {  	_ =	shalt  }
0x4b: {  	_ =	shalt  }
0x4c: {  	_ =	shalt  }
0x4d: {  	_ =	shalt  }
0x4e: {  	_ =	shalt  }
0x4f: {  	_ =	shalt  }
0x50: {  	_ =	shalt  }
0x51: {  	_ =	shalt  }
0x52: {  	_ =	shalt  }
0x53: {  	_ =	shalt  }
0x54: {  	_ =	shalt  }
0x55: {  	_ =	shalt  }
0x56: {  	_ =	shalt  }
0x57: {  	_ =	shalt  }
0x58: {  	_ =	shalt  }
0x59: {  	_ =	shalt  }
0x5a: {  	_ =	shalt  }
0x5b: {  	_ =	shalt  }
0x5c: {  	_ =	shalt  }
0x5d: {  	_ =	shalt  }
0x5e: {  	_ =	shalt  }
0x5f: {  	_ =	shalt  }
0x60: {  	_ =	shalt  }
0x61: {  	_ =	shalt  }
0x62: {  	_ =	shalt  }
0x63: {  	_ =	shalt  }
0x64: {  	_ =	shalt  }
0x65: {  	_ =	shalt  }
0x66: {  	_ =	shalt  }
0x67: {  	_ =	shalt  }
0x68: {  	_ =	shalt  }
0x69: {  	_ =	shalt  }
0x6a: {  	_ =	shalt  }
0x6b: {  	_ =	shalt  }
0x6c: {  	_ =	shalt  }
0x6d: {  	_ =	shalt  }
0x6e: {  	_ =	shalt  }
0x6f: {  	_ =	shalt  }
0x70: {  	_ =	shalt  }
0x71: {  	_ =	shalt  }
0x72: {  	_ =	shalt  }
0x73: {  	_ =	shalt  }
0x74: {  	_ =	shalt  }
0x75: {  	_ =	shalt  }
0x76: {  	_ =	shalt  }
0x77: {  	_ =	shalt  }
0x78: {  	_ =	shalt  }
0x79: {  	_ =	shalt  }
0x7a: {  	_ =	shalt  }
0x7b: {  	_ =	shalt  }
0x7c: {  	_ =	shalt  }
0x7d: {  	_ =	shalt  }
0x7e: {  	_ =	shalt  }
0x7f: {  	_ =	shalt  }
0x80: {  	_ =	shalt  }
0x81: {  	_ =	shalt  }
0x82: {  	_ =	shalt  }
0x83: {  	_ =	shalt  }
0x84: {  	_ =	shalt  }
0x85: {  	_ =	shalt  }
0x86: {  	_ =	shalt  }
0x87: {  	_ =	shalt  }
.Lfunc_end0:
.L_simem_size_0:
called_computation_lowered:
.L_overlay_start_0:
0x88: {  	s2 =	sld [smem:$0x3FD9]  }
0x89: {  	s3 =	sld [smem:$0x3FFE];
	_ =	sdelay $0x1  }
0x8a: {  	s1 =	srdreg.scid  }
0x8b: {  	s0 =	sand.u32 $0x1, s1  }
0x8c: {  	s17 =	sshll.u32 s0, $0xA;
	s2 =	sadd.s32 s3, s2  }
0x8d: {  	s2 =	sadd.s32 s2, s17  }
0x8e: {  	[smem:$0x3FBE] =	sst s2  }
0x8f: {  	_ = 	snop  }
0x90: {  	s2 =	sld [smem:$0x3FD0];
	(tm) =	ssettm $0x1  }
0x91: {  	s18 =	sld [smem:$0x3FFB];
	_ =	sdelay $0x3  }
0x92: {  	_ =	strace s18  }
0x93: {  	s3 =	sld [smem:$0x3FFC];
	_ =	sdelay $0x3  }
0x94: {  	_ =	strace s3  }
0x95: {  	s3 =	sld [smem:$0x3FFD];
	_ =	sdelay $0x3  }
0x96: {  	_ =	strace s3  }
0x97: {  	_ =	strace $0x8FFFFFFF  }
0x98: {  	s19 =	sld [smem:$0x3FDB];
	_ =	sdelay $0x1  }
0x99: {  	s4 =	simm.s32 $_scs_section_size  }
0x9a: {  	s5 =	simm.s32 $_size__tile_overlayer_lowered;
	s6 =	simm.s32 $_tile_overlayer_lowered  }
0x9b: {  	s22 =	simm.s32 $0x1BFF;
	s21 =	sshll.u32 s6, $0x1;
	s3 =	sadd.s32 s4, s19  }
0x9c: {  	s7 =	simm.s32 $0x0;
	s20 =	sshll.u32 s5, $0x1;
	s5 =	sadd.s32 s21, s3  }
0x9d: {  	[timem:s7], [sflag:s22] =	dma.local [hbm:s5], s20  }
0x9e: {  	_ =	swait.ge [sflag:s22], s20  }
0x9f: {  	s4 =	ssub.s32 $0x0, s20;
	[sflag:s22] =	ssyncset.done $0x0  }
0xa0: {  	[sflag:s22] =	ssyncadd.s32 s4;
	_ =	sdelay $0x1  }
0xa1: {  	s23 =	simm.s32 $0x1B8B  }
0xa2: {  	_ =	swait.ge [sflag:s23], $0x1  }
0xa3: {  	[sflag:s23] =	ssyncset.done $0x0  }
0xa4: {  	s25 =	simm.s32 $0x1B8E;
	s24 =	sld [smem:$0x3FFE];
	[sflag:s23] =	ssyncadd.s32 $0xFFFFFFFF  }
0xa5: {  	s26 =	simm.s32 $execute0_lowered;
	[smem:$0x3FD2] =	sst s25  }
0xa6: {  	s5 =	sshll.u32 s26, $0x1;
	_ =	strace $0x80000046;
	[dreg:$0x1] =	wrdreg $0xFFFFFFFF  }
0xa7: {  	s28 =	simm.s32 $_size_execute0_lowered;
	s3 =	sadd.s32 s3, s5;
	[dreg:$0x0] =	wrdreg $0x0  }
0xa8: {  	s5 =	sshll.u32 s28, $0x1;
	[dreg:$0x2] =	wrdreg s3  }
0xa9: {  	[dreg:$0x3] =	wrdreg s5  }
0xaa: {  	[dreg:$0x4] =	wrdreg $0xC0  }
0xab: {  	_ =	task [dreg:s7], $0x5FFFF  }
0xac: {  	[dreg:$0x1] =	wrdreg $0xFFFFFFFF  }
0xad: {  	[dreg:$0x0] =	wrdreg $0x60  }
0xae: {  	[dreg:$0x2] =	wrdreg s24  }
0xaf: {  	[dreg:$0x3] =	wrdreg s2  }
0xb0: {  	[dreg:$0x4] =	wrdreg $0x2A000  }
0xb1: {  	[dreg:$0x5] =	wrdreg $0x9  }
0xb2: {  	_ =	task.clear_ibuf [dreg:s7], $0x6FFFF;
	_ =	strace $0x90000046  }
0xb3: {  	s29 =	simm.s32 $0x9;
	_ =	strace $0x80000048  }
0xb4: {  	_ =	swait.ge [sflag:s29], $0x1  }
0xb5: {  	[sflag:s29] =	ssyncadd.s32 $0xFFFFFFFF  }
0xb6: {  	_ =	strace $0x90000048  }
0xb7: {  	_ =	sfence  }
0xb8: {  	s30 =	sld [smem:$0x0];
	_ =	sdelay $0x2  }
0xb9: {  	s31 =	sshll.u32 s1, $0xD;
	s1 =	sshrl.u32 s1, $0x2  }
0xba: {  	s3 =	sand.u32 $0x4000, s31;
	s1 =	sadd.s32 s1, s30  }
0xbb: {  	s0 =	sor.u32 s3, s0;
	s1 =	sshll.u32 s1, $0x11  }
0xbc: {  	s0 =	sor.u32 s1, s0  }
0xbd: {  	s0 =	sadd.s32 $0x8F2B, s0  }
0xbe: {  	[sflag:s0] =	ssyncadd.remote.s32 $0x1  }
0xbf: {  	_ =	sfence.sel $0xFFFF  }
0xc0: {  	[dreg:$0x0] =	wrdreg $0xFFFFFFFF;
	(pc) =	sbr.abs _section_cstart, $3  }
0xc1: {  	[dreg:$0x1] =	wrdreg $0xFFFFFFFF  }
0xc2: {  	_ =	task.clear_ibuf [dreg:s7], $0x2FFFF;
	_ =	strace $0x9FFFFFFF  }
0xc3: {  	(tm) =	ssettm $0x7FFFFFFF  }
tec
execute0_lowered:
.L_overlay_start_1:
0x0: {  	(tag) =	ssettag $0x1  }
0x1: {  	s0 =	rddreg [dreg:$0x0]  }
0x2: {  	s3 =	rddreg [dreg:$0x2]  }
0x3: {  	s4 =	simm.s32 $0x0;
	s21 =	stileid.u32;
	s2 =	srdreg.scid  }
0x4: {  	s28 =	simm.s32 $0x6;
	s29 =	simm.s32 $0x1;
	s30 =	simm.s32 $0x2  }
0x5: {  	s31 =	simm.s32 $0x3;
	[smem:$0x7FF] =	sst s4;
	s1 =	smul.u32 $0x14000, s21  }
0x6: {  	s2 =	sand.u32 $0x1, s2;
	s7 =	sshll.u32 s21, $0x1;
	s9 =	smul.u32 $0x50000, s21  }
0x7: {  	s18 =	sadd.s32 $0xC600, s0;
	s10 =	smul.u32 $0x4E20, s21;
	s26 =	sshll.u32 s21, $0x6  }
0x8: {  	_ =	strace $0x80000047;
	s6 =	smul.u32 $0x140000, s2;
	s7 =	sor.u32 s2, s7  }
0x9: {  	s19 =	ssub.s32 $0x2, s2;
	s2 =	smul.u32 $0x2710, s2;
	s21 =	sor.u32 $0x1C05, s26  }
0xa: {  	s26 =	simm.s32 $0x180;
	s5 =	sshrl.u32 s1, $0x3;
	s7 =	smul.u32 $0x2710, s7  }
0xb: {  	s8 =	sshrl.u32 s19, $0x1;
	s22 =	sshrl.u32 s9, $0x2;
	s5 =	sadd.s32 s5, s0  }
0xc: {  	s1 =	sadd.s32 s1, s6;
	s20 =	ssub.s32 s19, s8;
	s22 =	sadd.s32 s22, s3  }
0xd: {  	s2 =	sadd.s32 s2, s10;
	s19 =	simm.s32 $0x200;
	s1 =	sshrl.u32 s1, $0x3  }
0xe: {  	s7 =	sshrl.u32 s7, $0x3;
	s5 =	sadd.s32 $0x16400, s5;
	s10 =	smax.u32 s20, $0x1  }
0xf: {  	s23 =	sadd.s32 $0x320, s2;
	s24 =	sadd.s32 $0x2D0, s2;
	s25 =	sadd.s32 $0x280, s2  }
0x10: {  	s2 =	sadd.s32 $0x230, s2;
	s20 =	simm.s32 $0x5;
	s22 =	sshrl.u32 s22, $0x3  }
0x11: {  	s0 =	sadd.s32 s1, s0;
	[dreg:$0x4] =	wrdreg s5;
	s6 =	sadd.s32 s18, s7  }
0x12: {  	s1 =	sshrl.u32 s25, $0x3;
	s2 =	sshrl.u32 s2, $0x3;
	s25 =	simm.s32 $0x50  }
0x13: {  	s7 =	sadd.s32 $0xA, s6;
	s8 =	sadd.s32 $0x14, s6;
	s9 =	sadd.s32 $0x3E400, s0  }
.Ltmp0:
0x14: {  	s11 =	sadd.s32 $0x1E, s6;
	s12 =	sadd.s32 $0x28, s6;
	(pc) =	sbr.rel .LBB2_1-.Ltmp0, $4  }
0x15: {  	s0 =	sshrl.u32 s23, $0x3;
	s13 =	sadd.s32 $0x32, s6;
	s14 =	sadd.s32 $0x3C, s6  }
0x16: {  	s17 =	sadd.s32 s1, s18;
	s15 =	sadd.s32 s0, s18;
	s0 =	sshrl.u32 s24, $0x3  }
0x17: {  	s23 =	simm.s32 $0x80;
	s24 =	simm.s32 $0x100;
	s16 =	sadd.s32 s0, s18  }
0x18: {  	s18 =	sadd.s32 s2, s18;
	s0 =	simm.s32 $0x4;
	s2 =	simm.s32 $0x0  }
.LBB2_4:
0x19: {  	[spmem:s3] =	stream.indirect.scatter.add.f32 [tilespmem:s19], [sflag:$0x4], $0x80, s26, s25, $0xb8;
	[tilespmem:$0x16A00] =	vst v63  }
0x1a: {  	_ = 	snop  }
0x1b: {  	[spmem:s3] =	stream.indirect.scatter.add.f32 [tilespmem:s19], [sflag:$0x1], $0x80, s4, s25, $0xb8;
	[tilespmem:$0x16A00] =	vst v63  }
0x1c: {  	_ =	swait.ge [sflag:s30], $0x2800  }
0x1d: {  	[sflag:s30] =	ssyncset.done $0x0  }
0x1e: {  	[sflag:s30] =	ssyncadd.s32 $0xFFFFD800  }
0x1f: {  	_ =	swait.ge [sflag:s31], $0x2800  }
0x20: {  	[sflag:s31] =	ssyncset.done $0x0  }
0x21: {  	[sflag:s31] =	ssyncadd.s32 $0xFFFFD800  }
0x22: {  	_ =	swait.ge [sflag:s0], $0x2800  }
0x23: {  	[sflag:s0] =	ssyncset.done $0x0  }
0x24: {  	[sflag:s0] =	ssyncadd.s32 $0xFFFFD800  }
0x25: {  	_ =	swait.ge [sflag:s29], $0x2800  }
0x26: {  	s2 =	sadd.s32 $0x1, s2;
	[sflag:s29] =	ssyncset.done $0x0  }
0x27: {  	p0 =	sne.s32 s2, s10;
	[sflag:s29] =	ssyncadd.s32 $0xFFFFD800  }
.Ltmp1:
0x28: {  	[bflag:$0x0] =	sbarrier.arrive $0xFFFF;
	(pc) =	sbr.rel @!p0 .LBB2_5-.Ltmp1, $4  }
0x29: {  	[hbm:s9], [sflag:s21] =	dma.local [spmem:s22], $0x2800  }
0x2a: {  	_ =	swait.ge [sflag:s20], $0x2800  }
0x2b: {  	[sflag:s20] =	ssyncset.done $0x0  }
0x2c: {  	[sflag:s20] =	ssyncadd.s32 $0xFFFFD800  }
.LBB2_1:
0x2d: {  	s1 =	rddreg [dreg:$0x1]  }
0x2e: {  	[tilespmem:s19], [sflag:$0x5] =	stream.linear.gather [hbm4b:s1+s4], $0x2800, $0x38;
	[tilespmem:$0x16A00] =	vst v63  }
0x2f: {  	_ =	swait.ge [sflag:s20], $0x2800  }
0x30: {  	[sflag:s20] =	ssyncset.done $0x0  }
0x31: {  	s5 =	rddreg [dreg:$0x4];
	[sflag:s20] =	ssyncadd.s32 $0xFFFFD800  }
0x32: {  	[spmem:s22], [sflag:s21] =	dma.local [hbm:s5], $0x2800  }
0x33: {  	_ =	swait.ge [sflag:s20], $0x2800  }
0x34: {  	[sflag:s20] =	ssyncset.done $0x0  }
0x35: {  	[sflag:s20] =	ssyncadd.s32 $0xFFFFD800  }
0x36: {  	[bflag:$0x0] =	sbarrier.arrive $0xFFFF  }
0x37: {  	[tilespmem:s4], [sflag:$0x5] =	stream.linear.gather [hbm4b:s6+s4], $0x50, $0x38;
	[tilespmem:$0x16A00] =	vst v63  }
0x38: {  	_ =	swait.ge [sflag:s20], $0x50  }
0x39: {  	[sflag:s20] =	ssyncset.done $0x0  }
0x3a: {  	[sflag:s20] =	ssyncadd.s32 $0xFFFFFFB0  }
0x3b: {  	[tilespmem:s23], [sflag:$0x5] =	stream.linear.gather [hbm4b:s7+s4], $0x50, $0x38;
	[tilespmem:$0x16A00] =	vst v63  }
0x3c: {  	_ =	swait.ge [sflag:s20], $0x50  }
0x3d: {  	[sflag:s20] =	ssyncset.done $0x0  }
0x3e: {  	[sflag:s20] =	ssyncadd.s32 $0xFFFFFFB0  }
0x3f: {  	[tilespmem:s24], [sflag:$0x5] =	stream.linear.gather [hbm4b:s8+s4], $0x50, $0x38;
	[tilespmem:$0x16A00] =	vst v63  }
0x40: {  	_ =	swait.ge [sflag:s20], $0x50  }
0x41: {  	[sflag:s20] =	ssyncset.done $0x0  }
0x42: {  	[sflag:s20] =	ssyncadd.s32 $0xFFFFFFB0  }
0x43: {  	[spmem:s3] =	stream.indirect.scatter.add.f32 [tilespmem:s19], [sflag:$0x1], $0x80, s4, s25, $0xb8;
	[tilespmem:$0x16A00] =	vst v63  }
0x44: {  	_ = 	snop  }
0x45: {  	[tilespmem:s26], [sflag:$0x6] =	stream.linear.gather [hbm4b:s11+s4], $0x50, $0x38;
	[tilespmem:$0x16A00] =	vst v63  }
0x46: {  	_ =	swait.ge [sflag:s28], $0x50  }
0x47: {  	[sflag:s28] =	ssyncset.done $0x0  }
0x48: {  	[sflag:s28] =	ssyncadd.s32 $0xFFFFFFB0  }
0x49: {  	[spmem:s3] =	stream.indirect.scatter.add.f32 [tilespmem:s19], [sflag:$0x2], $0x80, s23, s25, $0xb8;
	[tilespmem:$0x16A00] =	vst v63  }
0x4a: {  	_ =	swait.ge [sflag:s29], $0x2800  }
0x4b: {  	[sflag:s29] =	ssyncset.done $0x0  }
0x4c: {  	[sflag:s29] =	ssyncadd.s32 $0xFFFFD800  }
0x4d: {  	[tilespmem:s4], [sflag:$0x6] =	stream.linear.gather [hbm4b:s12+s4], $0x50, $0x38;
	[tilespmem:$0x16A00] =	vst v63  }
0x4e: {  	_ =	swait.ge [sflag:s28], $0x50  }
0x4f: {  	[sflag:s28] =	ssyncset.done $0x0  }
0x50: {  	[sflag:s28] =	ssyncadd.s32 $0xFFFFFFB0  }
0x51: {  	[spmem:s3] =	stream.indirect.scatter.add.f32 [tilespmem:s19], [sflag:$0x3], $0x80, s24, s25, $0xb8;
	[tilespmem:$0x16A00] =	vst v63  }
0x52: {  	_ =	swait.ge [sflag:s30], $0x2800  }
0x53: {  	[sflag:s30] =	ssyncset.done $0x0  }
0x54: {  	[sflag:s30] =	ssyncadd.s32 $0xFFFFD800  }
0x55: {  	[tilespmem:s23], [sflag:$0x6] =	stream.linear.gather [hbm4b:s13+s4], $0x50, $0x38;
	[tilespmem:$0x16A00] =	vst v63  }
0x56: {  	_ =	swait.ge [sflag:s28], $0x50  }
0x57: {  	[sflag:s28] =	ssyncset.done $0x0  }
0x58: {  	[sflag:s28] =	ssyncadd.s32 $0xFFFFFFB0  }
0x59: {  	[spmem:s3] =	stream.indirect.scatter.add.f32 [tilespmem:s19], [sflag:$0x4], $0x80, s26, s25, $0xb8;
	[tilespmem:$0x16A00] =	vst v63  }
0x5a: {  	_ =	swait.ge [sflag:s31], $0x2800  }
0x5b: {  	[sflag:s31] =	ssyncset.done $0x0  }
0x5c: {  	[sflag:s31] =	ssyncadd.s32 $0xFFFFD800  }
0x5d: {  	[tilespmem:s24], [sflag:$0x5] =	stream.linear.gather [hbm4b:s14+s4], $0x50, $0x38;
	[tilespmem:$0x16A00] =	vst v63  }
0x5e: {  	_ =	swait.ge [sflag:s20], $0x50  }
0x5f: {  	[sflag:s20] =	ssyncset.done $0x0  }
0x60: {  	s1 =	simm.s32 $0x0;
	[sflag:s20] =	ssyncadd.s32 $0xFFFFFFB0  }
.LBB2_2:
0x61: {  	[spmem:s3] =	stream.indirect.scatter.add.f32 [tilespmem:s19], [sflag:$0x1], $0x80, s4, s25, $0xb8;
	[tilespmem:$0x16A00] =	vst v63  }
0x62: {  	_ =	swait.ge [sflag:s0], $0x2800  }
0x63: {  	[sflag:s0] =	ssyncset.done $0x0  }
0x64: {  	s5 =	sadd.s32 s1, s18;
	[sflag:s0] =	ssyncadd.s32 $0xFFFFD800  }
0x65: {  	[tilespmem:s26], [sflag:$0x6] =	stream.linear.gather [hbm4b:s5+s4], $0x50, $0x38;
	[tilespmem:$0x16A00] =	vst v63  }
0x66: {  	_ =	swait.ge [sflag:s28], $0x50  }
0x67: {  	[sflag:s28] =	ssyncset.done $0x0  }
0x68: {  	[sflag:s28] =	ssyncadd.s32 $0xFFFFFFB0  }
0x69: {  	[spmem:s3] =	stream.indirect.scatter.add.f32 [tilespmem:s19], [sflag:$0x2], $0x80, s23, s25, $0xb8;
	[tilespmem:$0x16A00] =	vst v63  }
0x6a: {  	_ =	swait.ge [sflag:s29], $0x2800  }
0x6b: {  	[sflag:s29] =	ssyncset.done $0x0  }
0x6c: {  	p0 =	seq.s32 s1, $0x488;
	s5 =	sadd.s32 s1, s17;
	[sflag:s29] =	ssyncadd.s32 $0xFFFFD800  }
0x6d: {  	[tilespmem:s4], [sflag:$0x6] =	stream.linear.gather [hbm4b:s5+s4], $0x50, $0x38;
	[tilespmem:$0x16A00] =	vst v63  }
.Ltmp2:
0x6e: {  	_ = 	snop;
	(pc) =	sbr.rel @p0 .LBB2_4-.Ltmp2, $4  }
0x6f: {  	_ =	swait.ge [sflag:s28], $0x50  }
0x70: {  	[sflag:s28] =	ssyncset.done $0x0  }
0x71: {  	[sflag:s28] =	ssyncadd.s32 $0xFFFFFFB0  }
0x72: {  	[spmem:s3] =	stream.indirect.scatter.add.f32 [tilespmem:s19], [sflag:$0x3], $0x80, s24, s25, $0xb8;
	[tilespmem:$0x16A00] =	vst v63  }
0x73: {  	_ =	swait.ge [sflag:s30], $0x2800  }
0x74: {  	[sflag:s30] =	ssyncset.done $0x0  }
0x75: {  	s5 =	sadd.s32 s1, s16;
	[sflag:s30] =	ssyncadd.s32 $0xFFFFD800  }
0x76: {  	[tilespmem:s23], [sflag:$0x6] =	stream.linear.gather [hbm4b:s5+s4], $0x50, $0x38;
	[tilespmem:$0x16A00] =	vst v63  }
0x77: {  	_ =	swait.ge [sflag:s28], $0x50  }
0x78: {  	[sflag:s28] =	ssyncset.done $0x0  }
0x79: {  	[sflag:s28] =	ssyncadd.s32 $0xFFFFFFB0  }
0x7a: {  	[spmem:s3] =	stream.indirect.scatter.add.f32 [tilespmem:s19], [sflag:$0x4], $0x80, s26, s25, $0xb8;
	[tilespmem:$0x16A00] =	vst v63  }
0x7b: {  	_ =	swait.ge [sflag:s31], $0x2800  }
0x7c: {  	[sflag:s31] =	ssyncset.done $0x0  }
.Ltmp3:
0x7d: {  	s5 =	sadd.s32 s1, s15;
	[sflag:s31] =	ssyncadd.s32 $0xFFFFD800;
	(pc) =	sbr.rel .LBB2_2-.Ltmp3, $4  }
0x7e: {  	[tilespmem:s24], [sflag:$0x5] =	stream.linear.gather [hbm4b:s5+s4], $0x50, $0x38;
	[tilespmem:$0x16A00] =	vst v63  }
0x7f: {  	_ =	swait.ge [sflag:s20], $0x50  }
0x80: {  	[sflag:s20] =	ssyncset.done $0x0  }
0x81: {  	s1 =	sadd.s32 $0x28, s1;
	[sflag:s20] =	ssyncadd.s32 $0xFFFFFFB0  }
.LBB2_5:
0x82: {  	_ =	sfence.sel $0x180000  }
0x83: {  	[bflag:$0x0] =	sbarrier.arrive $0xFFFF  }
0x84: {  	_ =	strace $0x90000047  }
0x85: {  	s0 =	stileid.u32;
	[bflag:$0x2] =	sbarrier.arrive $0xFFFF  }
0x86: {  	p0 =	sne.s32 s0, $0x0;
	s0 =	rddreg [dreg:$0x3]  }
0x87: {  	s0 =	sadd.s32 @!p0 $0x100000, s0  }
0x88: {  	[sflag:s0] =	ssyncadd.tile.s32 @!p0 $0x1;
	_ =	shalt  }
.Lfunc_end2:
_tile_overlayer_lowered:
.L_overlay_start_2:
0x89: {  	(tag) =	ssettag $0x2  }
0x8a: {  	s0 =	rddreg [dreg:$0x0];
	s2 =	stileid.u32  }
0x8b: {  	s1 =	rddreg [dreg:$0x1];
	p0 =	sne.s32 s2, $0x0  }
0x8c: {  	s3 =	rddreg [dreg:$0x2];
	[bflag:$0x3] =	sbarrier.arrive $0xFFFF;
	s2 =	simm.s32 @!p0 $0x1C05  }
0x8d: {  	[timem:s3], [sflag:s2] =	dma.local @!p0 [hbm:s0], s1  }
0x8e: {  	s0 =	simm.s32 @!p0 $0x5  }
0x8f: {  	_ =	swait.ge @!p0 [sflag:s0], s1  }
0x90: {  	s1 =	ssub.s32 @!p0 $0x0, s1;
	[sflag:s0] =	ssyncset.done @!p0 $0x0  }
0x91: {  	[sflag:s0] =	ssyncadd.s32 @!p0 s1  }
0x92: {  	[bflag:$0x3] =	sbarrier.arrive $0xFFFF  }
0x93: {  	_ =	shalt  }

// kernel: kernel.13.cloned.1.call-start
scs
__scs_entry_jumppad:
0x0: {  	(pc) =	sbr.rel $0x88, $3  }
0x1: {  	(tag) =	ssettag $0x0;
	lr =	simm.s32 $0x1  }
0x2: {  	[smem:$0x3F97] =	sst lr;
	_ =	strace $0xD0000000  }
0x3: {  	_ = 	snop  }
0x4: {  	_ = 	snop  }
0x5: {  	_ = 	snop  }
0x6: {  	_ = 	snop  }
0x7: {  	_ = 	snop  }
__scs_overlays_trampoline_lowered:
0x8: {  	[smem:$0x3FA6] =	sst s0  }
0x9: {  	[smem:$0x3FA7] =	sst s1  }
0xa: {  	[smem:$0x3FA8] =	sst s2  }
0xb: {  	[smem:$0x3FA9] =	sst s3  }
0xc: {  	[smem:$0x3FAA] =	sst s4  }
0xd: {  	[smem:$0x3FAB] =	sst s5  }
0xe: {  	[smem:$0x3FAC] =	sst s6  }
0xf: {  	[smem:$0x3FAD] =	sst s7  }
0x10: {  	[smem:$0x3FAE] =	sst s8  }
0x11: {  	[smem:$0x3FAF] =	sst s9;
	s0 =	simm.s32 @!p0 $0x0  }
0x12: {  	s1 =	sld [smem:$0x3F95];
	s0 =	simm.s32 @p0 $0x1  }
0x13: {  	[smem:$0x3FB0] =	sst s0;
	s0 =	simm.s32 @!p1 $0x0  }
0x14: {  	s2 =	sld [smem:$0x3F94];
	s0 =	simm.s32 @p1 $0x1  }
0x15: {  	[smem:$0x3FB1] =	sst s0;
	s0 =	simm.s32 @!p2 $0x0  }
0x16: {  	s3 =	sld [smem:$0x3FDB];
	s0 =	simm.s32 @p2 $0x1  }
0x17: {  	s4 =	simm.s32 $0x1BF5;
	[smem:$0x3FB3] =	sst s0  }
0x18: {  	s0 =	sld [smem:$0x3F96];
	_ =	swait.ge [sflag:s4], $0x0  }
0x19: {  	s7 =	sld [smem:$0x3F97]  }
0x1a: {  	s8 =	sadd.s32 $0xFFFFE003, lr  }
0x1b: {  	s9 =	sadd.s32 $0xFFFFFEF7, lr;
	s5 =	simm.s32 $0xFFFFFFFF;
	p2 =	slt.u32 s8, $0xFFFFF086  }
0x1c: {  	p1 =	slt.u32 s9, $0xF7A;
	s5 =	simm.s32 @!p2 $0x0  }
0x1d: {  	s5 =	simm.s32 @p1 $0x1;
	p0 =	seq.s32 s7, s2  }
0x1e: {  	s7 =	smul.u32 @!p0 $0xF7A, s2;
	p2 =	seq.s32 @!p0 s5, $0x0  }
0x1f: {  	s9 =	smul.u32 $0xF7A, s1;
	s8 =	simm.s32 @!p0 $0x1BF5;
	p2 =	por !p2, p0  }
0x20: {  	[sflag:s8] =	ssyncset.s32 @!p0 $0xFFFFF086;
	s6 =	sadd.s32 @!p0 s3, s7;
	s7 =	simm.s32 @!p0 $0x108  }
0x21: {  	s3 =	sadd.s32 s3, s9;
	s6 =	sadd.s32 @!p0 $0x88, s6;
	s7 =	simm.s32 @p2 $0x1082  }
0x22: {  	[simem:s7], [sflag:s8] =	dma.local @!p0 [hbm:s6], $0xF7A  }
0x23: {  	s9 =	sor.u32 $0xD0000000, s2;
	s6 =	simm.s32 $0x108;
	_ =	swait.ge @!p0 [sflag:s8], $0x0  }
0x24: {  	s3 =	sadd.s32 $0x88, s3;
	s6 =	simm.s32 @!p1 $0x1082;
	[sflag:s4] =	ssyncset.s32 $0xFFFFF086  }
0x25: {  	[simem:s6], [sflag:s4] =	dma.local [hbm:s3], $0xF7A  }
0x26: {  	[smem:$0x3F97] =	sst s1;
	(tag) =	ssettag s2;
	_ =	strace s9  }
0x27: {  	s1 =	sld [smem:$0x3FA7]  }
0x28: {  	s2 =	sld [smem:$0x3FA8]  }
0x29: {  	s4 =	sld [smem:$0x3FAA]  }
0x2a: {  	p0 =	seq.s32 s5, $0x0;
	s5 =	sld [smem:$0x3FAB]  }
0x2b: {  	s6 =	sld [smem:$0x3FAC]  }
0x2c: {  	s7 =	sld [smem:$0x3FAD]  }
0x2d: {  	s3 =	simm.s32 $0x108;
	s8 =	sld [smem:$0x3FAE]  }
0x2e: {  	s3 =	simm.s32 @!p0 $0x1082;
	s9 =	sld [smem:$0x3FAF]  }
0x2f: {  	lr =	sadd.s32 s0, s3;
	s0 =	sld [smem:$0x3FA6]  }
0x30: {  	s3 =	sld [smem:$0x3FA9]  }
0x31: {  	[smem:$0x3FB2] =	sst s10  }
0x32: {  	s10 =	sld [smem:$0x3FB0];
	_ =	sdelay $0x3  }
0x33: {  	p0 =	seq.s32 s10, $0x1;
	s10 =	sld [smem:$0x3FB2];
	_ =	sdelay $0x3  }
0x34: {  	[smem:$0x3FB2] =	sst s10  }
0x35: {  	s10 =	sld [smem:$0x3FB1];
	_ =	sdelay $0x3  }
0x36: {  	p1 =	seq.s32 s10, $0x1;
	s10 =	sld [smem:$0x3FB2];
	_ =	sdelay $0x3  }
0x37: {  	[smem:$0x3FB2] =	sst s10  }
0x38: {  	s10 =	sld [smem:$0x3FB3]  }
0x39: {  	_ = 	snop;
	(pc) =	sbr.ind lr, $3  }
0x3a: {  	_ = 	snop  }
0x3b: {  	_ = 	snop  }
0x3c: {  	p2 =	seq.s32 s10, $0x1;
	s10 =	sld [smem:$0x3FB2]  }
0x3d: {  	_ =	shalt  }
0x3e: {  	_ =	shalt  }
0x3f: {  	_ =	shalt  }
0x40: {  	_ =	shalt  }
0x41: {  	_ =	shalt  }
0x42: {  	_ =	shalt  }
0x43: {  	_ =	shalt  }
0x44: {  	_ =	shalt  }
0x45: {  	_ =	shalt  }
0x46: {  	_ =	shalt  }
0x47: {  	_ =	shalt  }
0x48: {  	_ =	shalt  }
0x49: {  	_ =	shalt  }
0x4a: {  	_ =	shalt  }
0x4b: {  	_ =	shalt  }
0x4c: {  	_ =	shalt  }
0x4d: {  	_ =	shalt  }
0x4e: {  	_ =	shalt  }
0x4f: {  	_ =	shalt  }
0x50: {  	_ =	shalt  }
0x51: {  	_ =	shalt  }
0x52: {  	_ =	shalt  }
0x53: {  	_ =	shalt  }
0x54: {  	_ =	shalt  }
0x55: {  	_ =	shalt  }
0x56: {  	_ =	shalt  }
0x57: {  	_ =	shalt  }
0x58: {  	_ =	shalt  }
0x59: {  	_ =	shalt  }
0x5a: {  	_ =	shalt  }
0x5b: {  	_ =	shalt  }
0x5c: {  	_ =	shalt  }
0x5d: {  	_ =	shalt  }
0x5e: {  	_ =	shalt  }
0x5f: {  	_ =	shalt  }
0x60: {  	_ =	shalt  }
0x61: {  	_ =	shalt  }
0x62: {  	_ =	shalt  }
0x63: {  	_ =	shalt  }
0x64: {  	_ =	shalt  }
0x65: {  	_ =	shalt  }
0x66: {  	_ =	shalt  }
0x67: {  	_ =	shalt  }
0x68: {  	_ =	shalt  }
0x69: {  	_ =	shalt  }
0x6a: {  	_ =	shalt  }
0x6b: {  	_ =	shalt  }
0x6c: {  	_ =	shalt  }
0x6d: {  	_ =	shalt  }
0x6e: {  	_ =	shalt  }
0x6f: {  	_ =	shalt  }
0x70: {  	_ =	shalt  }
0x71: {  	_ =	shalt  }
0x72: {  	_ =	shalt  }
0x73: {  	_ =	shalt  }
0x74: {  	_ =	shalt  }
0x75: {  	_ =	shalt  }
0x76: {  	_ =	shalt  }
0x77: {  	_ =	shalt  }
0x78: {  	_ =	shalt  }
0x79: {  	_ =	shalt  }
0x7a: {  	_ =	shalt  }
0x7b: {  	_ =	shalt  }
0x7c: {  	_ =	shalt  }
0x7d: {  	_ =	shalt  }
0x7e: {  	_ =	shalt  }
0x7f: {  	_ =	shalt  }
0x80: {  	_ =	shalt  }
0x81: {  	_ =	shalt  }
0x82: {  	_ =	shalt  }
0x83: {  	_ =	shalt  }
0x84: {  	_ =	shalt  }
0x85: {  	_ =	shalt  }
0x86: {  	_ =	shalt  }
0x87: {  	_ =	shalt  }
.Lfunc_end0:
.L_simem_size_0:
called_computation.1_lowered:
.L_overlay_start_0:
0x88: {  	s2 =	sld [smem:$0x3FD9]  }
0x89: {  	s3 =	sld [smem:$0x3FFE];
	_ =	sdelay $0x1  }
0x8a: {  	s1 =	srdreg.scid  }
0x8b: {  	s0 =	sand.u32 $0x1, s1  }
0x8c: {  	s17 =	sshll.u32 s0, $0xA;
	s2 =	sadd.s32 s3, s2  }
0x8d: {  	s2 =	sadd.s32 s2, s17  }
0x8e: {  	[smem:$0x3FBE] =	sst s2  }
0x8f: {  	_ = 	snop  }
0x90: {  	s2 =	sld [smem:$0x3FD0];
	(tm) =	ssettm $0x1  }
0x91: {  	s18 =	sld [smem:$0x3FFB];
	_ =	sdelay $0x3  }
0x92: {  	_ =	strace s18  }
0x93: {  	s3 =	sld [smem:$0x3FFC];
	_ =	sdelay $0x3  }
0x94: {  	_ =	strace s3  }
0x95: {  	s3 =	sld [smem:$0x3FFD];
	_ =	sdelay $0x3  }
0x96: {  	_ =	strace s3  }
0x97: {  	_ =	strace $0x8FFFFFFF  }
0x98: {  	s19 =	sld [smem:$0x3FDB];
	_ =	sdelay $0x1  }
0x99: {  	s4 =	simm.s32 $_scs_section_size  }
0x9a: {  	s5 =	simm.s32 $_size__tile_overlayer_lowered;
	s6 =	simm.s32 $_tile_overlayer_lowered  }
0x9b: {  	s22 =	simm.s32 $0x1BFF;
	s21 =	sshll.u32 s6, $0x1;
	s3 =	sadd.s32 s4, s19  }
0x9c: {  	s7 =	simm.s32 $0x0;
	s20 =	sshll.u32 s5, $0x1;
	s5 =	sadd.s32 s21, s3  }
0x9d: {  	[timem:s7], [sflag:s22] =	dma.local [hbm:s5], s20  }
0x9e: {  	_ =	swait.ge [sflag:s22], s20  }
0x9f: {  	s4 =	ssub.s32 $0x0, s20;
	[sflag:s22] =	ssyncset.done $0x0  }
0xa0: {  	[sflag:s22] =	ssyncadd.s32 s4;
	_ =	sdelay $0x1  }
0xa1: {  	s23 =	simm.s32 $0x1B8B  }
0xa2: {  	_ =	swait.ge [sflag:s23], $0x1  }
0xa3: {  	[sflag:s23] =	ssyncset.done $0x0  }
0xa4: {  	s25 =	simm.s32 $0x1B8E;
	s24 =	sld [smem:$0x3FFE];
	[sflag:s23] =	ssyncadd.s32 $0xFFFFFFFF  }
0xa5: {  	s26 =	simm.s32 $execute0_lowered;
	[smem:$0x3FD2] =	sst s25  }
0xa6: {  	s5 =	sshll.u32 s26, $0x1;
	_ =	strace $0x80000049;
	[dreg:$0x1] =	wrdreg $0xFFFFFFFF  }
0xa7: {  	s28 =	simm.s32 $_size_execute0_lowered;
	s3 =	sadd.s32 s3, s5;
	[dreg:$0x0] =	wrdreg $0x0  }
0xa8: {  	s5 =	sshll.u32 s28, $0x1;
	[dreg:$0x2] =	wrdreg s3  }
0xa9: {  	[dreg:$0x3] =	wrdreg s5  }
0xaa: {  	[dreg:$0x4] =	wrdreg $0xC0  }
0xab: {  	_ =	task [dreg:s7], $0x5FFFF  }
0xac: {  	[dreg:$0x1] =	wrdreg $0xFFFFFFFF  }
0xad: {  	[dreg:$0x0] =	wrdreg $0x60  }
0xae: {  	[dreg:$0x2] =	wrdreg s2  }
0xaf: {  	[dreg:$0x3] =	wrdreg s24  }
0xb0: {  	[dreg:$0x4] =	wrdreg $0xA4000  }
0xb1: {  	[dreg:$0x5] =	wrdreg $0x9  }
0xb2: {  	_ =	task.clear_ibuf [dreg:s7], $0x6FFFF;
	_ =	strace $0x90000049  }
0xb3: {  	s29 =	simm.s32 $0x9;
	_ =	strace $0x8000004B  }
0xb4: {  	_ =	swait.ge [sflag:s29], $0x1  }
0xb5: {  	[sflag:s29] =	ssyncadd.s32 $0xFFFFFFFF  }
0xb6: {  	_ =	strace $0x9000004B  }
0xb7: {  	_ =	sfence  }
0xb8: {  	s30 =	sld [smem:$0x0];
	_ =	sdelay $0x2  }
0xb9: {  	s31 =	sshll.u32 s1, $0xD;
	s1 =	sshrl.u32 s1, $0x2  }
0xba: {  	s3 =	sand.u32 $0x4000, s31;
	s1 =	sadd.s32 s1, s30  }
0xbb: {  	s0 =	sor.u32 s3, s0;
	s1 =	sshll.u32 s1, $0x11  }
0xbc: {  	s0 =	sor.u32 s1, s0  }
0xbd: {  	s0 =	sadd.s32 $0x8F2B, s0  }
0xbe: {  	[sflag:s0] =	ssyncadd.remote.s32 $0x1  }
0xbf: {  	_ =	sfence.sel $0xFFFF  }
0xc0: {  	[dreg:$0x0] =	wrdreg $0xFFFFFFFF;
	(pc) =	sbr.abs _section_cstart, $3  }
0xc1: {  	[dreg:$0x1] =	wrdreg $0xFFFFFFFF  }
0xc2: {  	_ =	task.clear_ibuf [dreg:s7], $0x2FFFF;
	_ =	strace $0x9FFFFFFF  }
0xc3: {  	(tm) =	ssettm $0x7FFFFFFF  }
tec
execute0_lowered:
.L_overlay_start_1:
0x0: {  	(tag) =	ssettag $0x1  }
0x1: {  	s1 =	rddreg [dreg:$0x0]  }
0x2: {  	s0 =	rddreg [dreg:$0x1]  }
0x3: {  	s3 =	rddreg [dreg:$0x2];
	s4 =	simm.s32 $0x0  }
0x4: {  	s13 =	stileid.u32;
	s2 =	srdreg.scid;
	s28 =	simm.s32 $0x80  }
0x5: {  	s29 =	simm.s32 $0x280;
	s30 =	simm.s32 $0x2C00;
	s31 =	simm.s32 $0x100  }
0x6: {  	[smem:$0x7FF] =	sst s4;
	s7 =	smul.u32 $0x14000, s13;
	s2 =	sand.u32 $0x1, s2  }
0x7: {  	s5 =	sadd.s32 $0x2800, s0;
	s6 =	sadd.s32 $0xC600, s0;
	s11 =	smul.u32 $0x50000, s13  }
0x8: {  	s25 =	sshll.u32 s13, $0x1;
	s14 =	sshll.u32 s13, $0x6;
	s22 =	smul.u32 $0x4E20, s13  }
0x9: {  	s13 =	simm.s32 $0x5;
	_ =	strace $0x8000004A;
	s8 =	smul.u32 $0x140000, s2  }
0xa: {  	s10 =	ssub.s32 $0x2, s2;
	s16 =	sor.u32 $0x1C09, s14;
	s14 =	simm.s32 $0x3  }
0xb: {  	s9 =	sshrl.u32 s7, $0x3;
	s12 =	sshrl.u32 s10, $0x1;
	[dreg:$0x6] =	wrdreg s16  }
0xc: {  	s9 =	sadd.s32 s9, s0;
	s7 =	sadd.s32 s7, s8;
	s8 =	sor.u32 s2, s25  }
0xd: {  	s26 =	ssub.s32 s10, s12;
	s12 =	sshrl.u32 s11, $0x2;
	s2 =	smul.u32 $0x2710, s2  }
0xe: {  	s7 =	sshrl.u32 s7, $0x3;
	s8 =	smul.u32 $0x2710, s8;
	s10 =	sadd.s32 s12, s3  }
0xf: {  	s9 =	sadd.s32 $0x16400, s9;
	s26 =	smax.u32 s26, $0x1;
	[dreg:$0x4] =	wrdreg s10  }
0x10: {  	s12 =	simm.s32 $0x2;
	s0 =	sadd.s32 s7, s0;
	[dreg:$0x5] =	wrdreg s9  }
0x11: {  	s25 =	sadd.s32 s2, s22;
	[dreg:$0x11] =	wrdreg s26;
	s26 =	simm.s32 $0x400  }
0x12: {  	s2 =	simm.s32 $0x5400;
	s7 =	simm.s32 $0x1;
	s10 =	simm.s32 $0x380  }
0x13: {  	s15 =	sshrl.u32 s8, $0x3;
	s23 =	sadd.s32 $0xF0, s8;
	s24 =	sadd.s32 $0x190, s8  }
0x14: {  	s0 =	sadd.s32 $0x3E400, s0;
	s22 =	sadd.s32 $0xF0, s25;
	s25 =	simm.s32 $0x50  }
0x15: {  	s17 =	sadd.s32 $0xA, s15;
	s18 =	sadd.s32 s5, s15;
	[dreg:$0xd] =	wrdreg s23  }
0x16: {  	s19 =	sadd.s32 s6, s15;
	s21 =	sadd.s32 $0x14, s15;
	[dreg:$0xe] =	wrdreg s24  }
0x17: {  	[dreg:$0x10] =	wrdreg s0;
	s23 =	simm.s32 $0x9;
	s24 =	simm.s32 $0x200  }
0x18: {  	s0 =	simm.s32 $0x300;
	s15 =	simm.s32 $0x4;
	[dreg:$0x7] =	wrdreg s18  }
0x19: {  	[dreg:$0x8] =	wrdreg s19;
	s20 =	sadd.s32 s5, s17;
	s9 =	sadd.s32 s6, s17  }
.Ltmp0:
0x1a: {  	s11 =	sadd.s32 s5, s21;
	[dreg:$0x9] =	wrdreg s20;
	(pc) =	sbr.rel .LBB2_1-.Ltmp0, $4  }
0x1b: {  	s17 =	sadd.s32 $0x140, s8;
	s8 =	sadd.s32 $0x1E0, s8;
	[dreg:$0xa] =	wrdreg s9  }
0x1c: {  	s18 =	simm.s32 $0x0;
	[dreg:$0xb] =	wrdreg s11;
	s9 =	sadd.s32 s6, s21  }
0x1d: {  	[dreg:$0xf] =	wrdreg s8;
	s8 =	simm.s32 $0x180;
	s11 =	simm.s32 $0x7C00  }
0x1e: {  	s20 =	simm.s32 $0x6;
	s21 =	simm.s32 $0x7;
	[dreg:$0xc] =	wrdreg s9  }
.LBB2_4:
0x1f: {  	_ =	swait.ge [sflag:s15], $0x2800  }
0x20: {  	[sflag:s15] =	ssyncset.done $0x0  }
0x21: {  	[sflag:s15] =	ssyncadd.s32 $0xFFFFD800  }
0x22: {  	[spmem:s3] =	stream.indirect.scatter.add.f32 [tilespmem:s11], [sflag:$0x8], $0x80, s10, s25, $0xb8;
	[tilespmem:$0x1E400] =	vst v63  }
0x23: {  	_ =	swait.ge [sflag:s7], $0x2800  }
0x24: {  	[sflag:s7] =	ssyncset.done $0x0  }
0x25: {  	[sflag:s7] =	ssyncadd.s32 $0xFFFFD800  }
0x26: {  	[spmem:s3] =	stream.indirect.scatter.add.f32 [tilespmem:s26], [sflag:$0x5], $0x80, s24, s25, $0xb8;
	[tilespmem:$0x1E400] =	vst v63  }
0x27: {  	_ =	swait.ge [sflag:s20], $0x2800  }
0x28: {  	[sflag:s20] =	ssyncset.done $0x0  }
0x29: {  	[sflag:s20] =	ssyncadd.s32 $0xFFFFD800  }
0x2a: {  	_ =	swait.ge [sflag:s21], $0x2800  }
0x2b: {  	[sflag:s21] =	ssyncset.done $0x0  }
0x2c: {  	s9 =	simm.s32 $0x8;
	[sflag:s21] =	ssyncadd.s32 $0xFFFFD800  }
0x2d: {  	_ =	swait.ge [sflag:s9], $0x2800  }
0x2e: {  	[sflag:s9] =	ssyncset.done $0x0  }
0x2f: {  	[sflag:s9] =	ssyncadd.s32 $0xFFFFD800  }
0x30: {  	_ =	swait.ge [sflag:s13], $0x2800  }
0x31: {  	[sflag:s13] =	ssyncset.done $0x0  }
0x32: {  	[sflag:s13] =	ssyncadd.s32 $0xFFFFD800  }
0x33: {  	[bflag:$0x0] =	sbarrier.arrive $0xFFFF  }
0x34: {  	s16 =	rddreg [dreg:$0x6]  }
0x35: {  	s19 =	rddreg [dreg:$0x10]  }
0x36: {  	s18 =	rddreg [dreg:$0x13]  }
0x37: {  	[hbm:s19], [sflag:s16] =	dma.local [spmem:s18], $0x2800  }
0x38: {  	_ =	swait.ge [sflag:s23], $0x2800  }
0x39: {  	s9 =	rddreg [dreg:$0x12]  }
0x3a: {  	s19 =	rddreg [dreg:$0x11];
	s18 =	sadd.s32 $0x1, s9  }
0x3b: {  	p0 =	sne.s32 s18, s19  }
.Ltmp1:
0x3c: {  	_ = 	snop;
	(pc) =	sbr.rel @!p0 .LBB2_5-.Ltmp1, $3  }
0x3d: {  	_ =	sdelay $0x1  }
0x3e: {  	[sflag:s23] =	ssyncset.done $0x0  }
0x3f: {  	[sflag:s23] =	ssyncadd.s32 $0xFFFFD800  }
.LBB2_1:
0x40: {  	[dreg:$0x12] =	wrdreg s18  }
0x41: {  	s9 =	rddreg [dreg:$0x4]  }
0x42: {  	s19 =	rddreg [dreg:$0x5];
	s9 =	sshrl.u32 s9, $0x3  }
0x43: {  	[dreg:$0x13] =	wrdreg s9  }
0x44: {  	[spmem:s9], [sflag:s16] =	dma.local [hbm:s19], $0x2800  }
0x45: {  	_ =	swait.ge [sflag:s23], $0x2800  }
0x46: {  	[sflag:s23] =	ssyncset.done $0x0  }
0x47: {  	[sflag:s23] =	ssyncadd.s32 $0xFFFFD800  }
0x48: {  	[bflag:$0x0] =	sbarrier.arrive $0xFFFF  }
0x49: {  	s16 =	rddreg [dreg:$0x7]  }
0x4a: {  	[tilespmem:s4], [sflag:$0x9] =	stream.linear.gather [hbm4b:s16+s4], $0x50, $0x38;
	[tilespmem:$0x1E400] =	vst v63  }
0x4b: {  	_ =	swait.ge [sflag:s23], $0x50  }
0x4c: {  	[sflag:s23] =	ssyncset.done $0x0  }
0x4d: {  	s18 =	rddreg [dreg:$0x8];
	[sflag:s23] =	ssyncadd.s32 $0xFFFFFFB0  }
0x4e: {  	[tilespmem:s24], [sflag:$0x9] =	stream.linear.gather [hbm4b:s18+s4], $0x50, $0x38;
	[tilespmem:$0x1E400] =	vst v63  }
0x4f: {  	_ =	swait.ge [sflag:s23], $0x50  }
0x50: {  	[sflag:s23] =	ssyncset.done $0x0  }
0x51: {  	[sflag:s23] =	ssyncadd.s32 $0xFFFFFFB0  }
0x52: {  	[tilespmem:s26], [sflag:$0x1] =	stream.indirect.gather [hbm4b:s1+s25], $0x80, s4, s25, $0xb8;
	[tilespmem:$0x1E400] =	vst v63  }
0x53: {  	s19 =	rddreg [dreg:$0x9]  }
0x54: {  	[tilespmem:s28], [sflag:$0x9] =	stream.linear.gather [hbm4b:s19+s4], $0x50, $0x38;
	[tilespmem:$0x1E400] =	vst v63  }
0x55: {  	_ =	swait.ge [sflag:s23], $0x50  }
0x56: {  	[sflag:s23] =	ssyncset.done $0x0  }
0x57: {  	s16 =	rddreg [dreg:$0xa];
	[sflag:s23] =	ssyncadd.s32 $0xFFFFFFB0  }
0x58: {  	[tilespmem:s29], [sflag:$0x9] =	stream.linear.gather [hbm4b:s16+s4], $0x50, $0x38;
	[tilespmem:$0x1E400] =	vst v63  }
0x59: {  	_ =	swait.ge [sflag:s23], $0x50  }
0x5a: {  	[sflag:s23] =	ssyncset.done $0x0  }
0x5b: {  	[sflag:s23] =	ssyncadd.s32 $0xFFFFFFB0  }
0x5c: {  	[tilespmem:s30], [sflag:$0x2] =	stream.indirect.gather [hbm4b:s1+s25], $0x80, s28, s25, $0xb8;
	[tilespmem:$0x1E400] =	vst v63  }
0x5d: {  	s18 =	rddreg [dreg:$0xb]  }
0x5e: {  	[tilespmem:s31], [sflag:$0x9] =	stream.linear.gather [hbm4b:s18+s4], $0x50, $0x38;
	[tilespmem:$0x1E400] =	vst v63  }
0x5f: {  	_ =	swait.ge [sflag:s23], $0x50  }
0x60: {  	[sflag:s23] =	ssyncset.done $0x0  }
0x61: {  	s19 =	rddreg [dreg:$0xc];
	[sflag:s23] =	ssyncadd.s32 $0xFFFFFFB0  }
0x62: {  	[tilespmem:s0], [sflag:$0x9] =	stream.linear.gather [hbm4b:s19+s4], $0x50, $0x38;
	[tilespmem:$0x1E400] =	vst v63  }
0x63: {  	_ =	swait.ge [sflag:s23], $0x50  }
0x64: {  	[sflag:s23] =	ssyncset.done $0x0  }
0x65: {  	s18 =	simm.s32 $0x0;
	[sflag:s23] =	ssyncadd.s32 $0xFFFFFFB0  }
0x66: {  	[tilespmem:s2], [sflag:$0x3] =	stream.indirect.gather [hbm4b:s1+s25], $0x80, s31, s25, $0xb8;
	[tilespmem:$0x1E400] =	vst v63  }
.LBB2_2:
0x67: {  	_ =	swait.ge [sflag:s7], $0x2800  }
0x68: {  	p0 =	seq.s32 s18, $0x0;
	[sflag:s7] =	ssyncset.done $0x0  }
0x69: {  	s9 =	simm.s32 @!p0 $0x8;
	[sflag:s7] =	ssyncadd.s32 $0xFFFFD800  }
0x6a: {  	[spmem:s3] =	stream.indirect.scatter.add.f32 [tilespmem:s26], [sflag:$0x5], $0x80, s24, s25, $0xb8;
	[tilespmem:$0x1E400] =	vst v63  }
0x6b: {  	_ =	swait.ge @!p0 [sflag:s9], $0x2800  }
0x6c: {  	s19 =	sadd.s32 @!p0 s18, s22;
	s16 =	rddreg [dreg:$0xd]  }
0x6d: {  	s19 =	smov.u32 @p0 s16  }
0x6e: {  	[sflag:s9] =	ssyncset.done @!p0 $0x0;
	s19 =	sshrl.u32 s19, $0x3  }
0x6f: {  	[sflag:s9] =	ssyncadd.s32 @!p0 $0xFFFFD800;
	s16 =	sadd.s32 s5, s19  }
0x70: {  	[tilespmem:s8], [sflag:$0x9] =	stream.linear.gather [hbm4b:s16+s4], $0x50, $0x38;
	[tilespmem:$0x1E400] =	vst v63  }
0x71: {  	_ =	swait.ge [sflag:s23], $0x50  }
0x72: {  	[sflag:s23] =	ssyncset.done $0x0  }
0x73: {  	s19 =	sadd.s32 s6, s19;
	[sflag:s23] =	ssyncadd.s32 $0xFFFFFFB0  }
0x74: {  	[tilespmem:s10], [sflag:$0x9] =	stream.linear.gather [hbm4b:s19+s4], $0x50, $0x38;
	[tilespmem:$0x1E400] =	vst v63  }
0x75: {  	_ =	swait.ge [sflag:s23], $0x50  }
0x76: {  	[sflag:s23] =	ssyncset.done $0x0  }
0x77: {  	[sflag:s23] =	ssyncadd.s32 $0xFFFFFFB0  }
0x78: {  	[tilespmem:s11], [sflag:$0x4] =	stream.indirect.gather [hbm4b:s1+s25], $0x80, s8, s25, $0xb8;
	[tilespmem:$0x1E400] =	vst v63  }
0x79: {  	_ =	swait.ge [sflag:s12], $0x2800  }
0x7a: {  	s9 =	smov.u32 s18;
	[sflag:s12] =	ssyncset.done $0x0  }
0x7b: {  	s9 =	simm.s32 @p0 $0x0;
	[sflag:s12] =	ssyncadd.s32 $0xFFFFD800  }
0x7c: {  	[spmem:s3] =	stream.indirect.scatter.add.f32 [tilespmem:s30], [sflag:$0x6], $0x80, s29, s25, $0xb8;
	[tilespmem:$0x1E400] =	vst v63  }
0x7d: {  	s16 =	sadd.s32 s9, s17;
	_ =	swait.ge [sflag:s13], $0x2800  }
0x7e: {  	s19 =	sshrl.u32 s16, $0x3;
	[sflag:s13] =	ssyncset.done $0x0  }
0x7f: {  	s16 =	sadd.s32 s5, s19;
	[sflag:s13] =	ssyncadd.s32 $0xFFFFD800  }
0x80: {  	[tilespmem:s4], [sflag:$0x9] =	stream.linear.gather [hbm4b:s16+s4], $0x50, $0x38;
	[tilespmem:$0x1E400] =	vst v63  }
0x81: {  	_ =	swait.ge [sflag:s23], $0x50  }
0x82: {  	[sflag:s23] =	ssyncset.done $0x0  }
0x83: {  	s19 =	sadd.s32 s6, s19;
	[sflag:s23] =	ssyncadd.s32 $0xFFFFFFB0  }
0x84: {  	[tilespmem:s24], [sflag:$0x9] =	stream.linear.gather [hbm4b:s19+s4], $0x50, $0x38;
	[tilespmem:$0x1E400] =	vst v63  }
0x85: {  	_ =	swait.ge [sflag:s23], $0x50  }
0x86: {  	[sflag:s23] =	ssyncset.done $0x0  }
0x87: {  	p0 =	seq.s32 s18, $0x2580;
	[sflag:s23] =	ssyncadd.s32 $0xFFFFFFB0  }
0x88: {  	[tilespmem:s26], [sflag:$0x1] =	stream.indirect.gather [hbm4b:s1+s25], $0x80, s4, s25, $0xb8;
	[tilespmem:$0x1E400] =	vst v63  }
.Ltmp2:
0x89: {  	_ = 	snop;
	(pc) =	sbr.rel @p0 .LBB2_4-.Ltmp2, $4  }
0x8a: {  	_ =	swait.ge [sflag:s14], $0x2800  }
0x8b: {  	[sflag:s14] =	ssyncset.done $0x0  }
0x8c: {  	[sflag:s14] =	ssyncadd.s32 $0xFFFFD800  }
0x8d: {  	[spmem:s3] =	stream.indirect.scatter.add.f32 [tilespmem:s2], [sflag:$0x7], $0x80, s0, s25, $0xb8;
	[tilespmem:$0x1E400] =	vst v63  }
0x8e: {  	_ =	swait.ge [sflag:s20], $0x2800  }
0x8f: {  	s16 =	rddreg [dreg:$0xe]  }
0x90: {  	s16 =	sadd.s32 s9, s16  }
0x91: {  	[sflag:s20] =	ssyncset.done $0x0;
	s16 =	sshrl.u32 s16, $0x3  }
0x92: {  	[sflag:s20] =	ssyncadd.s32 $0xFFFFD800;
	s19 =	sadd.s32 s5, s16  }
0x93: {  	[tilespmem:s28], [sflag:$0x9] =	stream.linear.gather [hbm4b:s19+s4], $0x50, $0x38;
	[tilespmem:$0x1E400] =	vst v63  }
0x94: {  	_ =	swait.ge [sflag:s23], $0x50  }
0x95: {  	[sflag:s23] =	ssyncset.done $0x0  }
0x96: {  	s16 =	sadd.s32 s6, s16;
	[sflag:s23] =	ssyncadd.s32 $0xFFFFFFB0  }
0x97: {  	[tilespmem:s29], [sflag:$0x9] =	stream.linear.gather [hbm4b:s16+s4], $0x50, $0x38;
	[tilespmem:$0x1E400] =	vst v63  }
0x98: {  	_ =	swait.ge [sflag:s23], $0x50  }
0x99: {  	[sflag:s23] =	ssyncset.done $0x0  }
0x9a: {  	[sflag:s23] =	ssyncadd.s32 $0xFFFFFFB0  }
0x9b: {  	[tilespmem:s30], [sflag:$0x2] =	stream.indirect.gather [hbm4b:s1+s25], $0x80, s28, s25, $0xb8;
	[tilespmem:$0x1E400] =	vst v63  }
0x9c: {  	_ =	swait.ge [sflag:s15], $0x2800  }
0x9d: {  	[sflag:s15] =	ssyncset.done $0x0  }
0x9e: {  	[sflag:s15] =	ssyncadd.s32 $0xFFFFD800  }
0x9f: {  	[spmem:s3] =	stream.indirect.scatter.add.f32 [tilespmem:s11], [sflag:$0x8], $0x80, s10, s25, $0xb8;
	[tilespmem:$0x1E400] =	vst v63  }
0xa0: {  	_ =	swait.ge [sflag:s21], $0x2800  }
0xa1: {  	s19 =	rddreg [dreg:$0xf]  }
0xa2: {  	s16 =	sadd.s32 s9, s19  }
0xa3: {  	[sflag:s21] =	ssyncset.done $0x0;
	s9 =	sshrl.u32 s16, $0x3  }
0xa4: {  	[sflag:s21] =	ssyncadd.s32 $0xFFFFD800;
	s19 =	sadd.s32 s5, s9  }
0xa5: {  	[tilespmem:s31], [sflag:$0x9] =	stream.linear.gather [hbm4b:s19+s4], $0x50, $0x38;
	[tilespmem:$0x1E400] =	vst v63  }
0xa6: {  	_ =	swait.ge [sflag:s23], $0x50  }
0xa7: {  	[sflag:s23] =	ssyncset.done $0x0  }
0xa8: {  	s9 =	sadd.s32 s6, s9;
	[sflag:s23] =	ssyncadd.s32 $0xFFFFFFB0  }
0xa9: {  	[tilespmem:s0], [sflag:$0x9] =	stream.linear.gather [hbm4b:s9+s4], $0x50, $0x38;
	[tilespmem:$0x1E400] =	vst v63  }
.Ltmp3:
0xaa: {  	_ = 	snop;
	(pc) =	sbr.rel .LBB2_2-.Ltmp3, $4  }
0xab: {  	_ =	swait.ge [sflag:s23], $0x50  }
0xac: {  	[sflag:s23] =	ssyncset.done $0x0  }
0xad: {  	s18 =	sadd.s32 $0x140, s18;
	[sflag:s23] =	ssyncadd.s32 $0xFFFFFFB0  }
0xae: {  	[tilespmem:s2], [sflag:$0x3] =	stream.indirect.gather [hbm4b:s1+s25], $0x80, s31, s25, $0xb8;
	[tilespmem:$0x1E400] =	vst v63  }
.LBB2_5:
0xaf: {  	_ =	sfence.sel $0x180000  }
0xb0: {  	[bflag:$0x0] =	sbarrier.arrive $0xFFFF  }
0xb1: {  	_ =	strace $0x9000004A  }
0xb2: {  	s0 =	stileid.u32;
	[bflag:$0x2] =	sbarrier.arrive $0xFFFF  }
0xb3: {  	p0 =	sne.s32 s0, $0x0;
	s0 =	rddreg [dreg:$0x3]  }
0xb4: {  	s0 =	sadd.s32 @!p0 $0x100000, s0  }
0xb5: {  	[sflag:s0] =	ssyncadd.tile.s32 @!p0 $0x1;
	_ =	shalt  }
.Lfunc_end2:
_tile_overlayer_lowered:
.L_overlay_start_2:
0xb6: {  	(tag) =	ssettag $0x2  }
0xb7: {  	s0 =	rddreg [dreg:$0x0];
	s2 =	stileid.u32  }
0xb8: {  	s1 =	rddreg [dreg:$0x1];
	p0 =	sne.s32 s2, $0x0  }
0xb9: {  	s3 =	rddreg [dreg:$0x2];
	[bflag:$0x3] =	sbarrier.arrive $0xFFFF;
	s2 =	simm.s32 @!p0 $0x1C09  }
0xba: {  	[timem:s3], [sflag:s2] =	dma.local @!p0 [hbm:s0], s1  }
0xbb: {  	s0 =	simm.s32 @!p0 $0x9  }
0xbc: {  	_ =	swait.ge @!p0 [sflag:s0], s1  }
0xbd: {  	s1 =	ssub.s32 @!p0 $0x0, s1;
	[sflag:s0] =	ssyncset.done @!p0 $0x0  }
0xbe: {  	[sflag:s0] =	ssyncadd.s32 @!p0 s1  }
0xbf: {  	[bflag:$0x3] =	sbarrier.arrive $0xFFFF  }
0xc0: {  	_ =	shalt  }

// kernel: kernel.16.cloned.1.call-start
scs
__scs_entry_jumppad:
0x0: {  	(pc) =	sbr.rel $0x88, $3  }
0x1: {  	(tag) =	ssettag $0x0;
	lr =	simm.s32 $0x1  }
0x2: {  	[smem:$0x3F97] =	sst lr;
	_ =	strace $0xD0000000  }
0x3: {  	_ = 	snop  }
0x4: {  	_ = 	snop  }
0x5: {  	_ = 	snop  }
0x6: {  	_ = 	snop  }
0x7: {  	_ = 	snop  }
__scs_overlays_trampoline_lowered:
0x8: {  	[smem:$0x3FA6] =	sst s0  }
0x9: {  	[smem:$0x3FA7] =	sst s1  }
0xa: {  	[smem:$0x3FA8] =	sst s2  }
0xb: {  	[smem:$0x3FA9] =	sst s3  }
0xc: {  	[smem:$0x3FAA] =	sst s4  }
0xd: {  	[smem:$0x3FAB] =	sst s5  }
0xe: {  	[smem:$0x3FAC] =	sst s6  }
0xf: {  	[smem:$0x3FAD] =	sst s7  }
0x10: {  	[smem:$0x3FAE] =	sst s8  }
0x11: {  	[smem:$0x3FAF] =	sst s9;
	s0 =	simm.s32 @!p0 $0x0  }
0x12: {  	s1 =	sld [smem:$0x3F95];
	s0 =	simm.s32 @p0 $0x1  }
0x13: {  	[smem:$0x3FB0] =	sst s0;
	s0 =	simm.s32 @!p1 $0x0  }
0x14: {  	s2 =	sld [smem:$0x3F94];
	s0 =	simm.s32 @p1 $0x1  }
0x15: {  	[smem:$0x3FB1] =	sst s0;
	s0 =	simm.s32 @!p2 $0x0  }
0x16: {  	s3 =	sld [smem:$0x3FDB];
	s0 =	simm.s32 @p2 $0x1  }
0x17: {  	s4 =	simm.s32 $0x1BF5;
	[smem:$0x3FB3] =	sst s0  }
0x18: {  	s0 =	sld [smem:$0x3F96];
	_ =	swait.ge [sflag:s4], $0x0  }
0x19: {  	s7 =	sld [smem:$0x3F97]  }
0x1a: {  	s8 =	sadd.s32 $0xFFFFE003, lr  }
0x1b: {  	s9 =	sadd.s32 $0xFFFFFEF7, lr;
	s5 =	simm.s32 $0xFFFFFFFF;
	p2 =	slt.u32 s8, $0xFFFFF086  }
0x1c: {  	p1 =	slt.u32 s9, $0xF7A;
	s5 =	simm.s32 @!p2 $0x0  }
0x1d: {  	s5 =	simm.s32 @p1 $0x1;
	p0 =	seq.s32 s7, s2  }
0x1e: {  	s7 =	smul.u32 @!p0 $0xF7A, s2;
	p2 =	seq.s32 @!p0 s5, $0x0  }
0x1f: {  	s9 =	smul.u32 $0xF7A, s1;
	s8 =	simm.s32 @!p0 $0x1BF5;
	p2 =	por !p2, p0  }
0x20: {  	[sflag:s8] =	ssyncset.s32 @!p0 $0xFFFFF086;
	s6 =	sadd.s32 @!p0 s3, s7;
	s7 =	simm.s32 @!p0 $0x108  }
0x21: {  	s3 =	sadd.s32 s3, s9;
	s6 =	sadd.s32 @!p0 $0x88, s6;
	s7 =	simm.s32 @p2 $0x1082  }
0x22: {  	[simem:s7], [sflag:s8] =	dma.local @!p0 [hbm:s6], $0xF7A  }
0x23: {  	s9 =	sor.u32 $0xD0000000, s2;
	s6 =	simm.s32 $0x108;
	_ =	swait.ge @!p0 [sflag:s8], $0x0  }
0x24: {  	s3 =	sadd.s32 $0x88, s3;
	s6 =	simm.s32 @!p1 $0x1082;
	[sflag:s4] =	ssyncset.s32 $0xFFFFF086  }
0x25: {  	[simem:s6], [sflag:s4] =	dma.local [hbm:s3], $0xF7A  }
0x26: {  	[smem:$0x3F97] =	sst s1;
	(tag) =	ssettag s2;
	_ =	strace s9  }
0x27: {  	s1 =	sld [smem:$0x3FA7]  }
0x28: {  	s2 =	sld [smem:$0x3FA8]  }
0x29: {  	s4 =	sld [smem:$0x3FAA]  }
0x2a: {  	p0 =	seq.s32 s5, $0x0;
	s5 =	sld [smem:$0x3FAB]  }
0x2b: {  	s6 =	sld [smem:$0x3FAC]  }
0x2c: {  	s7 =	sld [smem:$0x3FAD]  }
0x2d: {  	s3 =	simm.s32 $0x108;
	s8 =	sld [smem:$0x3FAE]  }
0x2e: {  	s3 =	simm.s32 @!p0 $0x1082;
	s9 =	sld [smem:$0x3FAF]  }
0x2f: {  	lr =	sadd.s32 s0, s3;
	s0 =	sld [smem:$0x3FA6]  }
0x30: {  	s3 =	sld [smem:$0x3FA9]  }
0x31: {  	[smem:$0x3FB2] =	sst s10  }
0x32: {  	s10 =	sld [smem:$0x3FB0];
	_ =	sdelay $0x3  }
0x33: {  	p0 =	seq.s32 s10, $0x1;
	s10 =	sld [smem:$0x3FB2];
	_ =	sdelay $0x3  }
0x34: {  	[smem:$0x3FB2] =	sst s10  }
0x35: {  	s10 =	sld [smem:$0x3FB1];
	_ =	sdelay $0x3  }
0x36: {  	p1 =	seq.s32 s10, $0x1;
	s10 =	sld [smem:$0x3FB2];
	_ =	sdelay $0x3  }
0x37: {  	[smem:$0x3FB2] =	sst s10  }
0x38: {  	s10 =	sld [smem:$0x3FB3]  }
0x39: {  	_ = 	snop;
	(pc) =	sbr.ind lr, $3  }
0x3a: {  	_ = 	snop  }
0x3b: {  	_ = 	snop  }
0x3c: {  	p2 =	seq.s32 s10, $0x1;
	s10 =	sld [smem:$0x3FB2]  }
0x3d: {  	_ =	shalt  }
0x3e: {  	_ =	shalt  }
0x3f: {  	_ =	shalt  }
0x40: {  	_ =	shalt  }
0x41: {  	_ =	shalt  }
0x42: {  	_ =	shalt  }
0x43: {  	_ =	shalt  }
0x44: {  	_ =	shalt  }
0x45: {  	_ =	shalt  }
0x46: {  	_ =	shalt  }
0x47: {  	_ =	shalt  }
0x48: {  	_ =	shalt  }
0x49: {  	_ =	shalt  }
0x4a: {  	_ =	shalt  }
0x4b: {  	_ =	shalt  }
0x4c: {  	_ =	shalt  }
0x4d: {  	_ =	shalt  }
0x4e: {  	_ =	shalt  }
0x4f: {  	_ =	shalt  }
0x50: {  	_ =	shalt  }
0x51: {  	_ =	shalt  }
0x52: {  	_ =	shalt  }
0x53: {  	_ =	shalt  }
0x54: {  	_ =	shalt  }
0x55: {  	_ =	shalt  }
0x56: {  	_ =	shalt  }
0x57: {  	_ =	shalt  }
0x58: {  	_ =	shalt  }
0x59: {  	_ =	shalt  }
0x5a: {  	_ =	shalt  }
0x5b: {  	_ =	shalt  }
0x5c: {  	_ =	shalt  }
0x5d: {  	_ =	shalt  }
0x5e: {  	_ =	shalt  }
0x5f: {  	_ =	shalt  }
0x60: {  	_ =	shalt  }
0x61: {  	_ =	shalt  }
0x62: {  	_ =	shalt  }
0x63: {  	_ =	shalt  }
0x64: {  	_ =	shalt  }
0x65: {  	_ =	shalt  }
0x66: {  	_ =	shalt  }
0x67: {  	_ =	shalt  }
0x68: {  	_ =	shalt  }
0x69: {  	_ =	shalt  }
0x6a: {  	_ =	shalt  }
0x6b: {  	_ =	shalt  }
0x6c: {  	_ =	shalt  }
0x6d: {  	_ =	shalt  }
0x6e: {  	_ =	shalt  }
0x6f: {  	_ =	shalt  }
0x70: {  	_ =	shalt  }
0x71: {  	_ =	shalt  }
0x72: {  	_ =	shalt  }
0x73: {  	_ =	shalt  }
0x74: {  	_ =	shalt  }
0x75: {  	_ =	shalt  }
0x76: {  	_ =	shalt  }
0x77: {  	_ =	shalt  }
0x78: {  	_ =	shalt  }
0x79: {  	_ =	shalt  }
0x7a: {  	_ =	shalt  }
0x7b: {  	_ =	shalt  }
0x7c: {  	_ =	shalt  }
0x7d: {  	_ =	shalt  }
0x7e: {  	_ =	shalt  }
0x7f: {  	_ =	shalt  }
0x80: {  	_ =	shalt  }
0x81: {  	_ =	shalt  }
0x82: {  	_ =	shalt  }
0x83: {  	_ =	shalt  }
0x84: {  	_ =	shalt  }
0x85: {  	_ =	shalt  }
0x86: {  	_ =	shalt  }
0x87: {  	_ =	shalt  }
.Lfunc_end0:
.L_simem_size_0:
called_computation.2_lowered:
.L_overlay_start_0:
0x88: {  	s2 =	sld [smem:$0x3FD9]  }
0x89: {  	s3 =	sld [smem:$0x3FFE];
	_ =	sdelay $0x1  }
0x8a: {  	s1 =	srdreg.scid  }
0x8b: {  	s0 =	sand.u32 $0x1, s1  }
0x8c: {  	s17 =	sshll.u32 s0, $0xA;
	s2 =	sadd.s32 s3, s2  }
0x8d: {  	s2 =	sadd.s32 s2, s17  }
0x8e: {  	[smem:$0x3FBE] =	sst s2  }
0x8f: {  	_ = 	snop  }
0x90: {  	s2 =	sld [smem:$0x3FD0];
	(tm) =	ssettm $0x1  }
0x91: {  	s18 =	sld [smem:$0x3FFB];
	_ =	sdelay $0x3  }
0x92: {  	_ =	strace s18  }
0x93: {  	s3 =	sld [smem:$0x3FFC];
	_ =	sdelay $0x3  }
0x94: {  	_ =	strace s3  }
0x95: {  	s3 =	sld [smem:$0x3FFD];
	_ =	sdelay $0x3  }
0x96: {  	_ =	strace s3  }
0x97: {  	_ =	strace $0x8FFFFFFF  }
0x98: {  	s19 =	sld [smem:$0x3FDB];
	_ =	sdelay $0x1  }
0x99: {  	s4 =	simm.s32 $_scs_section_size  }
0x9a: {  	s5 =	simm.s32 $_size__tile_overlayer_lowered;
	s6 =	simm.s32 $_tile_overlayer_lowered  }
0x9b: {  	s22 =	simm.s32 $0x1BFF;
	s21 =	sshll.u32 s6, $0x1;
	s3 =	sadd.s32 s4, s19  }
0x9c: {  	s7 =	simm.s32 $0x0;
	s20 =	sshll.u32 s5, $0x1;
	s5 =	sadd.s32 s21, s3  }
0x9d: {  	[timem:s7], [sflag:s22] =	dma.local [hbm:s5], s20  }
0x9e: {  	_ =	swait.ge [sflag:s22], s20  }
0x9f: {  	s4 =	ssub.s32 $0x0, s20;
	[sflag:s22] =	ssyncset.done $0x0  }
0xa0: {  	[sflag:s22] =	ssyncadd.s32 s4;
	_ =	sdelay $0x1  }
0xa1: {  	s23 =	simm.s32 $0x1B8B  }
0xa2: {  	_ =	swait.ge [sflag:s23], $0x1  }
0xa3: {  	[sflag:s23] =	ssyncset.done $0x0  }
0xa4: {  	s25 =	simm.s32 $0x1B8E;
	s24 =	sld [smem:$0x3FFE];
	[sflag:s23] =	ssyncadd.s32 $0xFFFFFFFF  }
0xa5: {  	s26 =	simm.s32 $execute0_lowered;
	[smem:$0x3FD2] =	sst s25  }
0xa6: {  	s5 =	sshll.u32 s26, $0x1;
	_ =	strace $0x8000004C;
	[dreg:$0x1] =	wrdreg $0xFFFFFFFF  }
0xa7: {  	s28 =	simm.s32 $_size_execute0_lowered;
	s3 =	sadd.s32 s3, s5;
	[dreg:$0x0] =	wrdreg $0x0  }
0xa8: {  	s5 =	sshll.u32 s28, $0x1;
	[dreg:$0x2] =	wrdreg s3  }
0xa9: {  	[dreg:$0x3] =	wrdreg s5  }
0xaa: {  	[dreg:$0x4] =	wrdreg $0xC0  }
0xab: {  	_ =	task [dreg:s7], $0x5FFFF  }
0xac: {  	[dreg:$0x1] =	wrdreg $0xFFFFFFFF  }
0xad: {  	[dreg:$0x0] =	wrdreg $0x60  }
0xae: {  	[dreg:$0x2] =	wrdreg s2  }
0xaf: {  	[dreg:$0x3] =	wrdreg s24  }
0xb0: {  	[dreg:$0x4] =	wrdreg $0xA4000  }
0xb1: {  	[dreg:$0x5] =	wrdreg $0x9  }
0xb2: {  	_ =	task.clear_ibuf [dreg:s7], $0x6FFFF;
	_ =	strace $0x9000004C  }
0xb3: {  	s29 =	simm.s32 $0x9;
	_ =	strace $0x8000004E  }
0xb4: {  	_ =	swait.ge [sflag:s29], $0x1  }
0xb5: {  	[sflag:s29] =	ssyncadd.s32 $0xFFFFFFFF  }
0xb6: {  	_ =	strace $0x9000004E  }
0xb7: {  	_ =	sfence  }
0xb8: {  	s30 =	sld [smem:$0x0];
	_ =	sdelay $0x2  }
0xb9: {  	s31 =	sshll.u32 s1, $0xD;
	s1 =	sshrl.u32 s1, $0x2  }
0xba: {  	s3 =	sand.u32 $0x4000, s31;
	s1 =	sadd.s32 s1, s30  }
0xbb: {  	s0 =	sor.u32 s3, s0;
	s1 =	sshll.u32 s1, $0x11  }
0xbc: {  	s0 =	sor.u32 s1, s0  }
0xbd: {  	s0 =	sadd.s32 $0x8F2B, s0  }
0xbe: {  	[sflag:s0] =	ssyncadd.remote.s32 $0x1  }
0xbf: {  	_ =	sfence.sel $0xFFFF  }
0xc0: {  	[dreg:$0x0] =	wrdreg $0xFFFFFFFF;
	(pc) =	sbr.abs _section_cstart, $3  }
0xc1: {  	[dreg:$0x1] =	wrdreg $0xFFFFFFFF  }
0xc2: {  	_ =	task.clear_ibuf [dreg:s7], $0x2FFFF;
	_ =	strace $0x9FFFFFFF  }
0xc3: {  	(tm) =	ssettm $0x7FFFFFFF  }
tec
execute0_lowered:
.L_overlay_start_1:
0x0: {  	(tag) =	ssettag $0x1  }
0x1: {  	s1 =	rddreg [dreg:$0x0]  }
0x2: {  	s0 =	rddreg [dreg:$0x1]  }
0x3: {  	s3 =	rddreg [dreg:$0x2];
	s4 =	simm.s32 $0x0  }
0x4: {  	s13 =	stileid.u32;
	s2 =	srdreg.scid;
	s28 =	simm.s32 $0x80  }
0x5: {  	s29 =	simm.s32 $0x280;
	s30 =	simm.s32 $0x2C00;
	s31 =	simm.s32 $0x100  }
0x6: {  	[smem:$0x7FF] =	sst s4;
	s7 =	smul.u32 $0x14000, s13;
	s2 =	sand.u32 $0x1, s2  }
0x7: {  	s5 =	sadd.s32 $0x2800, s0;
	s6 =	sadd.s32 $0xC600, s0;
	s11 =	smul.u32 $0x50000, s13  }
0x8: {  	s25 =	sshll.u32 s13, $0x1;
	s14 =	sshll.u32 s13, $0x6;
	s22 =	smul.u32 $0x4E20, s13  }
0x9: {  	s13 =	simm.s32 $0x5;
	_ =	strace $0x8000004D;
	s8 =	smul.u32 $0x140000, s2  }
0xa: {  	s10 =	ssub.s32 $0x2, s2;
	s16 =	sor.u32 $0x1C09, s14;
	s14 =	simm.s32 $0x3  }
0xb: {  	s9 =	sshrl.u32 s7, $0x3;
	s12 =	sshrl.u32 s10, $0x1;
	[dreg:$0x6] =	wrdreg s16  }
0xc: {  	s9 =	sadd.s32 s9, s0;
	s7 =	sadd.s32 s7, s8;
	s8 =	sor.u32 s2, s25  }
0xd: {  	s26 =	ssub.s32 s10, s12;
	s12 =	sshrl.u32 s11, $0x2;
	s2 =	smul.u32 $0x2710, s2  }
0xe: {  	s7 =	sshrl.u32 s7, $0x3;
	s8 =	smul.u32 $0x2710, s8;
	s10 =	sadd.s32 s12, s3  }
0xf: {  	s9 =	sadd.s32 $0x16400, s9;
	s26 =	smax.u32 s26, $0x1;
	[dreg:$0x4] =	wrdreg s10  }
0x10: {  	s12 =	simm.s32 $0x2;
	s0 =	sadd.s32 s7, s0;
	[dreg:$0x5] =	wrdreg s9  }
0x11: {  	s25 =	sadd.s32 s2, s22;
	[dreg:$0x11] =	wrdreg s26;
	s26 =	simm.s32 $0x400  }
0x12: {  	s2 =	simm.s32 $0x5400;
	s7 =	simm.s32 $0x1;
	s10 =	simm.s32 $0x380  }
0x13: {  	s15 =	sshrl.u32 s8, $0x3;
	s23 =	sadd.s32 $0xF0, s8;
	s24 =	sadd.s32 $0x190, s8  }
0x14: {  	s0 =	sadd.s32 $0x3E400, s0;
	s22 =	sadd.s32 $0xF0, s25;
	s25 =	simm.s32 $0x50  }
0x15: {  	s17 =	sadd.s32 $0xA, s15;
	s18 =	sadd.s32 s5, s15;
	[dreg:$0xd] =	wrdreg s23  }
0x16: {  	s19 =	sadd.s32 s6, s15;
	s21 =	sadd.s32 $0x14, s15;
	[dreg:$0xe] =	wrdreg s24  }
0x17: {  	[dreg:$0x10] =	wrdreg s0;
	s23 =	simm.s32 $0x9;
	s24 =	simm.s32 $0x200  }
0x18: {  	s0 =	simm.s32 $0x300;
	s15 =	simm.s32 $0x4;
	[dreg:$0x7] =	wrdreg s18  }
0x19: {  	[dreg:$0x8] =	wrdreg s19;
	s20 =	sadd.s32 s5, s17;
	s9 =	sadd.s32 s6, s17  }
.Ltmp0:
0x1a: {  	s11 =	sadd.s32 s5, s21;
	[dreg:$0x9] =	wrdreg s20;
	(pc) =	sbr.rel .LBB2_1-.Ltmp0, $4  }
0x1b: {  	s17 =	sadd.s32 $0x140, s8;
	s8 =	sadd.s32 $0x1E0, s8;
	[dreg:$0xa] =	wrdreg s9  }
0x1c: {  	s18 =	simm.s32 $0x0;
	[dreg:$0xb] =	wrdreg s11;
	s9 =	sadd.s32 s6, s21  }
0x1d: {  	[dreg:$0xf] =	wrdreg s8;
	s8 =	simm.s32 $0x180;
	s11 =	simm.s32 $0x7C00  }
0x1e: {  	s20 =	simm.s32 $0x6;
	s21 =	simm.s32 $0x7;
	[dreg:$0xc] =	wrdreg s9  }
.LBB2_4:
0x1f: {  	_ =	swait.ge [sflag:s15], $0x2800  }
0x20: {  	[sflag:s15] =	ssyncset.done $0x0  }
0x21: {  	[sflag:s15] =	ssyncadd.s32 $0xFFFFD800  }
0x22: {  	[spmem:s3] =	stream.indirect.scatter.add.f32 [tilespmem:s11], [sflag:$0x8], $0x80, s10, s25, $0xb8;
	[tilespmem:$0x1E400] =	vst v63  }
0x23: {  	_ =	swait.ge [sflag:s7], $0x2800  }
0x24: {  	[sflag:s7] =	ssyncset.done $0x0  }
0x25: {  	[sflag:s7] =	ssyncadd.s32 $0xFFFFD800  }
0x26: {  	[spmem:s3] =	stream.indirect.scatter.add.f32 [tilespmem:s26], [sflag:$0x5], $0x80, s24, s25, $0xb8;
	[tilespmem:$0x1E400] =	vst v63  }
0x27: {  	_ =	swait.ge [sflag:s20], $0x2800  }
0x28: {  	[sflag:s20] =	ssyncset.done $0x0  }
0x29: {  	[sflag:s20] =	ssyncadd.s32 $0xFFFFD800  }
0x2a: {  	_ =	swait.ge [sflag:s21], $0x2800  }
0x2b: {  	[sflag:s21] =	ssyncset.done $0x0  }
0x2c: {  	s9 =	simm.s32 $0x8;
	[sflag:s21] =	ssyncadd.s32 $0xFFFFD800  }
0x2d: {  	_ =	swait.ge [sflag:s9], $0x2800  }
0x2e: {  	[sflag:s9] =	ssyncset.done $0x0  }
0x2f: {  	[sflag:s9] =	ssyncadd.s32 $0xFFFFD800  }
0x30: {  	_ =	swait.ge [sflag:s13], $0x2800  }
0x31: {  	[sflag:s13] =	ssyncset.done $0x0  }
0x32: {  	[sflag:s13] =	ssyncadd.s32 $0xFFFFD800  }
0x33: {  	[bflag:$0x0] =	sbarrier.arrive $0xFFFF  }
0x34: {  	s16 =	rddreg [dreg:$0x6]  }
0x35: {  	s19 =	rddreg [dreg:$0x10]  }
0x36: {  	s18 =	rddreg [dreg:$0x13]  }
0x37: {  	[hbm:s19], [sflag:s16] =	dma.local [spmem:s18], $0x2800  }
0x38: {  	_ =	swait.ge [sflag:s23], $0x2800  }
0x39: {  	s9 =	rddreg [dreg:$0x12]  }
0x3a: {  	s19 =	rddreg [dreg:$0x11];
	s18 =	sadd.s32 $0x1, s9  }
0x3b: {  	p0 =	sne.s32 s18, s19  }
.Ltmp1:
0x3c: {  	_ = 	snop;
	(pc) =	sbr.rel @!p0 .LBB2_5-.Ltmp1, $3  }
0x3d: {  	_ =	sdelay $0x1  }
0x3e: {  	[sflag:s23] =	ssyncset.done $0x0  }
0x3f: {  	[sflag:s23] =	ssyncadd.s32 $0xFFFFD800  }
.LBB2_1:
0x40: {  	[dreg:$0x12] =	wrdreg s18  }
0x41: {  	s9 =	rddreg [dreg:$0x4]  }
0x42: {  	s19 =	rddreg [dreg:$0x5];
	s9 =	sshrl.u32 s9, $0x3  }
0x43: {  	[dreg:$0x13] =	wrdreg s9  }
0x44: {  	[spmem:s9], [sflag:s16] =	dma.local [hbm:s19], $0x2800  }
0x45: {  	_ =	swait.ge [sflag:s23], $0x2800  }
0x46: {  	[sflag:s23] =	ssyncset.done $0x0  }
0x47: {  	[sflag:s23] =	ssyncadd.s32 $0xFFFFD800  }
0x48: {  	[bflag:$0x0] =	sbarrier.arrive $0xFFFF  }
0x49: {  	s16 =	rddreg [dreg:$0x7]  }
0x4a: {  	[tilespmem:s4], [sflag:$0x9] =	stream.linear.gather [hbm4b:s16+s4], $0x50, $0x38;
	[tilespmem:$0x1E400] =	vst v63  }
0x4b: {  	_ =	swait.ge [sflag:s23], $0x50  }
0x4c: {  	[sflag:s23] =	ssyncset.done $0x0  }
0x4d: {  	s18 =	rddreg [dreg:$0x8];
	[sflag:s23] =	ssyncadd.s32 $0xFFFFFFB0  }
0x4e: {  	[tilespmem:s24], [sflag:$0x9] =	stream.linear.gather [hbm4b:s18+s4], $0x50, $0x38;
	[tilespmem:$0x1E400] =	vst v63  }
0x4f: {  	_ =	swait.ge [sflag:s23], $0x50  }
0x50: {  	[sflag:s23] =	ssyncset.done $0x0  }
0x51: {  	[sflag:s23] =	ssyncadd.s32 $0xFFFFFFB0  }
0x52: {  	[tilespmem:s26], [sflag:$0x1] =	stream.indirect.gather [hbm4b:s1+s25], $0x80, s4, s25, $0xb8;
	[tilespmem:$0x1E400] =	vst v63  }
0x53: {  	s19 =	rddreg [dreg:$0x9]  }
0x54: {  	[tilespmem:s28], [sflag:$0x9] =	stream.linear.gather [hbm4b:s19+s4], $0x50, $0x38;
	[tilespmem:$0x1E400] =	vst v63  }
0x55: {  	_ =	swait.ge [sflag:s23], $0x50  }
0x56: {  	[sflag:s23] =	ssyncset.done $0x0  }
0x57: {  	s16 =	rddreg [dreg:$0xa];
	[sflag:s23] =	ssyncadd.s32 $0xFFFFFFB0  }
0x58: {  	[tilespmem:s29], [sflag:$0x9] =	stream.linear.gather [hbm4b:s16+s4], $0x50, $0x38;
	[tilespmem:$0x1E400] =	vst v63  }
0x59: {  	_ =	swait.ge [sflag:s23], $0x50  }
0x5a: {  	[sflag:s23] =	ssyncset.done $0x0  }
0x5b: {  	[sflag:s23] =	ssyncadd.s32 $0xFFFFFFB0  }
0x5c: {  	[tilespmem:s30], [sflag:$0x2] =	stream.indirect.gather [hbm4b:s1+s25], $0x80, s28, s25, $0xb8;
	[tilespmem:$0x1E400] =	vst v63  }
0x5d: {  	s18 =	rddreg [dreg:$0xb]  }
0x5e: {  	[tilespmem:s31], [sflag:$0x9] =	stream.linear.gather [hbm4b:s18+s4], $0x50, $0x38;
	[tilespmem:$0x1E400] =	vst v63  }
0x5f: {  	_ =	swait.ge [sflag:s23], $0x50  }
0x60: {  	[sflag:s23] =	ssyncset.done $0x0  }
0x61: {  	s19 =	rddreg [dreg:$0xc];
	[sflag:s23] =	ssyncadd.s32 $0xFFFFFFB0  }
0x62: {  	[tilespmem:s0], [sflag:$0x9] =	stream.linear.gather [hbm4b:s19+s4], $0x50, $0x38;
	[tilespmem:$0x1E400] =	vst v63  }
0x63: {  	_ =	swait.ge [sflag:s23], $0x50  }
0x64: {  	[sflag:s23] =	ssyncset.done $0x0  }
0x65: {  	s18 =	simm.s32 $0x0;
	[sflag:s23] =	ssyncadd.s32 $0xFFFFFFB0  }
0x66: {  	[tilespmem:s2], [sflag:$0x3] =	stream.indirect.gather [hbm4b:s1+s25], $0x80, s31, s25, $0xb8;
	[tilespmem:$0x1E400] =	vst v63  }
.LBB2_2:
0x67: {  	_ =	swait.ge [sflag:s7], $0x2800  }
0x68: {  	p0 =	seq.s32 s18, $0x0;
	[sflag:s7] =	ssyncset.done $0x0  }
0x69: {  	s9 =	simm.s32 @!p0 $0x8;
	[sflag:s7] =	ssyncadd.s32 $0xFFFFD800  }
0x6a: {  	[spmem:s3] =	stream.indirect.scatter.add.f32 [tilespmem:s26], [sflag:$0x5], $0x80, s24, s25, $0xb8;
	[tilespmem:$0x1E400] =	vst v63  }
0x6b: {  	_ =	swait.ge @!p0 [sflag:s9], $0x2800  }
0x6c: {  	s19 =	sadd.s32 @!p0 s18, s22;
	s16 =	rddreg [dreg:$0xd]  }
0x6d: {  	s19 =	smov.u32 @p0 s16  }
0x6e: {  	[sflag:s9] =	ssyncset.done @!p0 $0x0;
	s19 =	sshrl.u32 s19, $0x3  }
0x6f: {  	[sflag:s9] =	ssyncadd.s32 @!p0 $0xFFFFD800;
	s16 =	sadd.s32 s5, s19  }
0x70: {  	[tilespmem:s8], [sflag:$0x9] =	stream.linear.gather [hbm4b:s16+s4], $0x50, $0x38;
	[tilespmem:$0x1E400] =	vst v63  }
0x71: {  	_ =	swait.ge [sflag:s23], $0x50  }
0x72: {  	[sflag:s23] =	ssyncset.done $0x0  }
0x73: {  	s19 =	sadd.s32 s6, s19;
	[sflag:s23] =	ssyncadd.s32 $0xFFFFFFB0  }
0x74: {  	[tilespmem:s10], [sflag:$0x9] =	stream.linear.gather [hbm4b:s19+s4], $0x50, $0x38;
	[tilespmem:$0x1E400] =	vst v63  }
0x75: {  	_ =	swait.ge [sflag:s23], $0x50  }
0x76: {  	[sflag:s23] =	ssyncset.done $0x0  }
0x77: {  	[sflag:s23] =	ssyncadd.s32 $0xFFFFFFB0  }
0x78: {  	[tilespmem:s11], [sflag:$0x4] =	stream.indirect.gather [hbm4b:s1+s25], $0x80, s8, s25, $0xb8;
	[tilespmem:$0x1E400] =	vst v63  }
0x79: {  	_ =	swait.ge [sflag:s12], $0x2800  }
0x7a: {  	s9 =	smov.u32 s18;
	[sflag:s12] =	ssyncset.done $0x0  }
0x7b: {  	s9 =	simm.s32 @p0 $0x0;
	[sflag:s12] =	ssyncadd.s32 $0xFFFFD800  }
0x7c: {  	[spmem:s3] =	stream.indirect.scatter.add.f32 [tilespmem:s30], [sflag:$0x6], $0x80, s29, s25, $0xb8;
	[tilespmem:$0x1E400] =	vst v63  }
0x7d: {  	s16 =	sadd.s32 s9, s17;
	_ =	swait.ge [sflag:s13], $0x2800  }
0x7e: {  	s19 =	sshrl.u32 s16, $0x3;
	[sflag:s13] =	ssyncset.done $0x0  }
0x7f: {  	s16 =	sadd.s32 s5, s19;
	[sflag:s13] =	ssyncadd.s32 $0xFFFFD800  }
0x80: {  	[tilespmem:s4], [sflag:$0x9] =	stream.linear.gather [hbm4b:s16+s4], $0x50, $0x38;
	[tilespmem:$0x1E400] =	vst v63  }
0x81: {  	_ =	swait.ge [sflag:s23], $0x50  }
0x82: {  	[sflag:s23] =	ssyncset.done $0x0  }
0x83: {  	s19 =	sadd.s32 s6, s19;
	[sflag:s23] =	ssyncadd.s32 $0xFFFFFFB0  }
0x84: {  	[tilespmem:s24], [sflag:$0x9] =	stream.linear.gather [hbm4b:s19+s4], $0x50, $0x38;
	[tilespmem:$0x1E400] =	vst v63  }
0x85: {  	_ =	swait.ge [sflag:s23], $0x50  }
0x86: {  	[sflag:s23] =	ssyncset.done $0x0  }
0x87: {  	p0 =	seq.s32 s18, $0x2580;
	[sflag:s23] =	ssyncadd.s32 $0xFFFFFFB0  }
0x88: {  	[tilespmem:s26], [sflag:$0x1] =	stream.indirect.gather [hbm4b:s1+s25], $0x80, s4, s25, $0xb8;
	[tilespmem:$0x1E400] =	vst v63  }
.Ltmp2:
0x89: {  	_ = 	snop;
	(pc) =	sbr.rel @p0 .LBB2_4-.Ltmp2, $4  }
0x8a: {  	_ =	swait.ge [sflag:s14], $0x2800  }
0x8b: {  	[sflag:s14] =	ssyncset.done $0x0  }
0x8c: {  	[sflag:s14] =	ssyncadd.s32 $0xFFFFD800  }
0x8d: {  	[spmem:s3] =	stream.indirect.scatter.add.f32 [tilespmem:s2], [sflag:$0x7], $0x80, s0, s25, $0xb8;
	[tilespmem:$0x1E400] =	vst v63  }
0x8e: {  	_ =	swait.ge [sflag:s20], $0x2800  }
0x8f: {  	s16 =	rddreg [dreg:$0xe]  }
0x90: {  	s16 =	sadd.s32 s9, s16  }
0x91: {  	[sflag:s20] =	ssyncset.done $0x0;
	s16 =	sshrl.u32 s16, $0x3  }
0x92: {  	[sflag:s20] =	ssyncadd.s32 $0xFFFFD800;
	s19 =	sadd.s32 s5, s16  }
0x93: {  	[tilespmem:s28], [sflag:$0x9] =	stream.linear.gather [hbm4b:s19+s4], $0x50, $0x38;
	[tilespmem:$0x1E400] =	vst v63  }
0x94: {  	_ =	swait.ge [sflag:s23], $0x50  }
0x95: {  	[sflag:s23] =	ssyncset.done $0x0  }
0x96: {  	s16 =	sadd.s32 s6, s16;
	[sflag:s23] =	ssyncadd.s32 $0xFFFFFFB0  }
0x97: {  	[tilespmem:s29], [sflag:$0x9] =	stream.linear.gather [hbm4b:s16+s4], $0x50, $0x38;
	[tilespmem:$0x1E400] =	vst v63  }
0x98: {  	_ =	swait.ge [sflag:s23], $0x50  }
0x99: {  	[sflag:s23] =	ssyncset.done $0x0  }
0x9a: {  	[sflag:s23] =	ssyncadd.s32 $0xFFFFFFB0  }
0x9b: {  	[tilespmem:s30], [sflag:$0x2] =	stream.indirect.gather [hbm4b:s1+s25], $0x80, s28, s25, $0xb8;
	[tilespmem:$0x1E400] =	vst v63  }
0x9c: {  	_ =	swait.ge [sflag:s15], $0x2800  }
0x9d: {  	[sflag:s15] =	ssyncset.done $0x0  }
0x9e: {  	[sflag:s15] =	ssyncadd.s32 $0xFFFFD800  }
0x9f: {  	[spmem:s3] =	stream.indirect.scatter.add.f32 [tilespmem:s11], [sflag:$0x8], $0x80, s10, s25, $0xb8;
	[tilespmem:$0x1E400] =	vst v63  }
0xa0: {  	_ =	swait.ge [sflag:s21], $0x2800  }
0xa1: {  	s19 =	rddreg [dreg:$0xf]  }
0xa2: {  	s16 =	sadd.s32 s9, s19  }
0xa3: {  	[sflag:s21] =	ssyncset.done $0x0;
	s9 =	sshrl.u32 s16, $0x3  }
0xa4: {  	[sflag:s21] =	ssyncadd.s32 $0xFFFFD800;
	s19 =	sadd.s32 s5, s9  }
0xa5: {  	[tilespmem:s31], [sflag:$0x9] =	stream.linear.gather [hbm4b:s19+s4], $0x50, $0x38;
	[tilespmem:$0x1E400] =	vst v63  }
0xa6: {  	_ =	swait.ge [sflag:s23], $0x50  }
0xa7: {  	[sflag:s23] =	ssyncset.done $0x0  }
0xa8: {  	s9 =	sadd.s32 s6, s9;
	[sflag:s23] =	ssyncadd.s32 $0xFFFFFFB0  }
0xa9: {  	[tilespmem:s0], [sflag:$0x9] =	stream.linear.gather [hbm4b:s9+s4], $0x50, $0x38;
	[tilespmem:$0x1E400] =	vst v63  }
.Ltmp3:
0xaa: {  	_ = 	snop;
	(pc) =	sbr.rel .LBB2_2-.Ltmp3, $4  }
0xab: {  	_ =	swait.ge [sflag:s23], $0x50  }
0xac: {  	[sflag:s23] =	ssyncset.done $0x0  }
0xad: {  	s18 =	sadd.s32 $0x140, s18;
	[sflag:s23] =	ssyncadd.s32 $0xFFFFFFB0  }
0xae: {  	[tilespmem:s2], [sflag:$0x3] =	stream.indirect.gather [hbm4b:s1+s25], $0x80, s31, s25, $0xb8;
	[tilespmem:$0x1E400] =	vst v63  }
.LBB2_5:
0xaf: {  	_ =	sfence.sel $0x180000  }
0xb0: {  	[bflag:$0x0] =	sbarrier.arrive $0xFFFF  }
0xb1: {  	_ =	strace $0x9000004D  }
0xb2: {  	s0 =	stileid.u32;
	[bflag:$0x2] =	sbarrier.arrive $0xFFFF  }
0xb3: {  	p0 =	sne.s32 s0, $0x0;
	s0 =	rddreg [dreg:$0x3]  }
0xb4: {  	s0 =	sadd.s32 @!p0 $0x100000, s0  }
0xb5: {  	[sflag:s0] =	ssyncadd.tile.s32 @!p0 $0x1;
	_ =	shalt  }
.Lfunc_end2:
_tile_overlayer_lowered:
.L_overlay_start_2:
0xb6: {  	(tag) =	ssettag $0x2  }
0xb7: {  	s0 =	rddreg [dreg:$0x0];
	s2 =	stileid.u32  }
0xb8: {  	s1 =	rddreg [dreg:$0x1];
	p0 =	sne.s32 s2, $0x0  }
0xb9: {  	s3 =	rddreg [dreg:$0x2];
	[bflag:$0x3] =	sbarrier.arrive $0xFFFF;
	s2 =	simm.s32 @!p0 $0x1C09  }
0xba: {  	[timem:s3], [sflag:s2] =	dma.local @!p0 [hbm:s0], s1  }
0xbb: {  	s0 =	simm.s32 @!p0 $0x9  }
0xbc: {  	_ =	swait.ge @!p0 [sflag:s0], s1  }
0xbd: {  	s1 =	ssub.s32 @!p0 $0x0, s1;
	[sflag:s0] =	ssyncset.done @!p0 $0x0  }
0xbe: {  	[sflag:s0] =	ssyncadd.s32 @!p0 s1  }
0xbf: {  	[bflag:$0x3] =	sbarrier.arrive $0xFFFF  }
0xc0: {  	_ =	shalt  }

</sc_bundles>
